<compile_context>
chip_gen: v7x
topology: tpu7x:2x2x1
jax: 0.10.2.dev20260603
libtpu: 0.0.44.dev20260713+nightly
codegen_flags: <defaults>
</compile_context>

<pallas_src>
import functools

import jax
import jax.numpy as jnp
from jax import lax
from jax.experimental import pallas as pl
from jax.experimental.pallas import tpu as pltpu
from jax.experimental.pallas import tpu_sc as plsc

NC = 2
NS = 16
NW = NC * NS
B = 128
L = 16
ZC = 80
TB = 128

_mesh = plsc.VectorSubcoreMesh(core_axis_name="core", subcore_axis_name="subcore")


def _zero_rows(buf, nrows, width):
    @pl.loop(0, nrows)
    def _(i):
        for k in range(width // L):
            buf[i, pl.ds(k * L, L)] = jnp.zeros((L,), jnp.float32)


def _sc_degree(dst_r, NP, CH, F):

    @functools.partial(
        pl.kernel,
        out_type=jax.ShapeDtypeStruct((NC, NP, F), jnp.float32),
        mesh=_mesh,
        scratch_types=[
            pltpu.VMEM((CH, B), jnp.int32),
            pltpu.VMEM((B, F), jnp.float32),
            pltpu.VMEM_SHARED((NP, F), jnp.float32),
            pltpu.SemaphoreType.DMA,
            pltpu.SemaphoreType.DMA,
        ],
    )
    def deg_kernel(dst_hbm, out_hbm, idx_v, buf_v, acc_sh, sem_a, sem_b):
        cid = lax.axis_index("core")
        sid = lax.axis_index("subcore")
        wid = cid * NS + sid
        rows_per_tile = NP // NS
        zchunks = rows_per_tile // ZC

        pltpu.sync_copy(dst_hbm.at[wid], idx_v)

        _zero_rows(buf_v, ZC, F)
        @pl.loop(0, zchunks)
        def _(j):
            pltpu.sync_copy(buf_v.at[pl.ds(0, ZC)],
                            acc_sh.at[pl.ds(sid * rows_per_tile + j * ZC, ZC)])
        plsc.subcore_barrier()

        @pl.loop(0, B)
        def _(i):
            for k in range(F // L):
                buf_v[i, pl.ds(k * L, L)] = jnp.ones((L,), jnp.float32)

        pltpu.async_copy(buf_v, acc_sh.at[idx_v.at[0]], sem_a, add=True)
        pltpu.async_copy(buf_v, acc_sh.at[idx_v.at[1]], sem_b, add=True)

        @pl.loop(2, CH, step=2)
        def _(j):
            pltpu.make_async_copy(buf_v, acc_sh.at[idx_v.at[j - 2]], sem_a).wait()
            pltpu.async_copy(buf_v, acc_sh.at[idx_v.at[j]], sem_a, add=True)
            pltpu.make_async_copy(buf_v, acc_sh.at[idx_v.at[j - 1]], sem_b).wait()
            pltpu.async_copy(buf_v, acc_sh.at[idx_v.at[j + 1]], sem_b, add=True)

        pltpu.make_async_copy(buf_v, acc_sh.at[idx_v.at[CH - 2]], sem_a).wait()
        pltpu.make_async_copy(buf_v, acc_sh.at[idx_v.at[CH - 1]], sem_b).wait()
        plsc.subcore_barrier()

        @pl.loop(0, zchunks)
        def _(j):
            base = sid * rows_per_tile + j * ZC
            pltpu.sync_copy(acc_sh.at[pl.ds(base, ZC)], buf_v.at[pl.ds(0, ZC)])
            pltpu.sync_copy(buf_v.at[pl.ds(0, ZC)],
                            out_hbm.at[cid].at[pl.ds(base, ZC)])

    return deg_kernel(dst_r)


def _sc_aggregate(h, src_r, dst_r, NP, CH, F):

    @functools.partial(
        pl.kernel,
        out_type=jax.ShapeDtypeStruct((NC, NP, F), jnp.float32),
        mesh=_mesh,
        scratch_types=[
            pltpu.VMEM((B,), jnp.int32),
            pltpu.VMEM((B,), jnp.int32),
            pltpu.VMEM((CH, B), jnp.int32),
            pltpu.VMEM((B, F), jnp.float32),
            pltpu.VMEM((B, F), jnp.float32),
            pltpu.VMEM_SHARED((NP, F), jnp.float32),
            pltpu.SemaphoreType.DMA,
            pltpu.SemaphoreType.DMA,
            pltpu.SemaphoreType.DMA,
            pltpu.SemaphoreType.DMA,
            pltpu.SemaphoreType.DMA,
            pltpu.SemaphoreType.DMA,
        ],
    )
    def agg_kernel(h_hbm, src_hbm, dst_hbm, out_hbm, ra, rb, didx, g0, g1,
                   acc_sh, sg0, sg1, ss0, ss1, ia, ib):
        cid = lax.axis_index("core")
        sid = lax.axis_index("subcore")
        wid = cid * NS + sid
        rows_per_tile = NP // NS
        zchunks = rows_per_tile // ZC

        pltpu.sync_copy(dst_hbm.at[wid], didx)

        _zero_rows(g0, ZC, F)
        @pl.loop(0, zchunks)
        def _(j):
            pltpu.sync_copy(g0.at[pl.ds(0, ZC)],
                            acc_sh.at[pl.ds(sid * rows_per_tile + j * ZC, ZC)])
        plsc.subcore_barrier()

        pltpu.sync_copy(src_hbm.at[wid].at[0], ra)
        pltpu.sync_copy(src_hbm.at[wid].at[1], rb)
        pltpu.async_copy(h_hbm.at[ra], g0, sg0)
        pltpu.async_copy(h_hbm.at[rb], g1, sg1)

        @pl.loop(0, CH, step=2)
        def _(j):
            pltpu.make_async_copy(h_hbm.at[ra], g0, sg0).wait()

            @pl.when(j + 2 < CH)
            def _():
                pltpu.async_copy(src_hbm.at[wid].at[j + 2], ra, ia)
            pltpu.async_copy(g0, acc_sh.at[didx.at[j]], ss0, add=True)

            pltpu.make_async_copy(h_hbm.at[rb], g1, sg1).wait()

            @pl.when(j + 2 < CH)
            def _():
                pltpu.async_copy(src_hbm.at[wid].at[j + 3], rb, ib)
            pltpu.async_copy(g1, acc_sh.at[didx.at[j + 1]], ss1, add=True)

            @pl.when(j + 2 < CH)
            def _():
                pltpu.make_async_copy(g0, acc_sh.at[didx.at[j]], ss0).wait()
                pltpu.make_async_copy(src_hbm.at[wid].at[j + 2], ra, ia).wait()
                pltpu.async_copy(h_hbm.at[ra], g0, sg0)
                pltpu.make_async_copy(g1, acc_sh.at[didx.at[j + 1]], ss1).wait()
                pltpu.make_async_copy(src_hbm.at[wid].at[j + 3], rb, ib).wait()
                pltpu.async_copy(h_hbm.at[rb], g1, sg1)

        pltpu.make_async_copy(g0, acc_sh.at[didx.at[CH - 2]], ss0).wait()
        pltpu.make_async_copy(g1, acc_sh.at[didx.at[CH - 1]], ss1).wait()
        plsc.subcore_barrier()

        @pl.loop(0, zchunks)
        def _(j):
            base = sid * rows_per_tile + j * ZC
            pltpu.sync_copy(acc_sh.at[pl.ds(base, ZC)], g0.at[pl.ds(0, ZC)])
            pltpu.sync_copy(g0.at[pl.ds(0, ZC)],
                            out_hbm.at[cid].at[pl.ds(base, ZC)])

    return agg_kernel(h, src_r, dst_r)


def _tc_first(x, W1, degp, grid_n):
    N, F = x.shape

    def body(x_ref, w_ref, d_ref, h_ref, dinv_ref):
        deg = d_ref[0, :, 0] + d_ref[1, :, 0] + 1.0
        dinv = lax.rsqrt(deg)
        h = jnp.dot(x_ref[...], w_ref[...], preferred_element_type=jnp.float32)
        h_ref[...] = h * dinv[:, None]
        dinv_ref[...] = dinv

    return pl.pallas_call(
        body,
        grid=(grid_n,),
        in_specs=[
            pl.BlockSpec((TB, F), lambda i: (i, 0)),
            pl.BlockSpec((F, F), lambda i: (0, 0)),
            pl.BlockSpec((NC, TB, F), lambda i: (0, i, 0)),
        ],
        out_specs=[
            pl.BlockSpec((TB, F), lambda i: (i, 0)),
            pl.BlockSpec((TB,), lambda i: (i,)),
        ],
        out_shape=[
            jax.ShapeDtypeStruct((N, F), jnp.float32),
            jax.ShapeDtypeStruct((N,), jnp.float32),
        ],
    )(x, W1, degp)


def _tc_mid(aggp, h1s, dinv, b1, W2, grid_n):
    N, F = h1s.shape

    def body(p_ref, h_ref, dinv_ref, b_ref, w_ref, o_ref):
        agg = p_ref[0] + p_ref[1]
        dinv = dinv_ref[...]
        u = jnp.maximum(dinv[:, None] * (agg + h_ref[...]) + b_ref[...], 0.0)
        h2 = jnp.dot(u, w_ref[...], preferred_element_type=jnp.float32)
        o_ref[...] = h2 * dinv[:, None]

    return pl.pallas_call(
        body,
        grid=(grid_n,),
        in_specs=[
            pl.BlockSpec((NC, TB, F), lambda i: (0, i, 0)),
            pl.BlockSpec((TB, F), lambda i: (i, 0)),
            pl.BlockSpec((TB,), lambda i: (i,)),
            pl.BlockSpec((F,), lambda i: (0,)),
            pl.BlockSpec((F, F), lambda i: (0, 0)),
        ],
        out_specs=pl.BlockSpec((TB, F), lambda i: (i, 0)),
        out_shape=jax.ShapeDtypeStruct((N, F), jnp.float32),
    )(aggp, h1s, dinv, b1, W2)


def _tc_last(aggp, h2s, dinv, b2, grid_n):
    N, F = h2s.shape

    def body(p_ref, h_ref, dinv_ref, b_ref, o_ref):
        agg = p_ref[0] + p_ref[1]
        dinv = dinv_ref[...]
        o_ref[...] = dinv[:, None] * (agg + h_ref[...]) + b_ref[...]

    return pl.pallas_call(
        body,
        grid=(grid_n,),
        in_specs=[
            pl.BlockSpec((NC, TB, F), lambda i: (0, i, 0)),
            pl.BlockSpec((TB, F), lambda i: (i, 0)),
            pl.BlockSpec((TB,), lambda i: (i,)),
            pl.BlockSpec((F,), lambda i: (0,)),
        ],
        out_specs=pl.BlockSpec((TB, F), lambda i: (i, 0)),
        out_shape=jax.ShapeDtypeStruct((N, F), jnp.float32),
    )(aggp, h2s, dinv, b2)


def kernel(x, ei, W1, b1, W2, b2):
    N, F = x.shape
    E = ei.shape[1]

    epw = -(-E // NW)
    CH = -(-epw // B)
    CH += CH % 2
    E_pad = NW * CH * B
    NP = -(-(N + 1) // (NS * ZC)) * (NS * ZC)
    grid_n = -(-N // TB)

    src = jnp.concatenate(
        [ei[0], jnp.zeros((E_pad - E,), ei.dtype)]).reshape(NW, CH, B)
    dst = jnp.concatenate(
        [ei[1], jnp.full((E_pad - E,), N, ei.dtype)]).reshape(NW, CH, B)

    degp = _sc_degree(dst, NP, CH, F)
    h1s, dinv = _tc_first(x, W1, degp, grid_n)
    agg1 = _sc_aggregate(h1s, src, dst, NP, CH, F)
    h2s = _tc_mid(agg1, h1s, dinv, b1, W2, grid_n)
    agg2 = _sc_aggregate(h2s, src, dst, NP, CH, F)
    return _tc_last(agg2, h2s, dinv, b2, grid_n)

# --- scband reference (transcript-rebuilt; emitter-appended) ---
"""Pipeline reference for scband-gcn-38869454028884 (READ-ONLY COPY).

The authoritative reference and input builder live on the scoring server;
editing this copy changes nothing except your own understanding.
"""

import jax, jax.numpy as jnp
import numpy as np


def _gcn_conv(x, src, dst, W, b, N):
    # symmetric normalization with self-loops already included in src/dst
    deg = jnp.zeros((N,), x.dtype).at[dst].add(1.0)
    dinv = jnp.where(deg > 0, deg ** -0.5, 0.0)
    norm = dinv[src] * dinv[dst]
    h = x @ W
    msg = h[src] * norm[:, None]
    out = jnp.zeros((N, W.shape[1]), x.dtype).at[dst].add(msg)
    return out + b


def setup_inputs(seed: int = 0) -> dict:
    key = jax.random.key(seed)
    ks = jax.random.split(key, 8)
    N, E = 10000, 320000
    F_in, F_hid, F_out = 128, 128, 128
    x = jax.random.normal(ks[0], (N, F_in), dtype=jnp.float32)
    ei = jax.random.randint(ks[1], (2, E), 0, N, dtype=jnp.int32)

    def glorot(k, fi, fo):
        lim = (6.0 / (fi + fo)) ** 0.5
        return jax.random.uniform(k, (fi, fo), jnp.float32, -lim, lim)

    W1 = glorot(ks[2], F_in, F_hid)
    b1 = jnp.zeros((F_hid,), jnp.float32)
    W2 = glorot(ks[3], F_hid, F_out)
    b2 = jnp.zeros((F_out,), jnp.float32)
    return {"x": x, "ei": ei, "W1": W1, "b1": b1, "W2": W2, "b2": b2}


def reference(x, ei, W1, b1, W2, b2):
    N = x.shape[0]
    loop = jnp.arange(N, dtype=ei.dtype)
    src = jnp.concatenate([ei[0], loop])
    dst = jnp.concatenate([ei[1], loop])
    h = _gcn_conv(x, src, dst, W1, b1, N)
    h = jax.nn.relu(h)
    # F.dropout with training=False (eval mode) is identity
    return _gcn_conv(h, src, dst, W2, b2, N)

if __name__ == "__main__":
    import jax
    _d = setup_inputs()
    print(jax.jit(kernel)(*tuple(_d.values())))

</pallas_src>

<mosaic_0001>
#map = affine_map<(d0, d1) -> (0, 0)>
#map1 = affine_map<(d0, d1) -> (0, 0, 0)>
module attributes {stable_mosaic.version = 14 : i64} {
  func.func @agg_kernel(%arg0: i32, %arg1: i32, %arg2: memref<10000x128xf32, #tpu.memory_space<hbm>>, %arg3: memref<32x80x128xi32, #tpu.memory_space<hbm>>, %arg4: memref<32x80x128xi32, #tpu.memory_space<hbm>>, %arg5: memref<2x10240x128xf32, #tpu.memory_space<hbm>>, %arg6: memref<128xi32, #tpu.memory_space<vmem>>, %arg7: memref<128xi32, #tpu.memory_space<vmem>>, %arg8: memref<80x128xi32, #tpu.memory_space<vmem>>, %arg9: memref<128x128xf32, #tpu.memory_space<vmem>>, %arg10: memref<128x128xf32, #tpu.memory_space<vmem>>, %arg11: memref<10240x128xf32, #tpu.memory_space<vmem_shared>>, %arg12: memref<!tpu.dma_semaphore, #tpu.memory_space<semaphore_mem>>, %arg13: memref<!tpu.dma_semaphore, #tpu.memory_space<semaphore_mem>>, %arg14: memref<!tpu.dma_semaphore, #tpu.memory_space<semaphore_mem>>, %arg15: memref<!tpu.dma_semaphore, #tpu.memory_space<semaphore_mem>>, %arg16: memref<!tpu.dma_semaphore, #tpu.memory_space<semaphore_mem>>, %arg17: memref<!tpu.dma_semaphore, #tpu.memory_space<semaphore_mem>>) attributes {dimension_semantics = [#tpu.dimension_semantics<core_parallel>, #tpu.dimension_semantics<subcore_parallel>], iteration_bounds = array<i64: 2, 16>, scalar_prefetch = 0 : i64, scratch_operands = 12 : i64, tpu.core_type = #tpu.core_type<sc_vector_subcore>, window_params = [{transform_indices = #map}, {transform_indices = #map1}, {transform_indices = #map1}, {transform_indices = #map1}]} {
    %mul3A = arith.constant 16 : i32
    %mul3A_0 = arith.muli %arg0, %mul3A : i32
    %add3A = arith.addi %mul3A_0, %arg1 : i32
    "tpu.region"() ({
      %run_scoped3A_40 = tpu.sem_alloc : memref<!tpu.dma_semaphore, #tpu.memory_space<semaphore_mem>>
      %dma_start3A_41 = arith.constant 0 : i32
      %dma_start3A_42 = arith.constant 0 : i32
      %dma_start3A_43 = tpu.memref_slice %arg4[%add3A, %dma_start3A_41, %dma_start3A_42] : memref<32x80x128xi32, #tpu.memory_space<hbm>> -> memref<1x80x128xi32, #tpu.memory_space<hbm>>
      %dma_start3A_44 = tpu.memref_squeeze %dma_start3A_43 : memref<1x80x128xi32, #tpu.memory_space<hbm>> -> memref<80x128xi32, #tpu.memory_space<hbm>>
      %dma_start3A_45 = arith.constant 0 : i32
      %dma_start3A_46 = arith.constant 0 : i32
      %dma_start3A_47 = tpu.memref_slice %arg4[%add3A, %dma_start3A_45, %dma_start3A_46] : memref<32x80x128xi32, #tpu.memory_space<hbm>> -> memref<1x80x128xi32, #tpu.memory_space<hbm>>
      %dma_start3A_48 = tpu.memref_squeeze %dma_start3A_47 : memref<1x80x128xi32, #tpu.memory_space<hbm>> -> memref<80x128xi32, #tpu.memory_space<hbm>>
      tpu.enqueue_dma source(%dma_start3A_48 : memref<80x128xi32, #tpu.memory_space<hbm>>) target(%arg8 : memref<80x128xi32, #tpu.memory_space<vmem>>) target_semaphore(%run_scoped3A_40 : memref<!tpu.dma_semaphore, #tpu.memory_space<semaphore_mem>>)
      %dma_wait3A_49 = arith.constant 0 : i32
      %dma_wait3A_50 = arith.constant 0 : i32
      %dma_wait3A_51 = tpu.memref_slice %arg4[%add3A, %dma_wait3A_49, %dma_wait3A_50] : memref<32x80x128xi32, #tpu.memory_space<hbm>> -> memref<1x80x128xi32, #tpu.memory_space<hbm>>
      %dma_wait3A_52 = tpu.memref_squeeze %dma_wait3A_51 : memref<1x80x128xi32, #tpu.memory_space<hbm>> -> memref<80x128xi32, #tpu.memory_space<hbm>>
      %dma_wait3A_53 = arith.constant 0 : i32
      %dma_wait3A_54 = arith.constant 0 : i32
      %dma_wait3A_55 = tpu.memref_slice %arg4[%add3A, %dma_wait3A_53, %dma_wait3A_54] : memref<32x80x128xi32, #tpu.memory_space<hbm>> -> memref<1x80x128xi32, #tpu.memory_space<hbm>>
      %dma_wait3A_56 = tpu.memref_squeeze %dma_wait3A_55 : memref<1x80x128xi32, #tpu.memory_space<hbm>> -> memref<80x128xi32, #tpu.memory_space<hbm>>
      tpu.wait_dma2 semaphore(%run_scoped3A_40 : memref<!tpu.dma_semaphore, #tpu.memory_space<semaphore_mem>>) src(%dma_wait3A_56 : memref<80x128xi32, #tpu.memory_space<hbm>>) dst(%arg8 : memref<80x128xi32, #tpu.memory_space<vmem>>)
      tpu.yield
    }) : () -> ()
    %scan3A = arith.constant 0 : i32
    %scan3A_1 = arith.constant 80 : i32
    %scan3A_2 = arith.addi %scan3A, %scan3A_1 : i32
    %scan3A_3 = arith.constant 1 : i32
    scf.for %scan3A_40 = %scan3A to %scan3A_2 step %scan3A_3  : i32 {
      %mul3A_41 = arith.constant 1 : i32
      %mul3A_42 = arith.muli %scan3A_40, %mul3A_41 : i32
      %add3A_43 = arith.constant 0 : i32
      %add3A_44 = arith.addi %add3A_43, %mul3A_42 : i32
      %broadcast_in_dim3A = arith.constant 0.000000e+00 : f32
      %broadcast_in_dim3A_45 = vector.broadcast %broadcast_in_dim3A : f32 to vector<16xf32>
      %swap3A = arith.index_cast %add3A_44 : i32 to index
      %swap3A_46 = arith.constant 0 : index
      %swap3A_47 = tpu.vector_load %arg9[%swap3A, %swap3A_46] {strides = array<i32>} : memref<128x128xf32, #tpu.memory_space<vmem>>, vector<1x16xf32>,
      %swap3A_48 = vector.shape_cast %swap3A_47 : vector<1x16xf32> to vector<16xf32>
      %swap3A_49 = vector.shape_cast %broadcast_in_dim3A_45 : vector<16xf32> to vector<1x16xf32>
      tpu.vector_store %arg9[%swap3A, %swap3A_46], %swap3A_49 {strides = array<i32>} : memref<128x128xf32, #tpu.memory_space<vmem>>, vector<1x16xf32>,
      %broadcast_in_dim3A_50 = arith.constant 0.000000e+00 : f32
      %broadcast_in_dim3A_51 = vector.broadcast %broadcast_in_dim3A_50 : f32 to vector<16xf32>
      %swap3A_52 = arith.index_cast %add3A_44 : i32 to index
      %swap3A_53 = arith.constant 16 : index
      %swap3A_54 = tpu.vector_load %arg9[%swap3A_52, %swap3A_53] {strides = array<i32>} : memref<128x128xf32, #tpu.memory_space<vmem>>, vector<1x16xf32>,
      %swap3A_55 = vector.shape_cast %swap3A_54 : vector<1x16xf32> to vector<16xf32>
      %swap3A_56 = vector.shape_cast %broadcast_in_dim3A_51 : vector<16xf32> to vector<1x16xf32>
      tpu.vector_store %arg9[%swap3A_52, %swap3A_53], %swap3A_56 {strides = array<i32>} : memref<128x128xf32, #tpu.memory_space<vmem>>, vector<1x16xf32>,
      %broadcast_in_dim3A_57 = arith.constant 0.000000e+00 : f32
      %broadcast_in_dim3A_58 = vector.broadcast %broadcast_in_dim3A_57 : f32 to vector<16xf32>
      %swap3A_59 = arith.index_cast %add3A_44 : i32 to index
      %swap3A_60 = arith.constant 32 : index
      %swap3A_61 = tpu.vector_load %arg9[%swap3A_59, %swap3A_60] {strides = array<i32>} : memref<128x128xf32, #tpu.memory_space<vmem>>, vector<1x16xf32>,
      %swap3A_62 = vector.shape_cast %swap3A_61 : vector<1x16xf32> to vector<16xf32>
      %swap3A_63 = vector.shape_cast %broadcast_in_dim3A_58 : vector<16xf32> to vector<1x16xf32>
      tpu.vector_store %arg9[%swap3A_59, %swap3A_60], %swap3A_63 {strides = array<i32>} : memref<128x128xf32, #tpu.memory_space<vmem>>, vector<1x16xf32>,
      %broadcast_in_dim3A_64 = arith.constant 0.000000e+00 : f32
      %broadcast_in_dim3A_65 = vector.broadcast %broadcast_in_dim3A_64 : f32 to vector<16xf32>
      %swap3A_66 = arith.index_cast %add3A_44 : i32 to index
      %swap3A_67 = arith.constant 48 : index
      %swap3A_68 = tpu.vector_load %arg9[%swap3A_66, %swap3A_67] {strides = array<i32>} : memref<128x128xf32, #tpu.memory_space<vmem>>, vector<1x16xf32>,
      %swap3A_69 = vector.shape_cast %swap3A_68 : vector<1x16xf32> to vector<16xf32>
      %swap3A_70 = vector.shape_cast %broadcast_in_dim3A_65 : vector<16xf32> to vector<1x16xf32>
      tpu.vector_store %arg9[%swap3A_66, %swap3A_67], %swap3A_70 {strides = array<i32>} : memref<128x128xf32, #tpu.memory_space<vmem>>, vector<1x16xf32>,
      %broadcast_in_dim3A_71 = arith.constant 0.000000e+00 : f32
      %broadcast_in_dim3A_72 = vector.broadcast %broadcast_in_dim3A_71 : f32 to vector<16xf32>
      %swap3A_73 = arith.index_cast %add3A_44 : i32 to index
      %swap3A_74 = arith.constant 64 : index
      %swap3A_75 = tpu.vector_load %arg9[%swap3A_73, %swap3A_74] {strides = array<i32>} : memref<128x128xf32, #tpu.memory_space<vmem>>, vector<1x16xf32>,
      %swap3A_76 = vector.shape_cast %swap3A_75 : vector<1x16xf32> to vector<16xf32>
      %swap3A_77 = vector.shape_cast %broadcast_in_dim3A_72 : vector<16xf32> to vector<1x16xf32>
      tpu.vector_store %arg9[%swap3A_73, %swap3A_74], %swap3A_77 {strides = array<i32>} : memref<128x128xf32, #tpu.memory_space<vmem>>, vector<1x16xf32>,
      %broadcast_in_dim3A_78 = arith.constant 0.000000e+00 : f32
      %broadcast_in_dim3A_79 = vector.broadcast %broadcast_in_dim3A_78 : f32 to vector<16xf32>
      %swap3A_80 = arith.index_cast %add3A_44 : i32 to index
      %swap3A_81 = arith.constant 80 : index
      %swap3A_82 = tpu.vector_load %arg9[%swap3A_80, %swap3A_81] {strides = array<i32>} : memref<128x128xf32, #tpu.memory_space<vmem>>, vector<1x16xf32>,
      %swap3A_83 = vector.shape_cast %swap3A_82 : vector<1x16xf32> to vector<16xf32>
      %swap3A_84 = vector.shape_cast %broadcast_in_dim3A_79 : vector<16xf32> to vector<1x16xf32>
      tpu.vector_store %arg9[%swap3A_80, %swap3A_81], %swap3A_84 {strides = array<i32>} : memref<128x128xf32, #tpu.memory_space<vmem>>, vector<1x16xf32>,
      %broadcast_in_dim3A_85 = arith.constant 0.000000e+00 : f32
      %broadcast_in_dim3A_86 = vector.broadcast %broadcast_in_dim3A_85 : f32 to vector<16xf32>
      %swap3A_87 = arith.index_cast %add3A_44 : i32 to index
      %swap3A_88 = arith.constant 96 : index
      %swap3A_89 = tpu.vector_load %arg9[%swap3A_87, %swap3A_88] {strides = array<i32>} : memref<128x128xf32, #tpu.memory_space<vmem>>, vector<1x16xf32>,
      %swap3A_90 = vector.shape_cast %swap3A_89 : vector<1x16xf32> to vector<16xf32>
      %swap3A_91 = vector.shape_cast %broadcast_in_dim3A_86 : vector<16xf32> to vector<1x16xf32>
      tpu.vector_store %arg9[%swap3A_87, %swap3A_88], %swap3A_91 {strides = array<i32>} : memref<128x128xf32, #tpu.memory_space<vmem>>, vector<1x16xf32>,
      %broadcast_in_dim3A_92 = arith.constant 0.000000e+00 : f32
      %broadcast_in_dim3A_93 = vector.broadcast %broadcast_in_dim3A_92 : f32 to vector<16xf32>
      %swap3A_94 = arith.index_cast %add3A_44 : i32 to index
      %swap3A_95 = arith.constant 112 : index
      %swap3A_96 = tpu.vector_load %arg9[%swap3A_94, %swap3A_95] {strides = array<i32>} : memref<128x128xf32, #tpu.memory_space<vmem>>, vector<1x16xf32>,
      %swap3A_97 = vector.shape_cast %swap3A_96 : vector<1x16xf32> to vector<16xf32>
      %swap3A_98 = vector.shape_cast %broadcast_in_dim3A_93 : vector<16xf32> to vector<1x16xf32>
      tpu.vector_store %arg9[%swap3A_94, %swap3A_95], %swap3A_98 {strides = array<i32>} : memref<128x128xf32, #tpu.memory_space<vmem>>, vector<1x16xf32>,
    }
    %scan3A_4 = arith.constant 80 : i32
    %scan3A_5 = arith.constant 0 : i32
    %scan3A_6 = arith.constant 8 : i32
    %scan3A_7 = arith.addi %scan3A_5, %scan3A_6 : i32
    %scan3A_8 = arith.constant 1 : i32
    scf.for %scan3A_40 = %scan3A_5 to %scan3A_7 step %scan3A_8  : i32 {
      %mul3A_41 = arith.constant 1 : i32
      %mul3A_42 = arith.muli %scan3A_40, %mul3A_41 : i32
      %add3A_43 = arith.constant 0 : i32
      %add3A_44 = arith.addi %add3A_43, %mul3A_42 : i32
      %mul3A_45 = arith.constant 640 : i32
      %mul3A_46 = arith.muli %arg1, %mul3A_45 : i32
      %mul3A_47 = arith.constant 80 : i32
      %mul3A_48 = arith.muli %add3A_44, %mul3A_47 : i32
      %add3A_49 = arith.addi %mul3A_46, %mul3A_48 : i32
      "tpu.region"() ({
        %run_scoped3A_50 = tpu.sem_alloc : memref<!tpu.dma_semaphore, #tpu.memory_space<semaphore_mem>>
        %dma_start3A_51 = arith.constant 0 : i32
        %dma_start3A_52 = arith.constant 0 : i32
        %dma_start3A_53 = tpu.memref_slice %arg9[%dma_start3A_51, %dma_start3A_52] : memref<128x128xf32, #tpu.memory_space<vmem>> -> memref<80x128xf32, #tpu.memory_space<vmem>>
        %dma_start3A_54 = arith.constant 0 : i32
        %dma_start3A_55 = tpu.memref_slice %arg11[%add3A_49, %dma_start3A_54] : memref<10240x128xf32, #tpu.memory_space<vmem_shared>> -> memref<80x128xf32, #tpu.memory_space<vmem_shared>>
        %dma_start3A_56 = arith.constant 0 : i32
        %dma_start3A_57 = tpu.memref_slice %arg11[%add3A_49, %dma_start3A_56] : memref<10240x128xf32, #tpu.memory_space<vmem_shared>> -> memref<80x128xf32, #tpu.memory_space<vmem_shared>>
        %dma_start3A_58 = arith.constant 0 : i32
        %dma_start3A_59 = arith.constant 0 : i32
        %dma_start3A_60 = tpu.memref_slice %arg9[%dma_start3A_58, %dma_start3A_59] : memref<128x128xf32, #tpu.memory_space<vmem>> -> memref<80x128xf32, #tpu.memory_space<vmem>>
        tpu.enqueue_dma source(%dma_start3A_60 : memref<80x128xf32, #tpu.memory_space<vmem>>) target(%dma_start3A_57 : memref<80x128xf32, #tpu.memory_space<vmem_shared>>) target_semaphore(%run_scoped3A_50 : memref<!tpu.dma_semaphore, #tpu.memory_space<semaphore_mem>>)
        %dma_wait3A_61 = arith.constant 0 : i32
        %dma_wait3A_62 = arith.constant 0 : i32
        %dma_wait3A_63 = tpu.memref_slice %arg9[%dma_wait3A_61, %dma_wait3A_62] : memref<128x128xf32, #tpu.memory_space<vmem>> -> memref<80x128xf32, #tpu.memory_space<vmem>>
        %dma_wait3A_64 = arith.constant 0 : i32
        %dma_wait3A_65 = tpu.memref_slice %arg11[%add3A_49, %dma_wait3A_64] : memref<10240x128xf32, #tpu.memory_space<vmem_shared>> -> memref<80x128xf32, #tpu.memory_space<vmem_shared>>
        %dma_wait3A_66 = arith.constant 0 : i32
        %dma_wait3A_67 = tpu.memref_slice %arg11[%add3A_49, %dma_wait3A_66] : memref<10240x128xf32, #tpu.memory_space<vmem_shared>> -> memref<80x128xf32, #tpu.memory_space<vmem_shared>>
        %dma_wait3A_68 = arith.constant 0 : i32
        %dma_wait3A_69 = arith.constant 0 : i32
        %dma_wait3A_70 = tpu.memref_slice %arg9[%dma_wait3A_68, %dma_wait3A_69] : memref<128x128xf32, #tpu.memory_space<vmem>> -> memref<80x128xf32, #tpu.memory_space<vmem>>
        tpu.wait_dma2 semaphore(%run_scoped3A_50 : memref<!tpu.dma_semaphore, #tpu.memory_space<semaphore_mem>>) src(%dma_wait3A_70 : memref<80x128xf32, #tpu.memory_space<vmem>>) dst(%dma_wait3A_67 : memref<80x128xf32, #tpu.memory_space<vmem_shared>>)
        tpu.yield
      }) : () -> ()
    }
    %scan3A_9 = arith.constant 8 : i32
    %barrier3A = arith.constant 0 : index
    tpu.barrier barrier_id(%barrier3A)
    %run_scoped3A = arith.constant 0 : i32
    "tpu.region"() ({
      %run_scoped3A_40 = tpu.sem_alloc : memref<!tpu.dma_semaphore, #tpu.memory_space<semaphore_mem>>
      %dma_start3A_41 = arith.constant 0 : i32
      %dma_start3A_42 = arith.constant 0 : i32
      %dma_start3A_43 = tpu.memref_slice %arg3[%add3A, %dma_start3A_41, %dma_start3A_42] : memref<32x80x128xi32, #tpu.memory_space<hbm>> -> memref<1x80x128xi32, #tpu.memory_space<hbm>>
      %dma_start3A_44 = tpu.memref_squeeze %dma_start3A_43 : memref<1x80x128xi32, #tpu.memory_space<hbm>> -> memref<80x128xi32, #tpu.memory_space<hbm>>
      %dma_start3A_45 = arith.constant 0 : i32
      %dma_start3A_46 = tpu.memref_slice %dma_start3A_44[%run_scoped3A, %dma_start3A_45] : memref<80x128xi32, #tpu.memory_space<hbm>> -> memref<1x128xi32, #tpu.memory_space<hbm>>
      %dma_start3A_47 = tpu.memref_squeeze %dma_start3A_46 : memref<1x128xi32, #tpu.memory_space<hbm>> -> memref<128xi32, #tpu.memory_space<hbm>>
      %dma_start3A_48 = arith.constant 0 : i32
      %dma_start3A_49 = arith.constant 0 : i32
      %dma_start3A_50 = tpu.memref_slice %arg3[%add3A, %dma_start3A_48, %dma_start3A_49] : memref<32x80x128xi32, #tpu.memory_space<hbm>> -> memref<1x80x128xi32, #tpu.memory_space<hbm>>
      %dma_start3A_51 = tpu.memref_squeeze %dma_start3A_50 : memref<1x80x128xi32, #tpu.memory_space<hbm>> -> memref<80x128xi32, #tpu.memory_space<hbm>>
      %dma_start3A_52 = arith.constant 0 : i32
      %dma_start3A_53 = tpu.memref_slice %dma_start3A_51[%run_scoped3A, %dma_start3A_52] : memref<80x128xi32, #tpu.memory_space<hbm>> -> memref<1x128xi32, #tpu.memory_space<hbm>>
      %dma_start3A_54 = tpu.memref_squeeze %dma_start3A_53 : memref<1x128xi32, #tpu.memory_space<hbm>> -> memref<128xi32, #tpu.memory_space<hbm>>
      tpu.enqueue_dma source(%dma_start3A_54 : memref<128xi32, #tpu.memory_space<hbm>>) target(%arg6 : memref<128xi32, #tpu.memory_space<vmem>>) target_semaphore(%run_scoped3A_40 : memref<!tpu.dma_semaphore, #tpu.memory_space<semaphore_mem>>)
      %dma_wait3A_55 = arith.constant 0 : i32
      %dma_wait3A_56 = arith.constant 0 : i32
      %dma_wait3A_57 = tpu.memref_slice %arg3[%add3A, %dma_wait3A_55, %dma_wait3A_56] : memref<32x80x128xi32, #tpu.memory_space<hbm>> -> memref<1x80x128xi32, #tpu.memory_space<hbm>>
      %dma_wait3A_58 = tpu.memref_squeeze %dma_wait3A_57 : memref<1x80x128xi32, #tpu.memory_space<hbm>> -> memref<80x128xi32, #tpu.memory_space<hbm>>
      %dma_wait3A_59 = arith.constant 0 : i32
      %dma_wait3A_60 = tpu.memref_slice %dma_wait3A_58[%run_scoped3A, %dma_wait3A_59] : memref<80x128xi32, #tpu.memory_space<hbm>> -> memref<1x128xi32, #tpu.memory_space<hbm>>
      %dma_wait3A_61 = tpu.memref_squeeze %dma_wait3A_60 : memref<1x128xi32, #tpu.memory_space<hbm>> -> memref<128xi32, #tpu.memory_space<hbm>>
      %dma_wait3A_62 = arith.constant 0 : i32
      %dma_wait3A_63 = arith.constant 0 : i32
      %dma_wait3A_64 = tpu.memref_slice %arg3[%add3A, %dma_wait3A_62, %dma_wait3A_63] : memref<32x80x128xi32, #tpu.memory_space<hbm>> -> memref<1x80x128xi32, #tpu.memory_space<hbm>>
      %dma_wait3A_65 = tpu.memref_squeeze %dma_wait3A_64 : memref<1x80x128xi32, #tpu.memory_space<hbm>> -> memref<80x128xi32, #tpu.memory_space<hbm>>
      %dma_wait3A_66 = arith.constant 0 : i32
      %dma_wait3A_67 = tpu.memref_slice %dma_wait3A_65[%run_scoped3A, %dma_wait3A_66] : memref<80x128xi32, #tpu.memory_space<hbm>> -> memref<1x128xi32, #tpu.memory_space<hbm>>
      %dma_wait3A_68 = tpu.memref_squeeze %dma_wait3A_67 : memref<1x128xi32, #tpu.memory_space<hbm>> -> memref<128xi32, #tpu.memory_space<hbm>>
      tpu.wait_dma2 semaphore(%run_scoped3A_40 : memref<!tpu.dma_semaphore, #tpu.memory_space<semaphore_mem>>) src(%dma_wait3A_68 : memref<128xi32, #tpu.memory_space<hbm>>) dst(%arg6 : memref<128xi32, #tpu.memory_space<vmem>>)
      tpu.yield
    }) : () -> ()
    %run_scoped3A_10 = arith.constant 1 : i32
    "tpu.region"() ({
      %run_scoped3A_40 = tpu.sem_alloc : memref<!tpu.dma_semaphore, #tpu.memory_space<semaphore_mem>>
      %dma_start3A_41 = arith.constant 0 : i32
      %dma_start3A_42 = arith.constant 0 : i32
      %dma_start3A_43 = tpu.memref_slice %arg3[%add3A, %dma_start3A_41, %dma_start3A_42] : memref<32x80x128xi32, #tpu.memory_space<hbm>> -> memref<1x80x128xi32, #tpu.memory_space<hbm>>
      %dma_start3A_44 = tpu.memref_squeeze %dma_start3A_43 : memref<1x80x128xi32, #tpu.memory_space<hbm>> -> memref<80x128xi32, #tpu.memory_space<hbm>>
      %dma_start3A_45 = arith.constant 0 : i32
      %dma_start3A_46 = tpu.memref_slice %dma_start3A_44[%run_scoped3A_10, %dma_start3A_45] : memref<80x128xi32, #tpu.memory_space<hbm>> -> memref<1x128xi32, #tpu.memory_space<hbm>>
      %dma_start3A_47 = tpu.memref_squeeze %dma_start3A_46 : memref<1x128xi32, #tpu.memory_space<hbm>> -> memref<128xi32, #tpu.memory_space<hbm>>
      %dma_start3A_48 = arith.constant 0 : i32
      %dma_start3A_49 = arith.constant 0 : i32
      %dma_start3A_50 = tpu.memref_slice %arg3[%add3A, %dma_start3A_48, %dma_start3A_49] : memref<32x80x128xi32, #tpu.memory_space<hbm>> -> memref<1x80x128xi32, #tpu.memory_space<hbm>>
      %dma_start3A_51 = tpu.memref_squeeze %dma_start3A_50 : memref<1x80x128xi32, #tpu.memory_space<hbm>> -> memref<80x128xi32, #tpu.memory_space<hbm>>
      %dma_start3A_52 = arith.constant 0 : i32
      %dma_start3A_53 = tpu.memref_slice %dma_start3A_51[%run_scoped3A_10, %dma_start3A_52] : memref<80x128xi32, #tpu.memory_space<hbm>> -> memref<1x128xi32, #tpu.memory_space<hbm>>
      %dma_start3A_54 = tpu.memref_squeeze %dma_start3A_53 : memref<1x128xi32, #tpu.memory_space<hbm>> -> memref<128xi32, #tpu.memory_space<hbm>>
      tpu.enqueue_dma source(%dma_start3A_54 : memref<128xi32, #tpu.memory_space<hbm>>) target(%arg7 : memref<128xi32, #tpu.memory_space<vmem>>) target_semaphore(%run_scoped3A_40 : memref<!tpu.dma_semaphore, #tpu.memory_space<semaphore_mem>>)
      %dma_wait3A_55 = arith.constant 0 : i32
      %dma_wait3A_56 = arith.constant 0 : i32
      %dma_wait3A_57 = tpu.memref_slice %arg3[%add3A, %dma_wait3A_55, %dma_wait3A_56] : memref<32x80x128xi32, #tpu.memory_space<hbm>> -> memref<1x80x128xi32, #tpu.memory_space<hbm>>
      %dma_wait3A_58 = tpu.memref_squeeze %dma_wait3A_57 : memref<1x80x128xi32, #tpu.memory_space<hbm>> -> memref<80x128xi32, #tpu.memory_space<hbm>>
      %dma_wait3A_59 = arith.constant 0 : i32
      %dma_wait3A_60 = tpu.memref_slice %dma_wait3A_58[%run_scoped3A_10, %dma_wait3A_59] : memref<80x128xi32, #tpu.memory_space<hbm>> -> memref<1x128xi32, #tpu.memory_space<hbm>>
      %dma_wait3A_61 = tpu.memref_squeeze %dma_wait3A_60 : memref<1x128xi32, #tpu.memory_space<hbm>> -> memref<128xi32, #tpu.memory_space<hbm>>
      %dma_wait3A_62 = arith.constant 0 : i32
      %dma_wait3A_63 = arith.constant 0 : i32
      %dma_wait3A_64 = tpu.memref_slice %arg3[%add3A, %dma_wait3A_62, %dma_wait3A_63] : memref<32x80x128xi32, #tpu.memory_space<hbm>> -> memref<1x80x128xi32, #tpu.memory_space<hbm>>
      %dma_wait3A_65 = tpu.memref_squeeze %dma_wait3A_64 : memref<1x80x128xi32, #tpu.memory_space<hbm>> -> memref<80x128xi32, #tpu.memory_space<hbm>>
      %dma_wait3A_66 = arith.constant 0 : i32
      %dma_wait3A_67 = tpu.memref_slice %dma_wait3A_65[%run_scoped3A_10, %dma_wait3A_66] : memref<80x128xi32, #tpu.memory_space<hbm>> -> memref<1x128xi32, #tpu.memory_space<hbm>>
      %dma_wait3A_68 = tpu.memref_squeeze %dma_wait3A_67 : memref<1x128xi32, #tpu.memory_space<hbm>> -> memref<128xi32, #tpu.memory_space<hbm>>
      tpu.wait_dma2 semaphore(%run_scoped3A_40 : memref<!tpu.dma_semaphore, #tpu.memory_space<semaphore_mem>>) src(%dma_wait3A_68 : memref<128xi32, #tpu.memory_space<hbm>>) dst(%arg7 : memref<128xi32, #tpu.memory_space<vmem>>)
      tpu.yield
    }) : () -> ()
    %dma_start3A = arith.constant 0 : i32
    %dma_start3A_11 = arith.constant 0 : i32
    %dma_start3A_12 = tpu.memref_slice %arg2[%dma_start3A, %dma_start3A_11] : memref<10000x128xf32, #tpu.memory_space<hbm>> -> memref<10000x128xf32, #tpu.memory_space<hbm>>
    tpu.enqueue_indirect_dma source(%dma_start3A_12 : memref<10000x128xf32, #tpu.memory_space<hbm>>) target(%arg9 : memref<128x128xf32, #tpu.memory_space<vmem>>) offsets(%arg6 : memref<128xi32, #tpu.memory_space<vmem>>) semaphore(%arg12 : memref<!tpu.dma_semaphore, #tpu.memory_space<semaphore_mem>>)
    %dma_start3A_13 = arith.constant 0 : i32
    %dma_start3A_14 = arith.constant 0 : i32
    %dma_start3A_15 = tpu.memref_slice %arg2[%dma_start3A_13, %dma_start3A_14] : memref<10000x128xf32, #tpu.memory_space<hbm>> -> memref<10000x128xf32, #tpu.memory_space<hbm>>
    tpu.enqueue_indirect_dma source(%dma_start3A_15 : memref<10000x128xf32, #tpu.memory_space<hbm>>) target(%arg10 : memref<128x128xf32, #tpu.memory_space<vmem>>) offsets(%arg7 : memref<128xi32, #tpu.memory_space<vmem>>) semaphore(%arg13 : memref<!tpu.dma_semaphore, #tpu.memory_space<semaphore_mem>>)
    %scan3A_16 = arith.constant 0 : i32
    %scan3A_17 = arith.constant 40 : i32
    %scan3A_18 = arith.addi %scan3A_16, %scan3A_17 : i32
    %scan3A_19 = arith.constant 1 : i32
    scf.for %scan3A_40 = %scan3A_16 to %scan3A_18 step %scan3A_19  : i32 {
      %mul3A_41 = arith.constant 2 : i32
      %mul3A_42 = arith.muli %scan3A_40, %mul3A_41 : i32
      %add3A_43 = arith.constant 0 : i32
      %add3A_44 = arith.addi %add3A_43, %mul3A_42 : i32
      %dma_wait3A_45 = arith.constant 0 : i32
      %dma_wait3A_46 = arith.constant 0 : i32
      %dma_wait3A_47 = tpu.memref_slice %arg2[%dma_wait3A_45, %dma_wait3A_46] : memref<10000x128xf32, #tpu.memory_space<hbm>> -> memref<10000x128xf32, #tpu.memory_space<hbm>>
      tpu.wait_indirect_dma semaphore(%arg12 : memref<!tpu.dma_semaphore, #tpu.memory_space<semaphore_mem>>) src(%dma_wait3A_47 : memref<10000x128xf32, #tpu.memory_space<hbm>>) dst(%arg9 : memref<128x128xf32, #tpu.memory_space<vmem>>)
      %add3A_48 = arith.constant 2 : i32
      %add3A_49 = arith.addi %add3A_44, %add3A_48 : i32
      %lt3A = arith.constant 80 : i32
      %lt3A_50 = arith.cmpi slt, %add3A_49, %lt3A : i32
      %convert_element_type3A = arith.extui %lt3A_50 : i1 to i32
      %cond3A = arith.constant 0 : i32
      %cond3A_51 = arith.cmpi ne, %convert_element_type3A, %cond3A : i32
      scf.if %cond3A_51 {
        %add3A_83 = arith.constant 2 : i32
        %add3A_84 = arith.addi %add3A_44, %add3A_83 : i32
        %dma_start3A_85 = arith.constant 0 : i32
        %dma_start3A_86 = arith.constant 0 : i32
        %dma_start3A_87 = tpu.memref_slice %arg3[%add3A, %dma_start3A_85, %dma_start3A_86] : memref<32x80x128xi32, #tpu.memory_space<hbm>> -> memref<1x80x128xi32, #tpu.memory_space<hbm>>
        %dma_start3A_88 = tpu.memref_squeeze %dma_start3A_87 : memref<1x80x128xi32, #tpu.memory_space<hbm>> -> memref<80x128xi32, #tpu.memory_space<hbm>>
        %dma_start3A_89 = arith.constant 0 : i32
        %dma_start3A_90 = tpu.memref_slice %dma_start3A_88[%add3A_84, %dma_start3A_89] : memref<80x128xi32, #tpu.memory_space<hbm>> -> memref<1x128xi32, #tpu.memory_space<hbm>>
        %dma_start3A_91 = tpu.memref_squeeze %dma_start3A_90 : memref<1x128xi32, #tpu.memory_space<hbm>> -> memref<128xi32, #tpu.memory_space<hbm>>
        %dma_start3A_92 = arith.constant 0 : i32
        %dma_start3A_93 = arith.constant 0 : i32
        %dma_start3A_94 = tpu.memref_slice %arg3[%add3A, %dma_start3A_92, %dma_start3A_93] : memref<32x80x128xi32, #tpu.memory_space<hbm>> -> memref<1x80x128xi32, #tpu.memory_space<hbm>>
        %dma_start3A_95 = tpu.memref_squeeze %dma_start3A_94 : memref<1x80x128xi32, #tpu.memory_space<hbm>> -> memref<80x128xi32, #tpu.memory_space<hbm>>
        %dma_start3A_96 = arith.constant 0 : i32
        %dma_start3A_97 = tpu.memref_slice %dma_start3A_95[%add3A_84, %dma_start3A_96] : memref<80x128xi32, #tpu.memory_space<hbm>> -> memref<1x128xi32, #tpu.memory_space<hbm>>
        %dma_start3A_98 = tpu.memref_squeeze %dma_start3A_97 : memref<1x128xi32, #tpu.memory_space<hbm>> -> memref<128xi32, #tpu.memory_space<hbm>>
        tpu.enqueue_dma source(%dma_start3A_98 : memref<128xi32, #tpu.memory_space<hbm>>) target(%arg6 : memref<128xi32, #tpu.memory_space<vmem>>) target_semaphore(%arg16 : memref<!tpu.dma_semaphore, #tpu.memory_space<semaphore_mem>>)
      } else {
      }
      %dma_start3A_52 = arith.constant 0 : i32
      %dma_start3A_53 = tpu.memref_slice %arg8[%add3A_44, %dma_start3A_52] : memref<80x128xi32, #tpu.memory_space<vmem>> -> memref<1x128xi32, #tpu.memory_space<vmem>>
      %dma_start3A_54 = tpu.memref_squeeze %dma_start3A_53 : memref<1x128xi32, #tpu.memory_space<vmem>> -> memref<128xi32, #tpu.memory_space<vmem>>
      %dma_start3A_55 = arith.constant 0 : i32
      %dma_start3A_56 = arith.constant 0 : i32
      %dma_start3A_57 = tpu.memref_slice %arg11[%dma_start3A_55, %dma_start3A_56] : memref<10240x128xf32, #tpu.memory_space<vmem_shared>> -> memref<10240x128xf32, #tpu.memory_space<vmem_shared>>
      tpu.enqueue_indirect_dma source(%arg9 : memref<128x128xf32, #tpu.memory_space<vmem>>) target(%dma_start3A_57 : memref<10240x128xf32, #tpu.memory_space<vmem_shared>>) offsets(%dma_start3A_54 : memref<128xi32, #tpu.memory_space<vmem>>) semaphore(%arg14 : memref<!tpu.dma_semaphore, #tpu.memory_space<semaphore_mem>>) {add = true}
      %dma_wait3A_58 = arith.constant 0 : i32
      %dma_wait3A_59 = arith.constant 0 : i32
      %dma_wait3A_60 = tpu.memref_slice %arg2[%dma_wait3A_58, %dma_wait3A_59] : memref<10000x128xf32, #tpu.memory_space<hbm>> -> memref<10000x128xf32, #tpu.memory_space<hbm>>
      tpu.wait_indirect_dma semaphore(%arg13 : memref<!tpu.dma_semaphore, #tpu.memory_space<semaphore_mem>>) src(%dma_wait3A_60 : memref<10000x128xf32, #tpu.memory_space<hbm>>) dst(%arg10 : memref<128x128xf32, #tpu.memory_space<vmem>>)
      %add3A_61 = arith.constant 2 : i32
      %add3A_62 = arith.addi %add3A_44, %add3A_61 : i32
      %lt3A_63 = arith.constant 80 : i32
      %lt3A_64 = arith.cmpi slt, %add3A_62, %lt3A_63 : i32
      %convert_element_type3A_65 = arith.extui %lt3A_64 : i1 to i32
      %cond3A_66 = arith.constant 0 : i32
      %cond3A_67 = arith.cmpi ne, %convert_element_type3A_65, %cond3A_66 : i32
      scf.if %cond3A_67 {
        %add3A_83 = arith.constant 3 : i32
        %add3A_84 = arith.addi %add3A_44, %add3A_83 : i32
        %dma_start3A_85 = arith.constant 0 : i32
        %dma_start3A_86 = arith.constant 0 : i32
        %dma_start3A_87 = tpu.memref_slice %arg3[%add3A, %dma_start3A_85, %dma_start3A_86] : memref<32x80x128xi32, #tpu.memory_space<hbm>> -> memref<1x80x128xi32, #tpu.memory_space<hbm>>
        %dma_start3A_88 = tpu.memref_squeeze %dma_start3A_87 : memref<1x80x128xi32, #tpu.memory_space<hbm>> -> memref<80x128xi32, #tpu.memory_space<hbm>>
        %dma_start3A_89 = arith.constant 0 : i32
        %dma_start3A_90 = tpu.memref_slice %dma_start3A_88[%add3A_84, %dma_start3A_89] : memref<80x128xi32, #tpu.memory_space<hbm>> -> memref<1x128xi32, #tpu.memory_space<hbm>>
        %dma_start3A_91 = tpu.memref_squeeze %dma_start3A_90 : memref<1x128xi32, #tpu.memory_space<hbm>> -> memref<128xi32, #tpu.memory_space<hbm>>
        %dma_start3A_92 = arith.constant 0 : i32
        %dma_start3A_93 = arith.constant 0 : i32
        %dma_start3A_94 = tpu.memref_slice %arg3[%add3A, %dma_start3A_92, %dma_start3A_93] : memref<32x80x128xi32, #tpu.memory_space<hbm>> -> memref<1x80x128xi32, #tpu.memory_space<hbm>>
        %dma_start3A_95 = tpu.memref_squeeze %dma_start3A_94 : memref<1x80x128xi32, #tpu.memory_space<hbm>> -> memref<80x128xi32, #tpu.memory_space<hbm>>
        %dma_start3A_96 = arith.constant 0 : i32
        %dma_start3A_97 = tpu.memref_slice %dma_start3A_95[%add3A_84, %dma_start3A_96] : memref<80x128xi32, #tpu.memory_space<hbm>> -> memref<1x128xi32, #tpu.memory_space<hbm>>
        %dma_start3A_98 = tpu.memref_squeeze %dma_start3A_97 : memref<1x128xi32, #tpu.memory_space<hbm>> -> memref<128xi32, #tpu.memory_space<hbm>>
        tpu.enqueue_dma source(%dma_start3A_98 : memref<128xi32, #tpu.memory_space<hbm>>) target(%arg7 : memref<128xi32, #tpu.memory_space<vmem>>) target_semaphore(%arg17 : memref<!tpu.dma_semaphore, #tpu.memory_space<semaphore_mem>>)
      } else {
      }
      %add3A_68 = arith.constant 1 : i32
      %add3A_69 = arith.addi %add3A_44, %add3A_68 : i32
      %dma_start3A_70 = arith.constant 0 : i32
      %dma_start3A_71 = tpu.memref_slice %arg8[%add3A_69, %dma_start3A_70] : memref<80x128xi32, #tpu.memory_space<vmem>> -> memref<1x128xi32, #tpu.memory_space<vmem>>
      %dma_start3A_72 = tpu.memref_squeeze %dma_start3A_71 : memref<1x128xi32, #tpu.memory_space<vmem>> -> memref<128xi32, #tpu.memory_space<vmem>>
      %dma_start3A_73 = arith.constant 0 : i32
      %dma_start3A_74 = arith.constant 0 : i32
      %dma_start3A_75 = tpu.memref_slice %arg11[%dma_start3A_73, %dma_start3A_74] : memref<10240x128xf32, #tpu.memory_space<vmem_shared>> -> memref<10240x128xf32, #tpu.memory_space<vmem_shared>>
      tpu.enqueue_indirect_dma source(%arg10 : memref<128x128xf32, #tpu.memory_space<vmem>>) target(%dma_start3A_75 : memref<10240x128xf32, #tpu.memory_space<vmem_shared>>) offsets(%dma_start3A_72 : memref<128xi32, #tpu.memory_space<vmem>>) semaphore(%arg15 : memref<!tpu.dma_semaphore, #tpu.memory_space<semaphore_mem>>) {add = true}
      %add3A_76 = arith.constant 2 : i32
      %add3A_77 = arith.addi %add3A_44, %add3A_76 : i32
      %lt3A_78 = arith.constant 80 : i32
      %lt3A_79 = arith.cmpi slt, %add3A_77, %lt3A_78 : i32
      %convert_element_type3A_80 = arith.extui %lt3A_79 : i1 to i32
      %cond3A_81 = arith.constant 0 : i32
      %cond3A_82 = arith.cmpi ne, %convert_element_type3A_80, %cond3A_81 : i32
      scf.if %cond3A_82 {
        %dma_wait3A_83 = arith.constant 0 : i32
        %dma_wait3A_84 = tpu.memref_slice %arg8[%add3A_44, %dma_wait3A_83] : memref<80x128xi32, #tpu.memory_space<vmem>> -> memref<1x128xi32, #tpu.memory_space<vmem>>
        %dma_wait3A_85 = tpu.memref_squeeze %dma_wait3A_84 : memref<1x128xi32, #tpu.memory_space<vmem>> -> memref<128xi32, #tpu.memory_space<vmem>>
        %dma_wait3A_86 = arith.constant 0 : i32
        %dma_wait3A_87 = arith.constant 0 : i32
        %dma_wait3A_88 = tpu.memref_slice %arg11[%dma_wait3A_86, %dma_wait3A_87] : memref<10240x128xf32, #tpu.memory_space<vmem_shared>> -> memref<10240x128xf32, #tpu.memory_space<vmem_shared>>
        tpu.wait_indirect_dma semaphore(%arg14 : memref<!tpu.dma_semaphore, #tpu.memory_space<semaphore_mem>>) src(%arg9 : memref<128x128xf32, #tpu.memory_space<vmem>>) dst(%dma_wait3A_88 : memref<10240x128xf32, #tpu.memory_space<vmem_shared>>)
        %add3A_89 = arith.constant 2 : i32
        %add3A_90 = arith.addi %add3A_44, %add3A_89 : i32
        %dma_wait3A_91 = arith.constant 0 : i32
        %dma_wait3A_92 = arith.constant 0 : i32
        %dma_wait3A_93 = tpu.memref_slice %arg3[%add3A, %dma_wait3A_91, %dma_wait3A_92] : memref<32x80x128xi32, #tpu.memory_space<hbm>> -> memref<1x80x128xi32, #tpu.memory_space<hbm>>
        %dma_wait3A_94 = tpu.memref_squeeze %dma_wait3A_93 : memref<1x80x128xi32, #tpu.memory_space<hbm>> -> memref<80x128xi32, #tpu.memory_space<hbm>>
        %dma_wait3A_95 = arith.constant 0 : i32
        %dma_wait3A_96 = tpu.memref_slice %dma_wait3A_94[%add3A_90, %dma_wait3A_95] : memref<80x128xi32, #tpu.memory_space<hbm>> -> memref<1x128xi32, #tpu.memory_space<hbm>>
        %dma_wait3A_97 = tpu.memref_squeeze %dma_wait3A_96 : memref<1x128xi32, #tpu.memory_space<hbm>> -> memref<128xi32, #tpu.memory_space<hbm>>
        %dma_wait3A_98 = arith.constant 0 : i32
        %dma_wait3A_99 = arith.constant 0 : i32
        %dma_wait3A_100 = tpu.memref_slice %arg3[%add3A, %dma_wait3A_98, %dma_wait3A_99] : memref<32x80x128xi32, #tpu.memory_space<hbm>> -> memref<1x80x128xi32, #tpu.memory_space<hbm>>
        %dma_wait3A_101 = tpu.memref_squeeze %dma_wait3A_100 : memref<1x80x128xi32, #tpu.memory_space<hbm>> -> memref<80x128xi32, #tpu.memory_space<hbm>>
        %dma_wait3A_102 = arith.constant 0 : i32
        %dma_wait3A_103 = tpu.memref_slice %dma_wait3A_101[%add3A_90, %dma_wait3A_102] : memref<80x128xi32, #tpu.memory_space<hbm>> -> memref<1x128xi32, #tpu.memory_space<hbm>>
        %dma_wait3A_104 = tpu.memref_squeeze %dma_wait3A_103 : memref<1x128xi32, #tpu.memory_space<hbm>> -> memref<128xi32, #tpu.memory_space<hbm>>
        tpu.wait_dma2 semaphore(%arg16 : memref<!tpu.dma_semaphore, #tpu.memory_space<semaphore_mem>>) src(%dma_wait3A_104 : memref<128xi32, #tpu.memory_space<hbm>>) dst(%arg6 : memref<128xi32, #tpu.memory_space<vmem>>)
        %dma_start3A_105 = arith.constant 0 : i32
        %dma_start3A_106 = arith.constant 0 : i32
        %dma_start3A_107 = tpu.memref_slice %arg2[%dma_start3A_105, %dma_start3A_106] : memref<10000x128xf32, #tpu.memory_space<hbm>> -> memref<10000x128xf32, #tpu.memory_space<hbm>>
        tpu.enqueue_indirect_dma source(%dma_start3A_107 : memref<10000x128xf32, #tpu.memory_space<hbm>>) target(%arg9 : memref<128x128xf32, #tpu.memory_space<vmem>>) offsets(%arg6 : memref<128xi32, #tpu.memory_space<vmem>>) semaphore(%arg12 : memref<!tpu.dma_semaphore, #tpu.memory_space<semaphore_mem>>)
        %add3A_108 = arith.constant 1 : i32
        %add3A_109 = arith.addi %add3A_44, %add3A_108 : i32
        %dma_wait3A_110 = arith.constant 0 : i32
        %dma_wait3A_111 = tpu.memref_slice %arg8[%add3A_109, %dma_wait3A_110] : memref<80x128xi32, #tpu.memory_space<vmem>> -> memref<1x128xi32, #tpu.memory_space<vmem>>
        %dma_wait3A_112 = tpu.memref_squeeze %dma_wait3A_111 : memref<1x128xi32, #tpu.memory_space<vmem>> -> memref<128xi32, #tpu.memory_space<vmem>>
        %dma_wait3A_113 = arith.constant 0 : i32
        %dma_wait3A_114 = arith.constant 0 : i32
        %dma_wait3A_115 = tpu.memref_slice %arg11[%dma_wait3A_113, %dma_wait3A_114] : memref<10240x128xf32, #tpu.memory_space<vmem_shared>> -> memref<10240x128xf32, #tpu.memory_space<vmem_shared>>
        tpu.wait_indirect_dma semaphore(%arg15 : memref<!tpu.dma_semaphore, #tpu.memory_space<semaphore_mem>>) src(%arg10 : memref<128x128xf32, #tpu.memory_space<vmem>>) dst(%dma_wait3A_115 : memref<10240x128xf32, #tpu.memory_space<vmem_shared>>)
        %add3A_116 = arith.constant 3 : i32
        %add3A_117 = arith.addi %add3A_44, %add3A_116 : i32
        %dma_wait3A_118 = arith.constant 0 : i32
        %dma_wait3A_119 = arith.constant 0 : i32
        %dma_wait3A_120 = tpu.memref_slice %arg3[%add3A, %dma_wait3A_118, %dma_wait3A_119] : memref<32x80x128xi32, #tpu.memory_space<hbm>> -> memref<1x80x128xi32, #tpu.memory_space<hbm>>
        %dma_wait3A_121 = tpu.memref_squeeze %dma_wait3A_120 : memref<1x80x128xi32, #tpu.memory_space<hbm>> -> memref<80x128xi32, #tpu.memory_space<hbm>>
        %dma_wait3A_122 = arith.constant 0 : i32
        %dma_wait3A_123 = tpu.memref_slice %dma_wait3A_121[%add3A_117, %dma_wait3A_122] : memref<80x128xi32, #tpu.memory_space<hbm>> -> memref<1x128xi32, #tpu.memory_space<hbm>>
        %dma_wait3A_124 = tpu.memref_squeeze %dma_wait3A_123 : memref<1x128xi32, #tpu.memory_space<hbm>> -> memref<128xi32, #tpu.memory_space<hbm>>
        %dma_wait3A_125 = arith.constant 0 : i32
        %dma_wait3A_126 = arith.constant 0 : i32
        %dma_wait3A_127 = tpu.memref_slice %arg3[%add3A, %dma_wait3A_125, %dma_wait3A_126] : memref<32x80x128xi32, #tpu.memory_space<hbm>> -> memref<1x80x128xi32, #tpu.memory_space<hbm>>
        %dma_wait3A_128 = tpu.memref_squeeze %dma_wait3A_127 : memref<1x80x128xi32, #tpu.memory_space<hbm>> -> memref<80x128xi32, #tpu.memory_space<hbm>>
        %dma_wait3A_129 = arith.constant 0 : i32
        %dma_wait3A_130 = tpu.memref_slice %dma_wait3A_128[%add3A_117, %dma_wait3A_129] : memref<80x128xi32, #tpu.memory_space<hbm>> -> memref<1x128xi32, #tpu.memory_space<hbm>>
        %dma_wait3A_131 = tpu.memref_squeeze %dma_wait3A_130 : memref<1x128xi32, #tpu.memory_space<hbm>> -> memref<128xi32, #tpu.memory_space<hbm>>
        tpu.wait_dma2 semaphore(%arg17 : memref<!tpu.dma_semaphore, #tpu.memory_space<semaphore_mem>>) src(%dma_wait3A_131 : memref<128xi32, #tpu.memory_space<hbm>>) dst(%arg7 : memref<128xi32, #tpu.memory_space<vmem>>)
        %dma_start3A_132 = arith.constant 0 : i32
        %dma_start3A_133 = arith.constant 0 : i32
        %dma_start3A_134 = tpu.memref_slice %arg2[%dma_start3A_132, %dma_start3A_133] : memref<10000x128xf32, #tpu.memory_space<hbm>> -> memref<10000x128xf32, #tpu.memory_space<hbm>>
        tpu.enqueue_indirect_dma source(%dma_start3A_134 : memref<10000x128xf32, #tpu.memory_space<hbm>>) target(%arg10 : memref<128x128xf32, #tpu.memory_space<vmem>>) offsets(%arg7 : memref<128xi32, #tpu.memory_space<vmem>>) semaphore(%arg13 : memref<!tpu.dma_semaphore, #tpu.memory_space<semaphore_mem>>)
      } else {
      }
    }
    %scan3A_20 = arith.constant 40 : i32
    %dma_wait3A = arith.constant 78 : i32
    %dma_wait3A_21 = arith.constant 0 : i32
    %dma_wait3A_22 = tpu.memref_slice %arg8[%dma_wait3A, %dma_wait3A_21] : memref<80x128xi32, #tpu.memory_space<vmem>> -> memref<1x128xi32, #tpu.memory_space<vmem>>
    %dma_wait3A_23 = tpu.memref_squeeze %dma_wait3A_22 : memref<1x128xi32, #tpu.memory_space<vmem>> -> memref<128xi32, #tpu.memory_space<vmem>>
    %dma_wait3A_24 = arith.constant 0 : i32
    %dma_wait3A_25 = arith.constant 0 : i32
    %dma_wait3A_26 = tpu.memref_slice %arg11[%dma_wait3A_24, %dma_wait3A_25] : memref<10240x128xf32, #tpu.memory_space<vmem_shared>> -> memref<10240x128xf32, #tpu.memory_space<vmem_shared>>
    tpu.wait_indirect_dma semaphore(%arg14 : memref<!tpu.dma_semaphore, #tpu.memory_space<semaphore_mem>>) src(%arg9 : memref<128x128xf32, #tpu.memory_space<vmem>>) dst(%dma_wait3A_26 : memref<10240x128xf32, #tpu.memory_space<vmem_shared>>)
    %dma_wait3A_27 = arith.constant 79 : i32
    %dma_wait3A_28 = arith.constant 0 : i32
    %dma_wait3A_29 = tpu.memref_slice %arg8[%dma_wait3A_27, %dma_wait3A_28] : memref<80x128xi32, #tpu.memory_space<vmem>> -> memref<1x128xi32, #tpu.memory_space<vmem>>
    %dma_wait3A_30 = tpu.memref_squeeze %dma_wait3A_29 : memref<1x128xi32, #tpu.memory_space<vmem>> -> memref<128xi32, #tpu.memory_space<vmem>>
    %dma_wait3A_31 = arith.constant 0 : i32
    %dma_wait3A_32 = arith.constant 0 : i32
    %dma_wait3A_33 = tpu.memref_slice %arg11[%dma_wait3A_31, %dma_wait3A_32] : memref<10240x128xf32, #tpu.memory_space<vmem_shared>> -> memref<10240x128xf32, #tpu.memory_space<vmem_shared>>
    tpu.wait_indirect_dma semaphore(%arg15 : memref<!tpu.dma_semaphore, #tpu.memory_space<semaphore_mem>>) src(%arg10 : memref<128x128xf32, #tpu.memory_space<vmem>>) dst(%dma_wait3A_33 : memref<10240x128xf32, #tpu.memory_space<vmem_shared>>)
    %barrier3A_34 = arith.constant 0 : index
    tpu.barrier barrier_id(%barrier3A_34)
    %scan3A_35 = arith.constant 0 : i32
    %scan3A_36 = arith.constant 8 : i32
    %scan3A_37 = arith.addi %scan3A_35, %scan3A_36 : i32
    %scan3A_38 = arith.constant 1 : i32
    scf.for %scan3A_40 = %scan3A_35 to %scan3A_37 step %scan3A_38  : i32 {
      %mul3A_41 = arith.constant 1 : i32
      %mul3A_42 = arith.muli %scan3A_40, %mul3A_41 : i32
      %add3A_43 = arith.constant 0 : i32
      %add3A_44 = arith.addi %add3A_43, %mul3A_42 : i32
      %mul3A_45 = arith.constant 640 : i32
      %mul3A_46 = arith.muli %arg1, %mul3A_45 : i32
      %mul3A_47 = arith.constant 80 : i32
      %mul3A_48 = arith.muli %add3A_44, %mul3A_47 : i32
      %add3A_49 = arith.addi %mul3A_46, %mul3A_48 : i32
      "tpu.region"() ({
        %run_scoped3A_50 = tpu.sem_alloc : memref<!tpu.dma_semaphore, #tpu.memory_space<semaphore_mem>>
        %dma_start3A_51 = arith.constant 0 : i32
        %dma_start3A_52 = arith.constant 0 : i32
        %dma_start3A_53 = tpu.memref_slice %arg9[%dma_start3A_51, %dma_start3A_52] : memref<128x128xf32, #tpu.memory_space<vmem>> -> memref<80x128xf32, #tpu.memory_space<vmem>>
        %dma_start3A_54 = arith.constant 0 : i32
        %dma_start3A_55 = tpu.memref_slice %arg11[%add3A_49, %dma_start3A_54] : memref<10240x128xf32, #tpu.memory_space<vmem_shared>> -> memref<80x128xf32, #tpu.memory_space<vmem_shared>>
        %dma_start3A_56 = arith.constant 0 : i32
        %dma_start3A_57 = arith.constant 0 : i32
        %dma_start3A_58 = tpu.memref_slice %arg9[%dma_start3A_56, %dma_start3A_57] : memref<128x128xf32, #tpu.memory_space<vmem>> -> memref<80x128xf32, #tpu.memory_space<vmem>>
        %dma_start3A_59 = arith.constant 0 : i32
        %dma_start3A_60 = tpu.memref_slice %arg11[%add3A_49, %dma_start3A_59] : memref<10240x128xf32, #tpu.memory_space<vmem_shared>> -> memref<80x128xf32, #tpu.memory_space<vmem_shared>>
        tpu.enqueue_dma source(%dma_start3A_60 : memref<80x128xf32, #tpu.memory_space<vmem_shared>>) target(%dma_start3A_58 : memref<80x128xf32, #tpu.memory_space<vmem>>) target_semaphore(%run_scoped3A_50 : memref<!tpu.dma_semaphore, #tpu.memory_space<semaphore_mem>>)
        %dma_wait3A_61 = arith.constant 0 : i32
        %dma_wait3A_62 = arith.constant 0 : i32
        %dma_wait3A_63 = tpu.memref_slice %arg9[%dma_wait3A_61, %dma_wait3A_62] : memref<128x128xf32, #tpu.memory_space<vmem>> -> memref<80x128xf32, #tpu.memory_space<vmem>>
        %dma_wait3A_64 = arith.constant 0 : i32
        %dma_wait3A_65 = tpu.memref_slice %arg11[%add3A_49, %dma_wait3A_64] : memref<10240x128xf32, #tpu.memory_space<vmem_shared>> -> memref<80x128xf32, #tpu.memory_space<vmem_shared>>
        %dma_wait3A_66 = arith.constant 0 : i32
        %dma_wait3A_67 = arith.constant 0 : i32
        %dma_wait3A_68 = tpu.memref_slice %arg9[%dma_wait3A_66, %dma_wait3A_67] : memref<128x128xf32, #tpu.memory_space<vmem>> -> memref<80x128xf32, #tpu.memory_space<vmem>>
        %dma_wait3A_69 = arith.constant 0 : i32
        %dma_wait3A_70 = tpu.memref_slice %arg11[%add3A_49, %dma_wait3A_69] : memref<10240x128xf32, #tpu.memory_space<vmem_shared>> -> memref<80x128xf32, #tpu.memory_space<vmem_shared>>
        tpu.wait_dma2 semaphore(%run_scoped3A_50 : memref<!tpu.dma_semaphore, #tpu.memory_space<semaphore_mem>>) src(%dma_wait3A_70 : memref<80x128xf32, #tpu.memory_space<vmem_shared>>) dst(%dma_wait3A_68 : memref<80x128xf32, #tpu.memory_space<vmem>>)
        tpu.yield
      }) : () -> ()
      "tpu.region"() ({
        %run_scoped3A_50 = tpu.sem_alloc : memref<!tpu.dma_semaphore, #tpu.memory_space<semaphore_mem>>
        %dma_start3A_51 = arith.constant 0 : i32
        %dma_start3A_52 = arith.constant 0 : i32
        %dma_start3A_53 = tpu.memref_slice %arg9[%dma_start3A_51, %dma_start3A_52] : memref<128x128xf32, #tpu.memory_space<vmem>> -> memref<80x128xf32, #tpu.memory_space<vmem>>
        %dma_start3A_54 = arith.constant 0 : i32
        %dma_start3A_55 = arith.constant 0 : i32
        %dma_start3A_56 = tpu.memref_slice %arg5[%arg0, %dma_start3A_54, %dma_start3A_55] : memref<2x10240x128xf32, #tpu.memory_space<hbm>> -> memref<1x10240x128xf32, #tpu.memory_space<hbm>>
        %dma_start3A_57 = tpu.memref_squeeze %dma_start3A_56 : memref<1x10240x128xf32, #tpu.memory_space<hbm>> -> memref<10240x128xf32, #tpu.memory_space<hbm>>
        %dma_start3A_58 = arith.constant 0 : i32
        %dma_start3A_59 = tpu.memref_slice %dma_start3A_57[%add3A_49, %dma_start3A_58] : memref<10240x128xf32, #tpu.memory_space<hbm>> -> memref<80x128xf32, #tpu.memory_space<hbm>>
        %dma_start3A_60 = arith.constant 0 : i32
        %dma_start3A_61 = arith.constant 0 : i32
        %dma_start3A_62 = tpu.memref_slice %arg5[%arg0, %dma_start3A_60, %dma_start3A_61] : memref<2x10240x128xf32, #tpu.memory_space<hbm>> -> memref<1x10240x128xf32, #tpu.memory_space<hbm>>
        %dma_start3A_63 = tpu.memref_squeeze %dma_start3A_62 : memref<1x10240x128xf32, #tpu.memory_space<hbm>> -> memref<10240x128xf32, #tpu.memory_space<hbm>>
        %dma_start3A_64 = arith.constant 0 : i32
        %dma_start3A_65 = tpu.memref_slice %dma_start3A_63[%add3A_49, %dma_start3A_64] : memref<10240x128xf32, #tpu.memory_space<hbm>> -> memref<80x128xf32, #tpu.memory_space<hbm>>
        %dma_start3A_66 = arith.constant 0 : i32
        %dma_start3A_67 = arith.constant 0 : i32
        %dma_start3A_68 = tpu.memref_slice %arg9[%dma_start3A_66, %dma_start3A_67] : memref<128x128xf32, #tpu.memory_space<vmem>> -> memref<80x128xf32, #tpu.memory_space<vmem>>
        tpu.enqueue_dma source(%dma_start3A_68 : memref<80x128xf32, #tpu.memory_space<vmem>>) target(%dma_start3A_65 : memref<80x128xf32, #tpu.memory_space<hbm>>) target_semaphore(%run_scoped3A_50 : memref<!tpu.dma_semaphore, #tpu.memory_space<semaphore_mem>>)
        %dma_wait3A_69 = arith.constant 0 : i32
        %dma_wait3A_70 = arith.constant 0 : i32
        %dma_wait3A_71 = tpu.memref_slice %arg9[%dma_wait3A_69, %dma_wait3A_70] : memref<128x128xf32, #tpu.memory_space<vmem>> -> memref<80x128xf32, #tpu.memory_space<vmem>>
        %dma_wait3A_72 = arith.constant 0 : i32
        %dma_wait3A_73 = arith.constant 0 : i32
        %dma_wait3A_74 = tpu.memref_slice %arg5[%arg0, %dma_wait3A_72, %dma_wait3A_73] : memref<2x10240x128xf32, #tpu.memory_space<hbm>> -> memref<1x10240x128xf32, #tpu.memory_space<hbm>>
        %dma_wait3A_75 = tpu.memref_squeeze %dma_wait3A_74 : memref<1x10240x128xf32, #tpu.memory_space<hbm>> -> memref<10240x128xf32, #tpu.memory_space<hbm>>
        %dma_wait3A_76 = arith.constant 0 : i32
        %dma_wait3A_77 = tpu.memref_slice %dma_wait3A_75[%add3A_49, %dma_wait3A_76] : memref<10240x128xf32, #tpu.memory_space<hbm>> -> memref<80x128xf32, #tpu.memory_space<hbm>>
        %dma_wait3A_78 = arith.constant 0 : i32
        %dma_wait3A_79 = arith.constant 0 : i32
        %dma_wait3A_80 = tpu.memref_slice %arg5[%arg0, %dma_wait3A_78, %dma_wait3A_79] : memref<2x10240x128xf32, #tpu.memory_space<hbm>> -> memref<1x10240x128xf32, #tpu.memory_space<hbm>>
        %dma_wait3A_81 = tpu.memref_squeeze %dma_wait3A_80 : memref<1x10240x128xf32, #tpu.memory_space<hbm>> -> memref<10240x128xf32, #tpu.memory_space<hbm>>
        %dma_wait3A_82 = arith.constant 0 : i32
        %dma_wait3A_83 = tpu.memref_slice %dma_wait3A_81[%add3A_49, %dma_wait3A_82] : memref<10240x128xf32, #tpu.memory_space<hbm>> -> memref<80x128xf32, #tpu.memory_space<hbm>>
        %dma_wait3A_84 = arith.constant 0 : i32
        %dma_wait3A_85 = arith.constant 0 : i32
        %dma_wait3A_86 = tpu.memref_slice %arg9[%dma_wait3A_84, %dma_wait3A_85] : memref<128x128xf32, #tpu.memory_space<vmem>> -> memref<80x128xf32, #tpu.memory_space<vmem>>
        tpu.wait_dma2 semaphore(%run_scoped3A_50 : memref<!tpu.dma_semaphore, #tpu.memory_space<semaphore_mem>>) src(%dma_wait3A_86 : memref<80x128xf32, #tpu.memory_space<vmem>>) dst(%dma_wait3A_83 : memref<80x128xf32, #tpu.memory_space<hbm>>)
        tpu.yield
      }) : () -> ()
    }
    %scan3A_39 = arith.constant 8 : i32
    return
  }
}

#map = affine_map<(d0, d1) -> (0, 0)>
#map1 = affine_map<(d0, d1) -> (0, 0, 0)>
module attributes {stable_mosaic.version = 14 : i64} {
  func.func @agg_kernel(%arg0: i32, %arg1: i32, %arg2: memref<10000x128xf32, #tpu.memory_space<hbm>>, %arg3: memref<32x80x128xi32, #tpu.memory_space<hbm>>, %arg4: memref<32x80x128xi32, #tpu.memory_space<hbm>>, %arg5: memref<2x10240x128xf32, #tpu.memory_space<hbm>>, %arg6: memref<128xi32, #tpu.memory_space<vmem>>, %arg7: memref<128xi32, #tpu.memory_space<vmem>>, %arg8: memref<80x128xi32, #tpu.memory_space<vmem>>, %arg9: memref<128x128xf32, #tpu.memory_space<vmem>>, %arg10: memref<128x128xf32, #tpu.memory_space<vmem>>, %arg11: memref<10240x128xf32, #tpu.memory_space<vmem_shared>>, %arg12: memref<!tpu.dma_semaphore, #tpu.memory_space<semaphore_mem>>, %arg13: memref<!tpu.dma_semaphore, #tpu.memory_space<semaphore_mem>>, %arg14: memref<!tpu.dma_semaphore, #tpu.memory_space<semaphore_mem>>, %arg15: memref<!tpu.dma_semaphore, #tpu.memory_space<semaphore_mem>>, %arg16: memref<!tpu.dma_semaphore, #tpu.memory_space<semaphore_mem>>, %arg17: memref<!tpu.dma_semaphore, #tpu.memory_space<semaphore_mem>>) attributes {dimension_semantics = [#tpu.dimension_semantics<core_parallel>, #tpu.dimension_semantics<subcore_parallel>], iteration_bounds = array<i64: 2, 16>, scalar_prefetch = 0 : i64, scratch_operands = 12 : i64, tpu.core_type = #tpu.core_type<sc_vector_subcore>, window_params = [{transform_indices = #map}, {transform_indices = #map1}, {transform_indices = #map1}, {transform_indices = #map1}]} {
    %mul3A = arith.constant 16 : i32
    %mul3A_0 = arith.muli %arg0, %mul3A : i32
    %add3A = arith.addi %mul3A_0, %arg1 : i32
    "tpu.region"() ({
      %run_scoped3A_40 = tpu.sem_alloc : memref<!tpu.dma_semaphore, #tpu.memory_space<semaphore_mem>>
      %dma_start3A_41 = arith.constant 0 : i32
      %dma_start3A_42 = arith.constant 0 : i32
      %dma_start3A_43 = tpu.memref_slice %arg4[%add3A, %dma_start3A_41, %dma_start3A_42] : memref<32x80x128xi32, #tpu.memory_space<hbm>> -> memref<1x80x128xi32, #tpu.memory_space<hbm>>
      %dma_start3A_44 = tpu.memref_squeeze %dma_start3A_43 : memref<1x80x128xi32, #tpu.memory_space<hbm>> -> memref<80x128xi32, #tpu.memory_space<hbm>>
      %dma_start3A_45 = arith.constant 0 : i32
      %dma_start3A_46 = arith.constant 0 : i32
      %dma_start3A_47 = tpu.memref_slice %arg4[%add3A, %dma_start3A_45, %dma_start3A_46] : memref<32x80x128xi32, #tpu.memory_space<hbm>> -> memref<1x80x128xi32, #tpu.memory_space<hbm>>
      %dma_start3A_48 = tpu.memref_squeeze %dma_start3A_47 : memref<1x80x128xi32, #tpu.memory_space<hbm>> -> memref<80x128xi32, #tpu.memory_space<hbm>>
      tpu.enqueue_dma source(%dma_start3A_48 : memref<80x128xi32, #tpu.memory_space<hbm>>) target(%arg8 : memref<80x128xi32, #tpu.memory_space<vmem>>) target_semaphore(%run_scoped3A_40 : memref<!tpu.dma_semaphore, #tpu.memory_space<semaphore_mem>>)
      %dma_wait3A_49 = arith.constant 0 : i32
      %dma_wait3A_50 = arith.constant 0 : i32
      %dma_wait3A_51 = tpu.memref_slice %arg4[%add3A, %dma_wait3A_49, %dma_wait3A_50] : memref<32x80x128xi32, #tpu.memory_space<hbm>> -> memref<1x80x128xi32, #tpu.memory_space<hbm>>
      %dma_wait3A_52 = tpu.memref_squeeze %dma_wait3A_51 : memref<1x80x128xi32, #tpu.memory_space<hbm>> -> memref<80x128xi32, #tpu.memory_space<hbm>>
      %dma_wait3A_53 = arith.constant 0 : i32
      %dma_wait3A_54 = arith.constant 0 : i32
      %dma_wait3A_55 = tpu.memref_slice %arg4[%add3A, %dma_wait3A_53, %dma_wait3A_54] : memref<32x80x128xi32, #tpu.memory_space<hbm>> -> memref<1x80x128xi32, #tpu.memory_space<hbm>>
      %dma_wait3A_56 = tpu.memref_squeeze %dma_wait3A_55 : memref<1x80x128xi32, #tpu.memory_space<hbm>> -> memref<80x128xi32, #tpu.memory_space<hbm>>
      tpu.wait_dma2 semaphore(%run_scoped3A_40 : memref<!tpu.dma_semaphore, #tpu.memory_space<semaphore_mem>>) src(%dma_wait3A_56 : memref<80x128xi32, #tpu.memory_space<hbm>>) dst(%arg8 : memref<80x128xi32, #tpu.memory_space<vmem>>)
      tpu.yield
    }) : () -> ()
    %scan3A = arith.constant 0 : i32
    %scan3A_1 = arith.constant 80 : i32
    %scan3A_2 = arith.addi %scan3A, %scan3A_1 : i32
    %scan3A_3 = arith.constant 1 : i32
    scf.for %scan3A_40 = %scan3A to %scan3A_2 step %scan3A_3  : i32 {
      %mul3A_41 = arith.constant 1 : i32
      %mul3A_42 = arith.muli %scan3A_40, %mul3A_41 : i32
      %add3A_43 = arith.constant 0 : i32
      %add3A_44 = arith.addi %add3A_43, %mul3A_42 : i32
      %broadcast_in_dim3A = arith.constant 0.000000e+00 : f32
      %broadcast_in_dim3A_45 = vector.broadcast %broadcast_in_dim3A : f32 to vector<16xf32>
      %swap3A = arith.index_cast %add3A_44 : i32 to index
      %swap3A_46 = arith.constant 0 : index
      %swap3A_47 = tpu.vector_load %arg9[%swap3A, %swap3A_46] {strides = array<i32>} : memref<128x128xf32, #tpu.memory_space<vmem>>, vector<1x16xf32>,
      %swap3A_48 = vector.shape_cast %swap3A_47 : vector<1x16xf32> to vector<16xf32>
      %swap3A_49 = vector.shape_cast %broadcast_in_dim3A_45 : vector<16xf32> to vector<1x16xf32>
      tpu.vector_store %arg9[%swap3A, %swap3A_46], %swap3A_49 {strides = array<i32>} : memref<128x128xf32, #tpu.memory_space<vmem>>, vector<1x16xf32>,
      %broadcast_in_dim3A_50 = arith.constant 0.000000e+00 : f32
      %broadcast_in_dim3A_51 = vector.broadcast %broadcast_in_dim3A_50 : f32 to vector<16xf32>
      %swap3A_52 = arith.index_cast %add3A_44 : i32 to index
      %swap3A_53 = arith.constant 16 : index
      %swap3A_54 = tpu.vector_load %arg9[%swap3A_52, %swap3A_53] {strides = array<i32>} : memref<128x128xf32, #tpu.memory_space<vmem>>, vector<1x16xf32>,
      %swap3A_55 = vector.shape_cast %swap3A_54 : vector<1x16xf32> to vector<16xf32>
      %swap3A_56 = vector.shape_cast %broadcast_in_dim3A_51 : vector<16xf32> to vector<1x16xf32>
      tpu.vector_store %arg9[%swap3A_52, %swap3A_53], %swap3A_56 {strides = array<i32>} : memref<128x128xf32, #tpu.memory_space<vmem>>, vector<1x16xf32>,
      %broadcast_in_dim3A_57 = arith.constant 0.000000e+00 : f32
      %broadcast_in_dim3A_58 = vector.broadcast %broadcast_in_dim3A_57 : f32 to vector<16xf32>
      %swap3A_59 = arith.index_cast %add3A_44 : i32 to index
      %swap3A_60 = arith.constant 32 : index
      %swap3A_61 = tpu.vector_load %arg9[%swap3A_59, %swap3A_60] {strides = array<i32>} : memref<128x128xf32, #tpu.memory_space<vmem>>, vector<1x16xf32>,
      %swap3A_62 = vector.shape_cast %swap3A_61 : vector<1x16xf32> to vector<16xf32>
      %swap3A_63 = vector.shape_cast %broadcast_in_dim3A_58 : vector<16xf32> to vector<1x16xf32>
      tpu.vector_store %arg9[%swap3A_59, %swap3A_60], %swap3A_63 {strides = array<i32>} : memref<128x128xf32, #tpu.memory_space<vmem>>, vector<1x16xf32>,
      %broadcast_in_dim3A_64 = arith.constant 0.000000e+00 : f32
      %broadcast_in_dim3A_65 = vector.broadcast %broadcast_in_dim3A_64 : f32 to vector<16xf32>
      %swap3A_66 = arith.index_cast %add3A_44 : i32 to index
      %swap3A_67 = arith.constant 48 : index
      %swap3A_68 = tpu.vector_load %arg9[%swap3A_66, %swap3A_67] {strides = array<i32>} : memref<128x128xf32, #tpu.memory_space<vmem>>, vector<1x16xf32>,
      %swap3A_69 = vector.shape_cast %swap3A_68 : vector<1x16xf32> to vector<16xf32>
      %swap3A_70 = vector.shape_cast %broadcast_in_dim3A_65 : vector<16xf32> to vector<1x16xf32>
      tpu.vector_store %arg9[%swap3A_66, %swap3A_67], %swap3A_70 {strides = array<i32>} : memref<128x128xf32, #tpu.memory_space<vmem>>, vector<1x16xf32>,
      %broadcast_in_dim3A_71 = arith.constant 0.000000e+00 : f32
      %broadcast_in_dim3A_72 = vector.broadcast %broadcast_in_dim3A_71 : f32 to vector<16xf32>
      %swap3A_73 = arith.index_cast %add3A_44 : i32 to index
      %swap3A_74 = arith.constant 64 : index
      %swap3A_75 = tpu.vector_load %arg9[%swap3A_73, %swap3A_74] {strides = array<i32>} : memref<128x128xf32, #tpu.memory_space<vmem>>, vector<1x16xf32>,
      %swap3A_76 = vector.shape_cast %swap3A_75 : vector<1x16xf32> to vector<16xf32>
      %swap3A_77 = vector.shape_cast %broadcast_in_dim3A_72 : vector<16xf32> to vector<1x16xf32>
      tpu.vector_store %arg9[%swap3A_73, %swap3A_74], %swap3A_77 {strides = array<i32>} : memref<128x128xf32, #tpu.memory_space<vmem>>, vector<1x16xf32>,
      %broadcast_in_dim3A_78 = arith.constant 0.000000e+00 : f32
      %broadcast_in_dim3A_79 = vector.broadcast %broadcast_in_dim3A_78 : f32 to vector<16xf32>
      %swap3A_80 = arith.index_cast %add3A_44 : i32 to index
      %swap3A_81 = arith.constant 80 : index
      %swap3A_82 = tpu.vector_load %arg9[%swap3A_80, %swap3A_81] {strides = array<i32>} : memref<128x128xf32, #tpu.memory_space<vmem>>, vector<1x16xf32>,
      %swap3A_83 = vector.shape_cast %swap3A_82 : vector<1x16xf32> to vector<16xf32>
      %swap3A_84 = vector.shape_cast %broadcast_in_dim3A_79 : vector<16xf32> to vector<1x16xf32>
      tpu.vector_store %arg9[%swap3A_80, %swap3A_81], %swap3A_84 {strides = array<i32>} : memref<128x128xf32, #tpu.memory_space<vmem>>, vector<1x16xf32>,
      %broadcast_in_dim3A_85 = arith.constant 0.000000e+00 : f32
      %broadcast_in_dim3A_86 = vector.broadcast %broadcast_in_dim3A_85 : f32 to vector<16xf32>
      %swap3A_87 = arith.index_cast %add3A_44 : i32 to index
      %swap3A_88 = arith.constant 96 : index
      %swap3A_89 = tpu.vector_load %arg9[%swap3A_87, %swap3A_88] {strides = array<i32>} : memref<128x128xf32, #tpu.memory_space<vmem>>, vector<1x16xf32>,
      %swap3A_90 = vector.shape_cast %swap3A_89 : vector<1x16xf32> to vector<16xf32>
      %swap3A_91 = vector.shape_cast %broadcast_in_dim3A_86 : vector<16xf32> to vector<1x16xf32>
      tpu.vector_store %arg9[%swap3A_87, %swap3A_88], %swap3A_91 {strides = array<i32>} : memref<128x128xf32, #tpu.memory_space<vmem>>, vector<1x16xf32>,
      %broadcast_in_dim3A_92 = arith.constant 0.000000e+00 : f32
      %broadcast_in_dim3A_93 = vector.broadcast %broadcast_in_dim3A_92 : f32 to vector<16xf32>
      %swap3A_94 = arith.index_cast %add3A_44 : i32 to index
      %swap3A_95 = arith.constant 112 : index
      %swap3A_96 = tpu.vector_load %arg9[%swap3A_94, %swap3A_95] {strides = array<i32>} : memref<128x128xf32, #tpu.memory_space<vmem>>, vector<1x16xf32>,
      %swap3A_97 = vector.shape_cast %swap3A_96 : vector<1x16xf32> to vector<16xf32>
      %swap3A_98 = vector.shape_cast %broadcast_in_dim3A_93 : vector<16xf32> to vector<1x16xf32>
      tpu.vector_store %arg9[%swap3A_94, %swap3A_95], %swap3A_98 {strides = array<i32>} : memref<128x128xf32, #tpu.memory_space<vmem>>, vector<1x16xf32>,
    }
    %scan3A_4 = arith.constant 80 : i32
    %scan3A_5 = arith.constant 0 : i32
    %scan3A_6 = arith.constant 8 : i32
    %scan3A_7 = arith.addi %scan3A_5, %scan3A_6 : i32
    %scan3A_8 = arith.constant 1 : i32
    scf.for %scan3A_40 = %scan3A_5 to %scan3A_7 step %scan3A_8  : i32 {
      %mul3A_41 = arith.constant 1 : i32
      %mul3A_42 = arith.muli %scan3A_40, %mul3A_41 : i32
      %add3A_43 = arith.constant 0 : i32
      %add3A_44 = arith.addi %add3A_43, %mul3A_42 : i32
      %mul3A_45 = arith.constant 640 : i32
      %mul3A_46 = arith.muli %arg1, %mul3A_45 : i32
      %mul3A_47 = arith.constant 80 : i32
      %mul3A_48 = arith.muli %add3A_44, %mul3A_47 : i32
      %add3A_49 = arith.addi %mul3A_46, %mul3A_48 : i32
      "tpu.region"() ({
        %run_scoped3A_50 = tpu.sem_alloc : memref<!tpu.dma_semaphore, #tpu.memory_space<semaphore_mem>>
        %dma_start3A_51 = arith.constant 0 : i32
        %dma_start3A_52 = arith.constant 0 : i32
        %dma_start3A_53 = tpu.memref_slice %arg9[%dma_start3A_51, %dma_start3A_52] : memref<128x128xf32, #tpu.memory_space<vmem>> -> memref<80x128xf32, #tpu.memory_space<vmem>>
        %dma_start3A_54 = arith.constant 0 : i32
        %dma_start3A_55 = tpu.memref_slice %arg11[%add3A_49, %dma_start3A_54] : memref<10240x128xf32, #tpu.memory_space<vmem_shared>> -> memref<80x128xf32, #tpu.memory_space<vmem_shared>>
        %dma_start3A_56 = arith.constant 0 : i32
        %dma_start3A_57 = tpu.memref_slice %arg11[%add3A_49, %dma_start3A_56] : memref<10240x128xf32, #tpu.memory_space<vmem_shared>> -> memref<80x128xf32, #tpu.memory_space<vmem_shared>>
        %dma_start3A_58 = arith.constant 0 : i32
        %dma_start3A_59 = arith.constant 0 : i32
        %dma_start3A_60 = tpu.memref_slice %arg9[%dma_start3A_58, %dma_start3A_59] : memref<128x128xf32, #tpu.memory_space<vmem>> -> memref<80x128xf32, #tpu.memory_space<vmem>>
        tpu.enqueue_dma source(%dma_start3A_60 : memref<80x128xf32, #tpu.memory_space<vmem>>) target(%dma_start3A_57 : memref<80x128xf32, #tpu.memory_space<vmem_shared>>) target_semaphore(%run_scoped3A_50 : memref<!tpu.dma_semaphore, #tpu.memory_space<semaphore_mem>>)
        %dma_wait3A_61 = arith.constant 0 : i32
        %dma_wait3A_62 = arith.constant 0 : i32
        %dma_wait3A_63 = tpu.memref_slice %arg9[%dma_wait3A_61, %dma_wait3A_62] : memref<128x128xf32, #tpu.memory_space<vmem>> -> memref<80x128xf32, #tpu.memory_space<vmem>>
        %dma_wait3A_64 = arith.constant 0 : i32
        %dma_wait3A_65 = tpu.memref_slice %arg11[%add3A_49, %dma_wait3A_64] : memref<10240x128xf32, #tpu.memory_space<vmem_shared>> -> memref<80x128xf32, #tpu.memory_space<vmem_shared>>
        %dma_wait3A_66 = arith.constant 0 : i32
        %dma_wait3A_67 = tpu.memref_slice %arg11[%add3A_49, %dma_wait3A_66] : memref<10240x128xf32, #tpu.memory_space<vmem_shared>> -> memref<80x128xf32, #tpu.memory_space<vmem_shared>>
        %dma_wait3A_68 = arith.constant 0 : i32
        %dma_wait3A_69 = arith.constant 0 : i32
        %dma_wait3A_70 = tpu.memref_slice %arg9[%dma_wait3A_68, %dma_wait3A_69] : memref<128x128xf32, #tpu.memory_space<vmem>> -> memref<80x128xf32, #tpu.memory_space<vmem>>
        tpu.wait_dma2 semaphore(%run_scoped3A_50 : memref<!tpu.dma_semaphore, #tpu.memory_space<semaphore_mem>>) src(%dma_wait3A_70 : memref<80x128xf32, #tpu.memory_space<vmem>>) dst(%dma_wait3A_67 : memref<80x128xf32, #tpu.memory_space<vmem_shared>>)
        tpu.yield
      }) : () -> ()
    }
    %scan3A_9 = arith.constant 8 : i32
    %barrier3A = arith.constant 0 : index
    tpu.barrier barrier_id(%barrier3A)
    %run_scoped3A = arith.constant 0 : i32
    "tpu.region"() ({
      %run_scoped3A_40 = tpu.sem_alloc : memref<!tpu.dma_semaphore, #tpu.memory_space<semaphore_mem>>
      %dma_start3A_41 = arith.constant 0 : i32
      %dma_start3A_42 = arith.constant 0 : i32
      %dma_start3A_43 = tpu.memref_slice %arg3[%add3A, %dma_start3A_41, %dma_start3A_42] : memref<32x80x128xi32, #tpu.memory_space<hbm>> -> memref<1x80x128xi32, #tpu.memory_space<hbm>>
      %dma_start3A_44 = tpu.memref_squeeze %dma_start3A_43 : memref<1x80x128xi32, #tpu.memory_space<hbm>> -> memref<80x128xi32, #tpu.memory_space<hbm>>
      %dma_start3A_45 = arith.constant 0 : i32
      %dma_start3A_46 = tpu.memref_slice %dma_start3A_44[%run_scoped3A, %dma_start3A_45] : memref<80x128xi32, #tpu.memory_space<hbm>> -> memref<1x128xi32, #tpu.memory_space<hbm>>
      %dma_start3A_47 = tpu.memref_squeeze %dma_start3A_46 : memref<1x128xi32, #tpu.memory_space<hbm>> -> memref<128xi32, #tpu.memory_space<hbm>>
      %dma_start3A_48 = arith.constant 0 : i32
      %dma_start3A_49 = arith.constant 0 : i32
      %dma_start3A_50 = tpu.memref_slice %arg3[%add3A, %dma_start3A_48, %dma_start3A_49] : memref<32x80x128xi32, #tpu.memory_space<hbm>> -> memref<1x80x128xi32, #tpu.memory_space<hbm>>
      %dma_start3A_51 = tpu.memref_squeeze %dma_start3A_50 : memref<1x80x128xi32, #tpu.memory_space<hbm>> -> memref<80x128xi32, #tpu.memory_space<hbm>>
      %dma_start3A_52 = arith.constant 0 : i32
      %dma_start3A_53 = tpu.memref_slice %dma_start3A_51[%run_scoped3A, %dma_start3A_52] : memref<80x128xi32, #tpu.memory_space<hbm>> -> memref<1x128xi32, #tpu.memory_space<hbm>>
      %dma_start3A_54 = tpu.memref_squeeze %dma_start3A_53 : memref<1x128xi32, #tpu.memory_space<hbm>> -> memref<128xi32, #tpu.memory_space<hbm>>
      tpu.enqueue_dma source(%dma_start3A_54 : memref<128xi32, #tpu.memory_space<hbm>>) target(%arg6 : memref<128xi32, #tpu.memory_space<vmem>>) target_semaphore(%run_scoped3A_40 : memref<!tpu.dma_semaphore, #tpu.memory_space<semaphore_mem>>)
      %dma_wait3A_55 = arith.constant 0 : i32
      %dma_wait3A_56 = arith.constant 0 : i32
      %dma_wait3A_57 = tpu.memref_slice %arg3[%add3A, %dma_wait3A_55, %dma_wait3A_56] : memref<32x80x128xi32, #tpu.memory_space<hbm>> -> memref<1x80x128xi32, #tpu.memory_space<hbm>>
      %dma_wait3A_58 = tpu.memref_squeeze %dma_wait3A_57 : memref<1x80x128xi32, #tpu.memory_space<hbm>> -> memref<80x128xi32, #tpu.memory_space<hbm>>
      %dma_wait3A_59 = arith.constant 0 : i32
      %dma_wait3A_60 = tpu.memref_slice %dma_wait3A_58[%run_scoped3A, %dma_wait3A_59] : memref<80x128xi32, #tpu.memory_space<hbm>> -> memref<1x128xi32, #tpu.memory_space<hbm>>
      %dma_wait3A_61 = tpu.memref_squeeze %dma_wait3A_60 : memref<1x128xi32, #tpu.memory_space<hbm>> -> memref<128xi32, #tpu.memory_space<hbm>>
      %dma_wait3A_62 = arith.constant 0 : i32
      %dma_wait3A_63 = arith.constant 0 : i32
      %dma_wait3A_64 = tpu.memref_slice %arg3[%add3A, %dma_wait3A_62, %dma_wait3A_63] : memref<32x80x128xi32, #tpu.memory_space<hbm>> -> memref<1x80x128xi32, #tpu.memory_space<hbm>>
      %dma_wait3A_65 = tpu.memref_squeeze %dma_wait3A_64 : memref<1x80x128xi32, #tpu.memory_space<hbm>> -> memref<80x128xi32, #tpu.memory_space<hbm>>
      %dma_wait3A_66 = arith.constant 0 : i32
      %dma_wait3A_67 = tpu.memref_slice %dma_wait3A_65[%run_scoped3A, %dma_wait3A_66] : memref<80x128xi32, #tpu.memory_space<hbm>> -> memref<1x128xi32, #tpu.memory_space<hbm>>
      %dma_wait3A_68 = tpu.memref_squeeze %dma_wait3A_67 : memref<1x128xi32, #tpu.memory_space<hbm>> -> memref<128xi32, #tpu.memory_space<hbm>>
      tpu.wait_dma2 semaphore(%run_scoped3A_40 : memref<!tpu.dma_semaphore, #tpu.memory_space<semaphore_mem>>) src(%dma_wait3A_68 : memref<128xi32, #tpu.memory_space<hbm>>) dst(%arg6 : memref<128xi32, #tpu.memory_space<vmem>>)
      tpu.yield
    }) : () -> ()
    %run_scoped3A_10 = arith.constant 1 : i32
    "tpu.region"() ({
      %run_scoped3A_40 = tpu.sem_alloc : memref<!tpu.dma_semaphore, #tpu.memory_space<semaphore_mem>>
      %dma_start3A_41 = arith.constant 0 : i32
      %dma_start3A_42 = arith.constant 0 : i32
      %dma_start3A_43 = tpu.memref_slice %arg3[%add3A, %dma_start3A_41, %dma_start3A_42] : memref<32x80x128xi32, #tpu.memory_space<hbm>> -> memref<1x80x128xi32, #tpu.memory_space<hbm>>
      %dma_start3A_44 = tpu.memref_squeeze %dma_start3A_43 : memref<1x80x128xi32, #tpu.memory_space<hbm>> -> memref<80x128xi32, #tpu.memory_space<hbm>>
      %dma_start3A_45 = arith.constant 0 : i32
      %dma_start3A_46 = tpu.memref_slice %dma_start3A_44[%run_scoped3A_10, %dma_start3A_45] : memref<80x128xi32, #tpu.memory_space<hbm>> -> memref<1x128xi32, #tpu.memory_space<hbm>>
      %dma_start3A_47 = tpu.memref_squeeze %dma_start3A_46 : memref<1x128xi32, #tpu.memory_space<hbm>> -> memref<128xi32, #tpu.memory_space<hbm>>
      %dma_start3A_48 = arith.constant 0 : i32
      %dma_start3A_49 = arith.constant 0 : i32
      %dma_start3A_50 = tpu.memref_slice %arg3[%add3A, %dma_start3A_48, %dma_start3A_49] : memref<32x80x128xi32, #tpu.memory_space<hbm>> -> memref<1x80x128xi32, #tpu.memory_space<hbm>>
      %dma_start3A_51 = tpu.memref_squeeze %dma_start3A_50 : memref<1x80x128xi32, #tpu.memory_space<hbm>> -> memref<80x128xi32, #tpu.memory_space<hbm>>
      %dma_start3A_52 = arith.constant 0 : i32
      %dma_start3A_53 = tpu.memref_slice %dma_start3A_51[%run_scoped3A_10, %dma_start3A_52] : memref<80x128xi32, #tpu.memory_space<hbm>> -> memref<1x128xi32, #tpu.memory_space<hbm>>
      %dma_start3A_54 = tpu.memref_squeeze %dma_start3A_53 : memref<1x128xi32, #tpu.memory_space<hbm>> -> memref<128xi32, #tpu.memory_space<hbm>>
      tpu.enqueue_dma source(%dma_start3A_54 : memref<128xi32, #tpu.memory_space<hbm>>) target(%arg7 : memref<128xi32, #tpu.memory_space<vmem>>) target_semaphore(%run_scoped3A_40 : memref<!tpu.dma_semaphore, #tpu.memory_space<semaphore_mem>>)
      %dma_wait3A_55 = arith.constant 0 : i32
      %dma_wait3A_56 = arith.constant 0 : i32
      %dma_wait3A_57 = tpu.memref_slice %arg3[%add3A, %dma_wait3A_55, %dma_wait3A_56] : memref<32x80x128xi32, #tpu.memory_space<hbm>> -> memref<1x80x128xi32, #tpu.memory_space<hbm>>
      %dma_wait3A_58 = tpu.memref_squeeze %dma_wait3A_57 : memref<1x80x128xi32, #tpu.memory_space<hbm>> -> memref<80x128xi32, #tpu.memory_space<hbm>>
      %dma_wait3A_59 = arith.constant 0 : i32
      %dma_wait3A_60 = tpu.memref_slice %dma_wait3A_58[%run_scoped3A_10, %dma_wait3A_59] : memref<80x128xi32, #tpu.memory_space<hbm>> -> memref<1x128xi32, #tpu.memory_space<hbm>>
      %dma_wait3A_61 = tpu.memref_squeeze %dma_wait3A_60 : memref<1x128xi32, #tpu.memory_space<hbm>> -> memref<128xi32, #tpu.memory_space<hbm>>
      %dma_wait3A_62 = arith.constant 0 : i32
      %dma_wait3A_63 = arith.constant 0 : i32
      %dma_wait3A_64 = tpu.memref_slice %arg3[%add3A, %dma_wait3A_62, %dma_wait3A_63] : memref<32x80x128xi32, #tpu.memory_space<hbm>> -> memref<1x80x128xi32, #tpu.memory_space<hbm>>
      %dma_wait3A_65 = tpu.memref_squeeze %dma_wait3A_64 : memref<1x80x128xi32, #tpu.memory_space<hbm>> -> memref<80x128xi32, #tpu.memory_space<hbm>>
      %dma_wait3A_66 = arith.constant 0 : i32
      %dma_wait3A_67 = tpu.memref_slice %dma_wait3A_65[%run_scoped3A_10, %dma_wait3A_66] : memref<80x128xi32, #tpu.memory_space<hbm>> -> memref<1x128xi32, #tpu.memory_space<hbm>>
      %dma_wait3A_68 = tpu.memref_squeeze %dma_wait3A_67 : memref<1x128xi32, #tpu.memory_space<hbm>> -> memref<128xi32, #tpu.memory_space<hbm>>
      tpu.wait_dma2 semaphore(%run_scoped3A_40 : memref<!tpu.dma_semaphore, #tpu.memory_space<semaphore_mem>>) src(%dma_wait3A_68 : memref<128xi32, #tpu.memory_space<hbm>>) dst(%arg7 : memref<128xi32, #tpu.memory_space<vmem>>)
      tpu.yield
    }) : () -> ()
    %dma_start3A = arith.constant 0 : i32
    %dma_start3A_11 = arith.constant 0 : i32
    %dma_start3A_12 = tpu.memref_slice %arg2[%dma_start3A, %dma_start3A_11] : memref<10000x128xf32, #tpu.memory_space<hbm>> -> memref<10000x128xf32, #tpu.memory_space<hbm>>
    tpu.enqueue_indirect_dma source(%dma_start3A_12 : memref<10000x128xf32, #tpu.memory_space<hbm>>) target(%arg9 : memref<128x128xf32, #tpu.memory_space<vmem>>) offsets(%arg6 : memref<128xi32, #tpu.memory_space<vmem>>) semaphore(%arg12 : memref<!tpu.dma_semaphore, #tpu.memory_space<semaphore_mem>>)
    %dma_start3A_13 = arith.constant 0 : i32
    %dma_start3A_14 = arith.constant 0 : i32
    %dma_start3A_15 = tpu.memref_slice %arg2[%dma_start3A_13, %dma_start3A_14] : memref<10000x128xf32, #tpu.memory_space<hbm>> -> memref<10000x128xf32, #tpu.memory_space<hbm>>
    tpu.enqueue_indirect_dma source(%dma_start3A_15 : memref<10000x128xf32, #tpu.memory_space<hbm>>) target(%arg10 : memref<128x128xf32, #tpu.memory_space<vmem>>) offsets(%arg7 : memref<128xi32, #tpu.memory_space<vmem>>) semaphore(%arg13 : memref<!tpu.dma_semaphore, #tpu.memory_space<semaphore_mem>>)
    %scan3A_16 = arith.constant 0 : i32
    %scan3A_17 = arith.constant 40 : i32
    %scan3A_18 = arith.addi %scan3A_16, %scan3A_17 : i32
    %scan3A_19 = arith.constant 1 : i32
    scf.for %scan3A_40 = %scan3A_16 to %scan3A_18 step %scan3A_19  : i32 {
      %mul3A_41 = arith.constant 2 : i32
      %mul3A_42 = arith.muli %scan3A_40, %mul3A_41 : i32
      %add3A_43 = arith.constant 0 : i32
      %add3A_44 = arith.addi %add3A_43, %mul3A_42 : i32
      %dma_wait3A_45 = arith.constant 0 : i32
      %dma_wait3A_46 = arith.constant 0 : i32
      %dma_wait3A_47 = tpu.memref_slice %arg2[%dma_wait3A_45, %dma_wait3A_46] : memref<10000x128xf32, #tpu.memory_space<hbm>> -> memref<10000x128xf32, #tpu.memory_space<hbm>>
      tpu.wait_indirect_dma semaphore(%arg12 : memref<!tpu.dma_semaphore, #tpu.memory_space<semaphore_mem>>) src(%dma_wait3A_47 : memref<10000x128xf32, #tpu.memory_space<hbm>>) dst(%arg9 : memref<128x128xf32, #tpu.memory_space<vmem>>)
      %add3A_48 = arith.constant 2 : i32
      %add3A_49 = arith.addi %add3A_44, %add3A_48 : i32
      %lt3A = arith.constant 80 : i32
      %lt3A_50 = arith.cmpi slt, %add3A_49, %lt3A : i32
      %convert_element_type3A = arith.extui %lt3A_50 : i1 to i32
      %cond3A = arith.constant 0 : i32
      %cond3A_51 = arith.cmpi ne, %convert_element_type3A, %cond3A : i32
      scf.if %cond3A_51 {
        %add3A_83 = arith.constant 2 : i32
        %add3A_84 = arith.addi %add3A_44, %add3A_83 : i32
        %dma_start3A_85 = arith.constant 0 : i32
        %dma_start3A_86 = arith.constant 0 : i32
        %dma_start3A_87 = tpu.memref_slice %arg3[%add3A, %dma_start3A_85, %dma_start3A_86] : memref<32x80x128xi32, #tpu.memory_space<hbm>> -> memref<1x80x128xi32, #tpu.memory_space<hbm>>
        %dma_start3A_88 = tpu.memref_squeeze %dma_start3A_87 : memref<1x80x128xi32, #tpu.memory_space<hbm>> -> memref<80x128xi32, #tpu.memory_space<hbm>>
        %dma_start3A_89 = arith.constant 0 : i32
        %dma_start3A_90 = tpu.memref_slice %dma_start3A_88[%add3A_84, %dma_start3A_89] : memref<80x128xi32, #tpu.memory_space<hbm>> -> memref<1x128xi32, #tpu.memory_space<hbm>>
        %dma_start3A_91 = tpu.memref_squeeze %dma_start3A_90 : memref<1x128xi32, #tpu.memory_space<hbm>> -> memref<128xi32, #tpu.memory_space<hbm>>
        %dma_start3A_92 = arith.constant 0 : i32
        %dma_start3A_93 = arith.constant 0 : i32
        %dma_start3A_94 = tpu.memref_slice %arg3[%add3A, %dma_start3A_92, %dma_start3A_93] : memref<32x80x128xi32, #tpu.memory_space<hbm>> -> memref<1x80x128xi32, #tpu.memory_space<hbm>>
        %dma_start3A_95 = tpu.memref_squeeze %dma_start3A_94 : memref<1x80x128xi32, #tpu.memory_space<hbm>> -> memref<80x128xi32, #tpu.memory_space<hbm>>
        %dma_start3A_96 = arith.constant 0 : i32
        %dma_start3A_97 = tpu.memref_slice %dma_start3A_95[%add3A_84, %dma_start3A_96] : memref<80x128xi32, #tpu.memory_space<hbm>> -> memref<1x128xi32, #tpu.memory_space<hbm>>
        %dma_start3A_98 = tpu.memref_squeeze %dma_start3A_97 : memref<1x128xi32, #tpu.memory_space<hbm>> -> memref<128xi32, #tpu.memory_space<hbm>>
        tpu.enqueue_dma source(%dma_start3A_98 : memref<128xi32, #tpu.memory_space<hbm>>) target(%arg6 : memref<128xi32, #tpu.memory_space<vmem>>) target_semaphore(%arg16 : memref<!tpu.dma_semaphore, #tpu.memory_space<semaphore_mem>>)
      } else {
      }
      %dma_start3A_52 = arith.constant 0 : i32
      %dma_start3A_53 = tpu.memref_slice %arg8[%add3A_44, %dma_start3A_52] : memref<80x128xi32, #tpu.memory_space<vmem>> -> memref<1x128xi32, #tpu.memory_space<vmem>>
      %dma_start3A_54 = tpu.memref_squeeze %dma_start3A_53 : memref<1x128xi32, #tpu.memory_space<vmem>> -> memref<128xi32, #tpu.memory_space<vmem>>
      %dma_start3A_55 = arith.constant 0 : i32
      %dma_start3A_56 = arith.constant 0 : i32
      %dma_start3A_57 = tpu.memref_slice %arg11[%dma_start3A_55, %dma_start3A_56] : memref<10240x128xf32, #tpu.memory_space<vmem_shared>> -> memref<10240x128xf32, #tpu.memory_space<vmem_shared>>
      tpu.enqueue_indirect_dma source(%arg9 : memref<128x128xf32, #tpu.memory_space<vmem>>) target(%dma_start3A_57 : memref<10240x128xf32, #tpu.memory_space<vmem_shared>>) offsets(%dma_start3A_54 : memref<128xi32, #tpu.memory_space<vmem>>) semaphore(%arg14 : memref<!tpu.dma_semaphore, #tpu.memory_space<semaphore_mem>>) {add = true}
      %dma_wait3A_58 = arith.constant 0 : i32
      %dma_wait3A_59 = arith.constant 0 : i32
      %dma_wait3A_60 = tpu.memref_slice %arg2[%dma_wait3A_58, %dma_wait3A_59] : memref<10000x128xf32, #tpu.memory_space<hbm>> -> memref<10000x128xf32, #tpu.memory_space<hbm>>
      tpu.wait_indirect_dma semaphore(%arg13 : memref<!tpu.dma_semaphore, #tpu.memory_space<semaphore_mem>>) src(%dma_wait3A_60 : memref<10000x128xf32, #tpu.memory_space<hbm>>) dst(%arg10 : memref<128x128xf32, #tpu.memory_space<vmem>>)
      %add3A_61 = arith.constant 2 : i32
      %add3A_62 = arith.addi %add3A_44, %add3A_61 : i32
      %lt3A_63 = arith.constant 80 : i32
      %lt3A_64 = arith.cmpi slt, %add3A_62, %lt3A_63 : i32
      %convert_element_type3A_65 = arith.extui %lt3A_64 : i1 to i32
      %cond3A_66 = arith.constant 0 : i32
      %cond3A_67 = arith.cmpi ne, %convert_element_type3A_65, %cond3A_66 : i32
      scf.if %cond3A_67 {
        %add3A_83 = arith.constant 3 : i32
        %add3A_84 = arith.addi %add3A_44, %add3A_83 : i32
        %dma_start3A_85 = arith.constant 0 : i32
        %dma_start3A_86 = arith.constant 0 : i32
        %dma_start3A_87 = tpu.memref_slice %arg3[%add3A, %dma_start3A_85, %dma_start3A_86] : memref<32x80x128xi32, #tpu.memory_space<hbm>> -> memref<1x80x128xi32, #tpu.memory_space<hbm>>
        %dma_start3A_88 = tpu.memref_squeeze %dma_start3A_87 : memref<1x80x128xi32, #tpu.memory_space<hbm>> -> memref<80x128xi32, #tpu.memory_space<hbm>>
        %dma_start3A_89 = arith.constant 0 : i32
        %dma_start3A_90 = tpu.memref_slice %dma_start3A_88[%add3A_84, %dma_start3A_89] : memref<80x128xi32, #tpu.memory_space<hbm>> -> memref<1x128xi32, #tpu.memory_space<hbm>>
        %dma_start3A_91 = tpu.memref_squeeze %dma_start3A_90 : memref<1x128xi32, #tpu.memory_space<hbm>> -> memref<128xi32, #tpu.memory_space<hbm>>
        %dma_start3A_92 = arith.constant 0 : i32
        %dma_start3A_93 = arith.constant 0 : i32
        %dma_start3A_94 = tpu.memref_slice %arg3[%add3A, %dma_start3A_92, %dma_start3A_93] : memref<32x80x128xi32, #tpu.memory_space<hbm>> -> memref<1x80x128xi32, #tpu.memory_space<hbm>>
        %dma_start3A_95 = tpu.memref_squeeze %dma_start3A_94 : memref<1x80x128xi32, #tpu.memory_space<hbm>> -> memref<80x128xi32, #tpu.memory_space<hbm>>
        %dma_start3A_96 = arith.constant 0 : i32
        %dma_start3A_97 = tpu.memref_slice %dma_start3A_95[%add3A_84, %dma_start3A_96] : memref<80x128xi32, #tpu.memory_space<hbm>> -> memref<1x128xi32, #tpu.memory_space<hbm>>
        %dma_start3A_98 = tpu.memref_squeeze %dma_start3A_97 : memref<1x128xi32, #tpu.memory_space<hbm>> -> memref<128xi32, #tpu.memory_space<hbm>>
        tpu.enqueue_dma source(%dma_start3A_98 : memref<128xi32, #tpu.memory_space<hbm>>) target(%arg7 : memref<128xi32, #tpu.memory_space<vmem>>) target_semaphore(%arg17 : memref<!tpu.dma_semaphore, #tpu.memory_space<semaphore_mem>>)
      } else {
      }
      %add3A_68 = arith.constant 1 : i32
      %add3A_69 = arith.addi %add3A_44, %add3A_68 : i32
      %dma_start3A_70 = arith.constant 0 : i32
      %dma_start3A_71 = tpu.memref_slice %arg8[%add3A_69, %dma_start3A_70] : memref<80x128xi32, #tpu.memory_space<vmem>> -> memref<1x128xi32, #tpu.memory_space<vmem>>
      %dma_start3A_72 = tpu.memref_squeeze %dma_start3A_71 : memref<1x128xi32, #tpu.memory_space<vmem>> -> memref<128xi32, #tpu.memory_space<vmem>>
      %dma_start3A_73 = arith.constant 0 : i32
      %dma_start3A_74 = arith.constant 0 : i32
      %dma_start3A_75 = tpu.memref_slice %arg11[%dma_start3A_73, %dma_start3A_74] : memref<10240x128xf32, #tpu.memory_space<vmem_shared>> -> memref<10240x128xf32, #tpu.memory_space<vmem_shared>>
      tpu.enqueue_indirect_dma source(%arg10 : memref<128x128xf32, #tpu.memory_space<vmem>>) target(%dma_start3A_75 : memref<10240x128xf32, #tpu.memory_space<vmem_shared>>) offsets(%dma_start3A_72 : memref<128xi32, #tpu.memory_space<vmem>>) semaphore(%arg15 : memref<!tpu.dma_semaphore, #tpu.memory_space<semaphore_mem>>) {add = true}
      %add3A_76 = arith.constant 2 : i32
      %add3A_77 = arith.addi %add3A_44, %add3A_76 : i32
      %lt3A_78 = arith.constant 80 : i32
      %lt3A_79 = arith.cmpi slt, %add3A_77, %lt3A_78 : i32
      %convert_element_type3A_80 = arith.extui %lt3A_79 : i1 to i32
      %cond3A_81 = arith.constant 0 : i32
      %cond3A_82 = arith.cmpi ne, %convert_element_type3A_80, %cond3A_81 : i32
      scf.if %cond3A_82 {
        %dma_wait3A_83 = arith.constant 0 : i32
        %dma_wait3A_84 = tpu.memref_slice %arg8[%add3A_44, %dma_wait3A_83] : memref<80x128xi32, #tpu.memory_space<vmem>> -> memref<1x128xi32, #tpu.memory_space<vmem>>
        %dma_wait3A_85 = tpu.memref_squeeze %dma_wait3A_84 : memref<1x128xi32, #tpu.memory_space<vmem>> -> memref<128xi32, #tpu.memory_space<vmem>>
        %dma_wait3A_86 = arith.constant 0 : i32
        %dma_wait3A_87 = arith.constant 0 : i32
        %dma_wait3A_88 = tpu.memref_slice %arg11[%dma_wait3A_86, %dma_wait3A_87] : memref<10240x128xf32, #tpu.memory_space<vmem_shared>> -> memref<10240x128xf32, #tpu.memory_space<vmem_shared>>
        tpu.wait_indirect_dma semaphore(%arg14 : memref<!tpu.dma_semaphore, #tpu.memory_space<semaphore_mem>>) src(%arg9 : memref<128x128xf32, #tpu.memory_space<vmem>>) dst(%dma_wait3A_88 : memref<10240x128xf32, #tpu.memory_space<vmem_shared>>)
        %add3A_89 = arith.constant 2 : i32
        %add3A_90 = arith.addi %add3A_44, %add3A_89 : i32
        %dma_wait3A_91 = arith.constant 0 : i32
        %dma_wait3A_92 = arith.constant 0 : i32
        %dma_wait3A_93 = tpu.memref_slice %arg3[%add3A, %dma_wait3A_91, %dma_wait3A_92] : memref<32x80x128xi32, #tpu.memory_space<hbm>> -> memref<1x80x128xi32, #tpu.memory_space<hbm>>
        %dma_wait3A_94 = tpu.memref_squeeze %dma_wait3A_93 : memref<1x80x128xi32, #tpu.memory_space<hbm>> -> memref<80x128xi32, #tpu.memory_space<hbm>>
        %dma_wait3A_95 = arith.constant 0 : i32
        %dma_wait3A_96 = tpu.memref_slice %dma_wait3A_94[%add3A_90, %dma_wait3A_95] : memref<80x128xi32, #tpu.memory_space<hbm>> -> memref<1x128xi32, #tpu.memory_space<hbm>>
        %dma_wait3A_97 = tpu.memref_squeeze %dma_wait3A_96 : memref<1x128xi32, #tpu.memory_space<hbm>> -> memref<128xi32, #tpu.memory_space<hbm>>
        %dma_wait3A_98 = arith.constant 0 : i32
        %dma_wait3A_99 = arith.constant 0 : i32
        %dma_wait3A_100 = tpu.memref_slice %arg3[%add3A, %dma_wait3A_98, %dma_wait3A_99] : memref<32x80x128xi32, #tpu.memory_space<hbm>> -> memref<1x80x128xi32, #tpu.memory_space<hbm>>
        %dma_wait3A_101 = tpu.memref_squeeze %dma_wait3A_100 : memref<1x80x128xi32, #tpu.memory_space<hbm>> -> memref<80x128xi32, #tpu.memory_space<hbm>>
        %dma_wait3A_102 = arith.constant 0 : i32
        %dma_wait3A_103 = tpu.memref_slice %dma_wait3A_101[%add3A_90, %dma_wait3A_102] : memref<80x128xi32, #tpu.memory_space<hbm>> -> memref<1x128xi32, #tpu.memory_space<hbm>>
        %dma_wait3A_104 = tpu.memref_squeeze %dma_wait3A_103 : memref<1x128xi32, #tpu.memory_space<hbm>> -> memref<128xi32, #tpu.memory_space<hbm>>
        tpu.wait_dma2 semaphore(%arg16 : memref<!tpu.dma_semaphore, #tpu.memory_space<semaphore_mem>>) src(%dma_wait3A_104 : memref<128xi32, #tpu.memory_space<hbm>>) dst(%arg6 : memref<128xi32, #tpu.memory_space<vmem>>)
        %dma_start3A_105 = arith.constant 0 : i32
        %dma_start3A_106 = arith.constant 0 : i32
        %dma_start3A_107 = tpu.memref_slice %arg2[%dma_start3A_105, %dma_start3A_106] : memref<10000x128xf32, #tpu.memory_space<hbm>> -> memref<10000x128xf32, #tpu.memory_space<hbm>>
        tpu.enqueue_indirect_dma source(%dma_start3A_107 : memref<10000x128xf32, #tpu.memory_space<hbm>>) target(%arg9 : memref<128x128xf32, #tpu.memory_space<vmem>>) offsets(%arg6 : memref<128xi32, #tpu.memory_space<vmem>>) semaphore(%arg12 : memref<!tpu.dma_semaphore, #tpu.memory_space<semaphore_mem>>)
        %add3A_108 = arith.constant 1 : i32
        %add3A_109 = arith.addi %add3A_44, %add3A_108 : i32
        %dma_wait3A_110 = arith.constant 0 : i32
        %dma_wait3A_111 = tpu.memref_slice %arg8[%add3A_109, %dma_wait3A_110] : memref<80x128xi32, #tpu.memory_space<vmem>> -> memref<1x128xi32, #tpu.memory_space<vmem>>
        %dma_wait3A_112 = tpu.memref_squeeze %dma_wait3A_111 : memref<1x128xi32, #tpu.memory_space<vmem>> -> memref<128xi32, #tpu.memory_space<vmem>>
        %dma_wait3A_113 = arith.constant 0 : i32
        %dma_wait3A_114 = arith.constant 0 : i32
        %dma_wait3A_115 = tpu.memref_slice %arg11[%dma_wait3A_113, %dma_wait3A_114] : memref<10240x128xf32, #tpu.memory_space<vmem_shared>> -> memref<10240x128xf32, #tpu.memory_space<vmem_shared>>
        tpu.wait_indirect_dma semaphore(%arg15 : memref<!tpu.dma_semaphore, #tpu.memory_space<semaphore_mem>>) src(%arg10 : memref<128x128xf32, #tpu.memory_space<vmem>>) dst(%dma_wait3A_115 : memref<10240x128xf32, #tpu.memory_space<vmem_shared>>)
        %add3A_116 = arith.constant 3 : i32
        %add3A_117 = arith.addi %add3A_44, %add3A_116 : i32
        %dma_wait3A_118 = arith.constant 0 : i32
        %dma_wait3A_119 = arith.constant 0 : i32
        %dma_wait3A_120 = tpu.memref_slice %arg3[%add3A, %dma_wait3A_118, %dma_wait3A_119] : memref<32x80x128xi32, #tpu.memory_space<hbm>> -> memref<1x80x128xi32, #tpu.memory_space<hbm>>
        %dma_wait3A_121 = tpu.memref_squeeze %dma_wait3A_120 : memref<1x80x128xi32, #tpu.memory_space<hbm>> -> memref<80x128xi32, #tpu.memory_space<hbm>>
        %dma_wait3A_122 = arith.constant 0 : i32
        %dma_wait3A_123 = tpu.memref_slice %dma_wait3A_121[%add3A_117, %dma_wait3A_122] : memref<80x128xi32, #tpu.memory_space<hbm>> -> memref<1x128xi32, #tpu.memory_space<hbm>>
        %dma_wait3A_124 = tpu.memref_squeeze %dma_wait3A_123 : memref<1x128xi32, #tpu.memory_space<hbm>> -> memref<128xi32, #tpu.memory_space<hbm>>
        %dma_wait3A_125 = arith.constant 0 : i32
        %dma_wait3A_126 = arith.constant 0 : i32
        %dma_wait3A_127 = tpu.memref_slice %arg3[%add3A, %dma_wait3A_125, %dma_wait3A_126] : memref<32x80x128xi32, #tpu.memory_space<hbm>> -> memref<1x80x128xi32, #tpu.memory_space<hbm>>
        %dma_wait3A_128 = tpu.memref_squeeze %dma_wait3A_127 : memref<1x80x128xi32, #tpu.memory_space<hbm>> -> memref<80x128xi32, #tpu.memory_space<hbm>>
        %dma_wait3A_129 = arith.constant 0 : i32
        %dma_wait3A_130 = tpu.memref_slice %dma_wait3A_128[%add3A_117, %dma_wait3A_129] : memref<80x128xi32, #tpu.memory_space<hbm>> -> memref<1x128xi32, #tpu.memory_space<hbm>>
        %dma_wait3A_131 = tpu.memref_squeeze %dma_wait3A_130 : memref<1x128xi32, #tpu.memory_space<hbm>> -> memref<128xi32, #tpu.memory_space<hbm>>
        tpu.wait_dma2 semaphore(%arg17 : memref<!tpu.dma_semaphore, #tpu.memory_space<semaphore_mem>>) src(%dma_wait3A_131 : memref<128xi32, #tpu.memory_space<hbm>>) dst(%arg7 : memref<128xi32, #tpu.memory_space<vmem>>)
        %dma_start3A_132 = arith.constant 0 : i32
        %dma_start3A_133 = arith.constant 0 : i32
        %dma_start3A_134 = tpu.memref_slice %arg2[%dma_start3A_132, %dma_start3A_133] : memref<10000x128xf32, #tpu.memory_space<hbm>> -> memref<10000x128xf32, #tpu.memory_space<hbm>>
        tpu.enqueue_indirect_dma source(%dma_start3A_134 : memref<10000x128xf32, #tpu.memory_space<hbm>>) target(%arg10 : memref<128x128xf32, #tpu.memory_space<vmem>>) offsets(%arg7 : memref<128xi32, #tpu.memory_space<vmem>>) semaphore(%arg13 : memref<!tpu.dma_semaphore, #tpu.memory_space<semaphore_mem>>)
      } else {
      }
    }
    %scan3A_20 = arith.constant 40 : i32
    %dma_wait3A = arith.constant 78 : i32
    %dma_wait3A_21 = arith.constant 0 : i32
    %dma_wait3A_22 = tpu.memref_slice %arg8[%dma_wait3A, %dma_wait3A_21] : memref<80x128xi32, #tpu.memory_space<vmem>> -> memref<1x128xi32, #tpu.memory_space<vmem>>
    %dma_wait3A_23 = tpu.memref_squeeze %dma_wait3A_22 : memref<1x128xi32, #tpu.memory_space<vmem>> -> memref<128xi32, #tpu.memory_space<vmem>>
    %dma_wait3A_24 = arith.constant 0 : i32
    %dma_wait3A_25 = arith.constant 0 : i32
    %dma_wait3A_26 = tpu.memref_slice %arg11[%dma_wait3A_24, %dma_wait3A_25] : memref<10240x128xf32, #tpu.memory_space<vmem_shared>> -> memref<10240x128xf32, #tpu.memory_space<vmem_shared>>
    tpu.wait_indirect_dma semaphore(%arg14 : memref<!tpu.dma_semaphore, #tpu.memory_space<semaphore_mem>>) src(%arg9 : memref<128x128xf32, #tpu.memory_space<vmem>>) dst(%dma_wait3A_26 : memref<10240x128xf32, #tpu.memory_space<vmem_shared>>)
    %dma_wait3A_27 = arith.constant 79 : i32
    %dma_wait3A_28 = arith.constant 0 : i32
    %dma_wait3A_29 = tpu.memref_slice %arg8[%dma_wait3A_27, %dma_wait3A_28] : memref<80x128xi32, #tpu.memory_space<vmem>> -> memref<1x128xi32, #tpu.memory_space<vmem>>
    %dma_wait3A_30 = tpu.memref_squeeze %dma_wait3A_29 : memref<1x128xi32, #tpu.memory_space<vmem>> -> memref<128xi32, #tpu.memory_space<vmem>>
    %dma_wait3A_31 = arith.constant 0 : i32
    %dma_wait3A_32 = arith.constant 0 : i32
    %dma_wait3A_33 = tpu.memref_slice %arg11[%dma_wait3A_31, %dma_wait3A_32] : memref<10240x128xf32, #tpu.memory_space<vmem_shared>> -> memref<10240x128xf32, #tpu.memory_space<vmem_shared>>
    tpu.wait_indirect_dma semaphore(%arg15 : memref<!tpu.dma_semaphore, #tpu.memory_space<semaphore_mem>>) src(%arg10 : memref<128x128xf32, #tpu.memory_space<vmem>>) dst(%dma_wait3A_33 : memref<10240x128xf32, #tpu.memory_space<vmem_shared>>)
    %barrier3A_34 = arith.constant 0 : index
    tpu.barrier barrier_id(%barrier3A_34)
    %scan3A_35 = arith.constant 0 : i32
    %scan3A_36 = arith.constant 8 : i32
    %scan3A_37 = arith.addi %scan3A_35, %scan3A_36 : i32
    %scan3A_38 = arith.constant 1 : i32
    scf.for %scan3A_40 = %scan3A_35 to %scan3A_37 step %scan3A_38  : i32 {
      %mul3A_41 = arith.constant 1 : i32
      %mul3A_42 = arith.muli %scan3A_40, %mul3A_41 : i32
      %add3A_43 = arith.constant 0 : i32
      %add3A_44 = arith.addi %add3A_43, %mul3A_42 : i32
      %mul3A_45 = arith.constant 640 : i32
      %mul3A_46 = arith.muli %arg1, %mul3A_45 : i32
      %mul3A_47 = arith.constant 80 : i32
      %mul3A_48 = arith.muli %add3A_44, %mul3A_47 : i32
      %add3A_49 = arith.addi %mul3A_46, %mul3A_48 : i32
      "tpu.region"() ({
        %run_scoped3A_50 = tpu.sem_alloc : memref<!tpu.dma_semaphore, #tpu.memory_space<semaphore_mem>>
        %dma_start3A_51 = arith.constant 0 : i32
        %dma_start3A_52 = arith.constant 0 : i32
        %dma_start3A_53 = tpu.memref_slice %arg9[%dma_start3A_51, %dma_start3A_52] : memref<128x128xf32, #tpu.memory_space<vmem>> -> memref<80x128xf32, #tpu.memory_space<vmem>>
        %dma_start3A_54 = arith.constant 0 : i32
        %dma_start3A_55 = tpu.memref_slice %arg11[%add3A_49, %dma_start3A_54] : memref<10240x128xf32, #tpu.memory_space<vmem_shared>> -> memref<80x128xf32, #tpu.memory_space<vmem_shared>>
        %dma_start3A_56 = arith.constant 0 : i32
        %dma_start3A_57 = arith.constant 0 : i32
        %dma_start3A_58 = tpu.memref_slice %arg9[%dma_start3A_56, %dma_start3A_57] : memref<128x128xf32, #tpu.memory_space<vmem>> -> memref<80x128xf32, #tpu.memory_space<vmem>>
        %dma_start3A_59 = arith.constant 0 : i32
        %dma_start3A_60 = tpu.memref_slice %arg11[%add3A_49, %dma_start3A_59] : memref<10240x128xf32, #tpu.memory_space<vmem_shared>> -> memref<80x128xf32, #tpu.memory_space<vmem_shared>>
        tpu.enqueue_dma source(%dma_start3A_60 : memref<80x128xf32, #tpu.memory_space<vmem_shared>>) target(%dma_start3A_58 : memref<80x128xf32, #tpu.memory_space<vmem>>) target_semaphore(%run_scoped3A_50 : memref<!tpu.dma_semaphore, #tpu.memory_space<semaphore_mem>>)
        %dma_wait3A_61 = arith.constant 0 : i32
        %dma_wait3A_62 = arith.constant 0 : i32
        %dma_wait3A_63 = tpu.memref_slice %arg9[%dma_wait3A_61, %dma_wait3A_62] : memref<128x128xf32, #tpu.memory_space<vmem>> -> memref<80x128xf32, #tpu.memory_space<vmem>>
        %dma_wait3A_64 = arith.constant 0 : i32
        %dma_wait3A_65 = tpu.memref_slice %arg11[%add3A_49, %dma_wait3A_64] : memref<10240x128xf32, #tpu.memory_space<vmem_shared>> -> memref<80x128xf32, #tpu.memory_space<vmem_shared>>
        %dma_wait3A_66 = arith.constant 0 : i32
        %dma_wait3A_67 = arith.constant 0 : i32
        %dma_wait3A_68 = tpu.memref_slice %arg9[%dma_wait3A_66, %dma_wait3A_67] : memref<128x128xf32, #tpu.memory_space<vmem>> -> memref<80x128xf32, #tpu.memory_space<vmem>>
        %dma_wait3A_69 = arith.constant 0 : i32
        %dma_wait3A_70 = tpu.memref_slice %arg11[%add3A_49, %dma_wait3A_69] : memref<10240x128xf32, #tpu.memory_space<vmem_shared>> -> memref<80x128xf32, #tpu.memory_space<vmem_shared>>
        tpu.wait_dma2 semaphore(%run_scoped3A_50 : memref<!tpu.dma_semaphore, #tpu.memory_space<semaphore_mem>>) src(%dma_wait3A_70 : memref<80x128xf32, #tpu.memory_space<vmem_shared>>) dst(%dma_wait3A_68 : memref<80x128xf32, #tpu.memory_space<vmem>>)
        tpu.yield
      }) : () -> ()
      "tpu.region"() ({
        %run_scoped3A_50 = tpu.sem_alloc : memref<!tpu.dma_semaphore, #tpu.memory_space<semaphore_mem>>
        %dma_start3A_51 = arith.constant 0 : i32
        %dma_start3A_52 = arith.constant 0 : i32
        %dma_start3A_53 = tpu.memref_slice %arg9[%dma_start3A_51, %dma_start3A_52] : memref<128x128xf32, #tpu.memory_space<vmem>> -> memref<80x128xf32, #tpu.memory_space<vmem>>
        %dma_start3A_54 = arith.constant 0 : i32
        %dma_start3A_55 = arith.constant 0 : i32
        %dma_start3A_56 = tpu.memref_slice %arg5[%arg0, %dma_start3A_54, %dma_start3A_55] : memref<2x10240x128xf32, #tpu.memory_space<hbm>> -> memref<1x10240x128xf32, #tpu.memory_space<hbm>>
        %dma_start3A_57 = tpu.memref_squeeze %dma_start3A_56 : memref<1x10240x128xf32, #tpu.memory_space<hbm>> -> memref<10240x128xf32, #tpu.memory_space<hbm>>
        %dma_start3A_58 = arith.constant 0 : i32
        %dma_start3A_59 = tpu.memref_slice %dma_start3A_57[%add3A_49, %dma_start3A_58] : memref<10240x128xf32, #tpu.memory_space<hbm>> -> memref<80x128xf32, #tpu.memory_space<hbm>>
        %dma_start3A_60 = arith.constant 0 : i32
        %dma_start3A_61 = arith.constant 0 : i32
        %dma_start3A_62 = tpu.memref_slice %arg5[%arg0, %dma_start3A_60, %dma_start3A_61] : memref<2x10240x128xf32, #tpu.memory_space<hbm>> -> memref<1x10240x128xf32, #tpu.memory_space<hbm>>
        %dma_start3A_63 = tpu.memref_squeeze %dma_start3A_62 : memref<1x10240x128xf32, #tpu.memory_space<hbm>> -> memref<10240x128xf32, #tpu.memory_space<hbm>>
        %dma_start3A_64 = arith.constant 0 : i32
        %dma_start3A_65 = tpu.memref_slice %dma_start3A_63[%add3A_49, %dma_start3A_64] : memref<10240x128xf32, #tpu.memory_space<hbm>> -> memref<80x128xf32, #tpu.memory_space<hbm>>
        %dma_start3A_66 = arith.constant 0 : i32
        %dma_start3A_67 = arith.constant 0 : i32
        %dma_start3A_68 = tpu.memref_slice %arg9[%dma_start3A_66, %dma_start3A_67] : memref<128x128xf32, #tpu.memory_space<vmem>> -> memref<80x128xf32, #tpu.memory_space<vmem>>
        tpu.enqueue_dma source(%dma_start3A_68 : memref<80x128xf32, #tpu.memory_space<vmem>>) target(%dma_start3A_65 : memref<80x128xf32, #tpu.memory_space<hbm>>) target_semaphore(%run_scoped3A_50 : memref<!tpu.dma_semaphore, #tpu.memory_space<semaphore_mem>>)
        %dma_wait3A_69 = arith.constant 0 : i32
        %dma_wait3A_70 = arith.constant 0 : i32
        %dma_wait3A_71 = tpu.memref_slice %arg9[%dma_wait3A_69, %dma_wait3A_70] : memref<128x128xf32, #tpu.memory_space<vmem>> -> memref<80x128xf32, #tpu.memory_space<vmem>>
        %dma_wait3A_72 = arith.constant 0 : i32
        %dma_wait3A_73 = arith.constant 0 : i32
        %dma_wait3A_74 = tpu.memref_slice %arg5[%arg0, %dma_wait3A_72, %dma_wait3A_73] : memref<2x10240x128xf32, #tpu.memory_space<hbm>> -> memref<1x10240x128xf32, #tpu.memory_space<hbm>>
        %dma_wait3A_75 = tpu.memref_squeeze %dma_wait3A_74 : memref<1x10240x128xf32, #tpu.memory_space<hbm>> -> memref<10240x128xf32, #tpu.memory_space<hbm>>
        %dma_wait3A_76 = arith.constant 0 : i32
        %dma_wait3A_77 = tpu.memref_slice %dma_wait3A_75[%add3A_49, %dma_wait3A_76] : memref<10240x128xf32, #tpu.memory_space<hbm>> -> memref<80x128xf32, #tpu.memory_space<hbm>>
        %dma_wait3A_78 = arith.constant 0 : i32
        %dma_wait3A_79 = arith.constant 0 : i32
        %dma_wait3A_80 = tpu.memref_slice %arg5[%arg0, %dma_wait3A_78, %dma_wait3A_79] : memref<2x10240x128xf32, #tpu.memory_space<hbm>> -> memref<1x10240x128xf32, #tpu.memory_space<hbm>>
        %dma_wait3A_81 = tpu.memref_squeeze %dma_wait3A_80 : memref<1x10240x128xf32, #tpu.memory_space<hbm>> -> memref<10240x128xf32, #tpu.memory_space<hbm>>
        %dma_wait3A_82 = arith.constant 0 : i32
        %dma_wait3A_83 = tpu.memref_slice %dma_wait3A_81[%add3A_49, %dma_wait3A_82] : memref<10240x128xf32, #tpu.memory_space<hbm>> -> memref<80x128xf32, #tpu.memory_space<hbm>>
        %dma_wait3A_84 = arith.constant 0 : i32
        %dma_wait3A_85 = arith.constant 0 : i32
        %dma_wait3A_86 = tpu.memref_slice %arg9[%dma_wait3A_84, %dma_wait3A_85] : memref<128x128xf32, #tpu.memory_space<vmem>> -> memref<80x128xf32, #tpu.memory_space<vmem>>
        tpu.wait_dma2 semaphore(%run_scoped3A_50 : memref<!tpu.dma_semaphore, #tpu.memory_space<semaphore_mem>>) src(%dma_wait3A_86 : memref<80x128xf32, #tpu.memory_space<vmem>>) dst(%dma_wait3A_83 : memref<80x128xf32, #tpu.memory_space<hbm>>)
        tpu.yield
      }) : () -> ()
    }
    %scan3A_39 = arith.constant 8 : i32
    return
  }
}

#map = affine_map<(d0, d1) -> (0, 0, 0)>
module attributes {stable_mosaic.version = 14 : i64} {
  func.func @deg_kernel(%arg0: i32, %arg1: i32, %arg2: memref<32x80x128xi32, #tpu.memory_space<hbm>>, %arg3: memref<2x10240x128xf32, #tpu.memory_space<hbm>>, %arg4: memref<80x128xi32, #tpu.memory_space<vmem>>, %arg5: memref<128x128xf32, #tpu.memory_space<vmem>>, %arg6: memref<10240x128xf32, #tpu.memory_space<vmem_shared>>, %arg7: memref<!tpu.dma_semaphore, #tpu.memory_space<semaphore_mem>>, %arg8: memref<!tpu.dma_semaphore, #tpu.memory_space<semaphore_mem>>) attributes {dimension_semantics = [#tpu.dimension_semantics<core_parallel>, #tpu.dimension_semantics<subcore_parallel>], iteration_bounds = array<i64: 2, 16>, scalar_prefetch = 0 : i64, scratch_operands = 5 : i64, tpu.core_type = #tpu.core_type<sc_vector_subcore>, window_params = [{transform_indices = #map}, {transform_indices = #map}]} {
    %mul3A = arith.constant 16 : i32
    %mul3A_0 = arith.muli %arg0, %mul3A : i32
    %add3A = arith.addi %mul3A_0, %arg1 : i32
    "tpu.region"() ({
      %run_scoped3A = tpu.sem_alloc : memref<!tpu.dma_semaphore, #tpu.memory_space<semaphore_mem>>
      %dma_start3A_52 = arith.constant 0 : i32
      %dma_start3A_53 = arith.constant 0 : i32
      %dma_start3A_54 = tpu.memref_slice %arg2[%add3A, %dma_start3A_52, %dma_start3A_53] : memref<32x80x128xi32, #tpu.memory_space<hbm>> -> memref<1x80x128xi32, #tpu.memory_space<hbm>>
      %dma_start3A_55 = tpu.memref_squeeze %dma_start3A_54 : memref<1x80x128xi32, #tpu.memory_space<hbm>> -> memref<80x128xi32, #tpu.memory_space<hbm>>
      %dma_start3A_56 = arith.constant 0 : i32
      %dma_start3A_57 = arith.constant 0 : i32
      %dma_start3A_58 = tpu.memref_slice %arg2[%add3A, %dma_start3A_56, %dma_start3A_57] : memref<32x80x128xi32, #tpu.memory_space<hbm>> -> memref<1x80x128xi32, #tpu.memory_space<hbm>>
      %dma_start3A_59 = tpu.memref_squeeze %dma_start3A_58 : memref<1x80x128xi32, #tpu.memory_space<hbm>> -> memref<80x128xi32, #tpu.memory_space<hbm>>
      tpu.enqueue_dma source(%dma_start3A_59 : memref<80x128xi32, #tpu.memory_space<hbm>>) target(%arg4 : memref<80x128xi32, #tpu.memory_space<vmem>>) target_semaphore(%run_scoped3A : memref<!tpu.dma_semaphore, #tpu.memory_space<semaphore_mem>>)
      %dma_wait3A_60 = arith.constant 0 : i32
      %dma_wait3A_61 = arith.constant 0 : i32
      %dma_wait3A_62 = tpu.memref_slice %arg2[%add3A, %dma_wait3A_60, %dma_wait3A_61] : memref<32x80x128xi32, #tpu.memory_space<hbm>> -> memref<1x80x128xi32, #tpu.memory_space<hbm>>
      %dma_wait3A_63 = tpu.memref_squeeze %dma_wait3A_62 : memref<1x80x128xi32, #tpu.memory_space<hbm>> -> memref<80x128xi32, #tpu.memory_space<hbm>>
      %dma_wait3A_64 = arith.constant 0 : i32
      %dma_wait3A_65 = arith.constant 0 : i32
      %dma_wait3A_66 = tpu.memref_slice %arg2[%add3A, %dma_wait3A_64, %dma_wait3A_65] : memref<32x80x128xi32, #tpu.memory_space<hbm>> -> memref<1x80x128xi32, #tpu.memory_space<hbm>>
      %dma_wait3A_67 = tpu.memref_squeeze %dma_wait3A_66 : memref<1x80x128xi32, #tpu.memory_space<hbm>> -> memref<80x128xi32, #tpu.memory_space<hbm>>
      tpu.wait_dma2 semaphore(%run_scoped3A : memref<!tpu.dma_semaphore, #tpu.memory_space<semaphore_mem>>) src(%dma_wait3A_67 : memref<80x128xi32, #tpu.memory_space<hbm>>) dst(%arg4 : memref<80x128xi32, #tpu.memory_space<vmem>>)
      tpu.yield
    }) : () -> ()
    %scan3A = arith.constant 0 : i32
    %scan3A_1 = arith.constant 80 : i32
    %scan3A_2 = arith.addi %scan3A, %scan3A_1 : i32
    %scan3A_3 = arith.constant 1 : i32
    scf.for %scan3A_52 = %scan3A to %scan3A_2 step %scan3A_3  : i32 {
      %mul3A_53 = arith.constant 1 : i32
      %mul3A_54 = arith.muli %scan3A_52, %mul3A_53 : i32
      %add3A_55 = arith.constant 0 : i32
      %add3A_56 = arith.addi %add3A_55, %mul3A_54 : i32
      %broadcast_in_dim3A = arith.constant 0.000000e+00 : f32
      %broadcast_in_dim3A_57 = vector.broadcast %broadcast_in_dim3A : f32 to vector<16xf32>
      %swap3A = arith.index_cast %add3A_56 : i32 to index
      %swap3A_58 = arith.constant 0 : index
      %swap3A_59 = tpu.vector_load %arg5[%swap3A, %swap3A_58] {strides = array<i32>} : memref<128x128xf32, #tpu.memory_space<vmem>>, vector<1x16xf32>,
      %swap3A_60 = vector.shape_cast %swap3A_59 : vector<1x16xf32> to vector<16xf32>
      %swap3A_61 = vector.shape_cast %broadcast_in_dim3A_57 : vector<16xf32> to vector<1x16xf32>
      tpu.vector_store %arg5[%swap3A, %swap3A_58], %swap3A_61 {strides = array<i32>} : memref<128x128xf32, #tpu.memory_space<vmem>>, vector<1x16xf32>,
      %broadcast_in_dim3A_62 = arith.constant 0.000000e+00 : f32
      %broadcast_in_dim3A_63 = vector.broadcast %broadcast_in_dim3A_62 : f32 to vector<16xf32>
      %swap3A_64 = arith.index_cast %add3A_56 : i32 to index
      %swap3A_65 = arith.constant 16 : index
      %swap3A_66 = tpu.vector_load %arg5[%swap3A_64, %swap3A_65] {strides = array<i32>} : memref<128x128xf32, #tpu.memory_space<vmem>>, vector<1x16xf32>,
      %swap3A_67 = vector.shape_cast %swap3A_66 : vector<1x16xf32> to vector<16xf32>
      %swap3A_68 = vector.shape_cast %broadcast_in_dim3A_63 : vector<16xf32> to vector<1x16xf32>
      tpu.vector_store %arg5[%swap3A_64, %swap3A_65], %swap3A_68 {strides = array<i32>} : memref<128x128xf32, #tpu.memory_space<vmem>>, vector<1x16xf32>,
      %broadcast_in_dim3A_69 = arith.constant 0.000000e+00 : f32
      %broadcast_in_dim3A_70 = vector.broadcast %broadcast_in_dim3A_69 : f32 to vector<16xf32>
      %swap3A_71 = arith.index_cast %add3A_56 : i32 to index
      %swap3A_72 = arith.constant 32 : index
      %swap3A_73 = tpu.vector_load %arg5[%swap3A_71, %swap3A_72] {strides = array<i32>} : memref<128x128xf32, #tpu.memory_space<vmem>>, vector<1x16xf32>,
      %swap3A_74 = vector.shape_cast %swap3A_73 : vector<1x16xf32> to vector<16xf32>
      %swap3A_75 = vector.shape_cast %broadcast_in_dim3A_70 : vector<16xf32> to vector<1x16xf32>
      tpu.vector_store %arg5[%swap3A_71, %swap3A_72], %swap3A_75 {strides = array<i32>} : memref<128x128xf32, #tpu.memory_space<vmem>>, vector<1x16xf32>,
      %broadcast_in_dim3A_76 = arith.constant 0.000000e+00 : f32
      %broadcast_in_dim3A_77 = vector.broadcast %broadcast_in_dim3A_76 : f32 to vector<16xf32>
      %swap3A_78 = arith.index_cast %add3A_56 : i32 to index
      %swap3A_79 = arith.constant 48 : index
      %swap3A_80 = tpu.vector_load %arg5[%swap3A_78, %swap3A_79] {strides = array<i32>} : memref<128x128xf32, #tpu.memory_space<vmem>>, vector<1x16xf32>,
      %swap3A_81 = vector.shape_cast %swap3A_80 : vector<1x16xf32> to vector<16xf32>
      %swap3A_82 = vector.shape_cast %broadcast_in_dim3A_77 : vector<16xf32> to vector<1x16xf32>
      tpu.vector_store %arg5[%swap3A_78, %swap3A_79], %swap3A_82 {strides = array<i32>} : memref<128x128xf32, #tpu.memory_space<vmem>>, vector<1x16xf32>,
      %broadcast_in_dim3A_83 = arith.constant 0.000000e+00 : f32
      %broadcast_in_dim3A_84 = vector.broadcast %broadcast_in_dim3A_83 : f32 to vector<16xf32>
      %swap3A_85 = arith.index_cast %add3A_56 : i32 to index
      %swap3A_86 = arith.constant 64 : index
      %swap3A_87 = tpu.vector_load %arg5[%swap3A_85, %swap3A_86] {strides = array<i32>} : memref<128x128xf32, #tpu.memory_space<vmem>>, vector<1x16xf32>,
      %swap3A_88 = vector.shape_cast %swap3A_87 : vector<1x16xf32> to vector<16xf32>
      %swap3A_89 = vector.shape_cast %broadcast_in_dim3A_84 : vector<16xf32> to vector<1x16xf32>
      tpu.vector_store %arg5[%swap3A_85, %swap3A_86], %swap3A_89 {strides = array<i32>} : memref<128x128xf32, #tpu.memory_space<vmem>>, vector<1x16xf32>,
      %broadcast_in_dim3A_90 = arith.constant 0.000000e+00 : f32
      %broadcast_in_dim3A_91 = vector.broadcast %broadcast_in_dim3A_90 : f32 to vector<16xf32>
      %swap3A_92 = arith.index_cast %add3A_56 : i32 to index
      %swap3A_93 = arith.constant 80 : index
      %swap3A_94 = tpu.vector_load %arg5[%swap3A_92, %swap3A_93] {strides = array<i32>} : memref<128x128xf32, #tpu.memory_space<vmem>>, vector<1x16xf32>,
      %swap3A_95 = vector.shape_cast %swap3A_94 : vector<1x16xf32> to vector<16xf32>
      %swap3A_96 = vector.shape_cast %broadcast_in_dim3A_91 : vector<16xf32> to vector<1x16xf32>
      tpu.vector_store %arg5[%swap3A_92, %swap3A_93], %swap3A_96 {strides = array<i32>} : memref<128x128xf32, #tpu.memory_space<vmem>>, vector<1x16xf32>,
      %broadcast_in_dim3A_97 = arith.constant 0.000000e+00 : f32
      %broadcast_in_dim3A_98 = vector.broadcast %broadcast_in_dim3A_97 : f32 to vector<16xf32>
      %swap3A_99 = arith.index_cast %add3A_56 : i32 to index
      %swap3A_100 = arith.constant 96 : index
      %swap3A_101 = tpu.vector_load %arg5[%swap3A_99, %swap3A_100] {strides = array<i32>} : memref<128x128xf32, #tpu.memory_space<vmem>>, vector<1x16xf32>,
      %swap3A_102 = vector.shape_cast %swap3A_101 : vector<1x16xf32> to vector<16xf32>
      %swap3A_103 = vector.shape_cast %broadcast_in_dim3A_98 : vector<16xf32> to vector<1x16xf32>
      tpu.vector_store %arg5[%swap3A_99, %swap3A_100], %swap3A_103 {strides = array<i32>} : memref<128x128xf32, #tpu.memory_space<vmem>>, vector<1x16xf32>,
      %broadcast_in_dim3A_104 = arith.constant 0.000000e+00 : f32
      %broadcast_in_dim3A_105 = vector.broadcast %broadcast_in_dim3A_104 : f32 to vector<16xf32>
      %swap3A_106 = arith.index_cast %add3A_56 : i32 to index
      %swap3A_107 = arith.constant 112 : index
      %swap3A_108 = tpu.vector_load %arg5[%swap3A_106, %swap3A_107] {strides = array<i32>} : memref<128x128xf32, #tpu.memory_space<vmem>>, vector<1x16xf32>,
      %swap3A_109 = vector.shape_cast %swap3A_108 : vector<1x16xf32> to vector<16xf32>
      %swap3A_110 = vector.shape_cast %broadcast_in_dim3A_105 : vector<16xf32> to vector<1x16xf32>
      tpu.vector_store %arg5[%swap3A_106, %swap3A_107], %swap3A_110 {strides = array<i32>} : memref<128x128xf32, #tpu.memory_space<vmem>>, vector<1x16xf32>,
    }
    %scan3A_4 = arith.constant 80 : i32
    %scan3A_5 = arith.constant 0 : i32
    %scan3A_6 = arith.constant 8 : i32
    %scan3A_7 = arith.addi %scan3A_5, %scan3A_6 : i32
    %scan3A_8 = arith.constant 1 : i32
    scf.for %scan3A_52 = %scan3A_5 to %scan3A_7 step %scan3A_8  : i32 {
      %mul3A_53 = arith.constant 1 : i32
      %mul3A_54 = arith.muli %scan3A_52, %mul3A_53 : i32
      %add3A_55 = arith.constant 0 : i32
      %add3A_56 = arith.addi %add3A_55, %mul3A_54 : i32
      %mul3A_57 = arith.constant 640 : i32
      %mul3A_58 = arith.muli %arg1, %mul3A_57 : i32
      %mul3A_59 = arith.constant 80 : i32
      %mul3A_60 = arith.muli %add3A_56, %mul3A_59 : i32
      %add3A_61 = arith.addi %mul3A_58, %mul3A_60 : i32
      "tpu.region"() ({
        %run_scoped3A = tpu.sem_alloc : memref<!tpu.dma_semaphore, #tpu.memory_space<semaphore_mem>>
        %dma_start3A_62 = arith.constant 0 : i32
        %dma_start3A_63 = arith.constant 0 : i32
        %dma_start3A_64 = tpu.memref_slice %arg5[%dma_start3A_62, %dma_start3A_63] : memref<128x128xf32, #tpu.memory_space<vmem>> -> memref<80x128xf32, #tpu.memory_space<vmem>>
        %dma_start3A_65 = arith.constant 0 : i32
        %dma_start3A_66 = tpu.memref_slice %arg6[%add3A_61, %dma_start3A_65] : memref<10240x128xf32, #tpu.memory_space<vmem_shared>> -> memref<80x128xf32, #tpu.memory_space<vmem_shared>>
        %dma_start3A_67 = arith.constant 0 : i32
        %dma_start3A_68 = tpu.memref_slice %arg6[%add3A_61, %dma_start3A_67] : memref<10240x128xf32, #tpu.memory_space<vmem_shared>> -> memref<80x128xf32, #tpu.memory_space<vmem_shared>>
        %dma_start3A_69 = arith.constant 0 : i32
        %dma_start3A_70 = arith.constant 0 : i32
        %dma_start3A_71 = tpu.memref_slice %arg5[%dma_start3A_69, %dma_start3A_70] : memref<128x128xf32, #tpu.memory_space<vmem>> -> memref<80x128xf32, #tpu.memory_space<vmem>>
        tpu.enqueue_dma source(%dma_start3A_71 : memref<80x128xf32, #tpu.memory_space<vmem>>) target(%dma_start3A_68 : memref<80x128xf32, #tpu.memory_space<vmem_shared>>) target_semaphore(%run_scoped3A : memref<!tpu.dma_semaphore, #tpu.memory_space<semaphore_mem>>)
        %dma_wait3A_72 = arith.constant 0 : i32
        %dma_wait3A_73 = arith.constant 0 : i32
        %dma_wait3A_74 = tpu.memref_slice %arg5[%dma_wait3A_72, %dma_wait3A_73] : memref<128x128xf32, #tpu.memory_space<vmem>> -> memref<80x128xf32, #tpu.memory_space<vmem>>
        %dma_wait3A_75 = arith.constant 0 : i32
        %dma_wait3A_76 = tpu.memref_slice %arg6[%add3A_61, %dma_wait3A_75] : memref<10240x128xf32, #tpu.memory_space<vmem_shared>> -> memref<80x128xf32, #tpu.memory_space<vmem_shared>>
        %dma_wait3A_77 = arith.constant 0 : i32
        %dma_wait3A_78 = tpu.memref_slice %arg6[%add3A_61, %dma_wait3A_77] : memref<10240x128xf32, #tpu.memory_space<vmem_shared>> -> memref<80x128xf32, #tpu.memory_space<vmem_shared>>
        %dma_wait3A_79 = arith.constant 0 : i32
        %dma_wait3A_80 = arith.constant 0 : i32
        %dma_wait3A_81 = tpu.memref_slice %arg5[%dma_wait3A_79, %dma_wait3A_80] : memref<128x128xf32, #tpu.memory_space<vmem>> -> memref<80x128xf32, #tpu.memory_space<vmem>>
        tpu.wait_dma2 semaphore(%run_scoped3A : memref<!tpu.dma_semaphore, #tpu.memory_space<semaphore_mem>>) src(%dma_wait3A_81 : memref<80x128xf32, #tpu.memory_space<vmem>>) dst(%dma_wait3A_78 : memref<80x128xf32, #tpu.memory_space<vmem_shared>>)
        tpu.yield
      }) : () -> ()
    }
    %scan3A_9 = arith.constant 8 : i32
    %barrier3A = arith.constant 0 : index
    tpu.barrier barrier_id(%barrier3A)
    %scan3A_10 = arith.constant 0 : i32
    %scan3A_11 = arith.constant 128 : i32
    %scan3A_12 = arith.addi %scan3A_10, %scan3A_11 : i32
    %scan3A_13 = arith.constant 1 : i32
    scf.for %scan3A_52 = %scan3A_10 to %scan3A_12 step %scan3A_13  : i32 {
      %mul3A_53 = arith.constant 1 : i32
      %mul3A_54 = arith.muli %scan3A_52, %mul3A_53 : i32
      %add3A_55 = arith.constant 0 : i32
      %add3A_56 = arith.addi %add3A_55, %mul3A_54 : i32
      %broadcast_in_dim3A = arith.constant 1.000000e+00 : f32
      %broadcast_in_dim3A_57 = vector.broadcast %broadcast_in_dim3A : f32 to vector<16xf32>
      %swap3A = arith.index_cast %add3A_56 : i32 to index
      %swap3A_58 = arith.constant 0 : index
      %swap3A_59 = tpu.vector_load %arg5[%swap3A, %swap3A_58] {strides = array<i32>} : memref<128x128xf32, #tpu.memory_space<vmem>>, vector<1x16xf32>,
      %swap3A_60 = vector.shape_cast %swap3A_59 : vector<1x16xf32> to vector<16xf32>
      %swap3A_61 = vector.shape_cast %broadcast_in_dim3A_57 : vector<16xf32> to vector<1x16xf32>
      tpu.vector_store %arg5[%swap3A, %swap3A_58], %swap3A_61 {strides = array<i32>} : memref<128x128xf32, #tpu.memory_space<vmem>>, vector<1x16xf32>,
      %broadcast_in_dim3A_62 = arith.constant 1.000000e+00 : f32
      %broadcast_in_dim3A_63 = vector.broadcast %broadcast_in_dim3A_62 : f32 to vector<16xf32>
      %swap3A_64 = arith.index_cast %add3A_56 : i32 to index
      %swap3A_65 = arith.constant 16 : index
      %swap3A_66 = tpu.vector_load %arg5[%swap3A_64, %swap3A_65] {strides = array<i32>} : memref<128x128xf32, #tpu.memory_space<vmem>>, vector<1x16xf32>,
      %swap3A_67 = vector.shape_cast %swap3A_66 : vector<1x16xf32> to vector<16xf32>
      %swap3A_68 = vector.shape_cast %broadcast_in_dim3A_63 : vector<16xf32> to vector<1x16xf32>
      tpu.vector_store %arg5[%swap3A_64, %swap3A_65], %swap3A_68 {strides = array<i32>} : memref<128x128xf32, #tpu.memory_space<vmem>>, vector<1x16xf32>,
      %broadcast_in_dim3A_69 = arith.constant 1.000000e+00 : f32
      %broadcast_in_dim3A_70 = vector.broadcast %broadcast_in_dim3A_69 : f32 to vector<16xf32>
      %swap3A_71 = arith.index_cast %add3A_56 : i32 to index
      %swap3A_72 = arith.constant 32 : index
      %swap3A_73 = tpu.vector_load %arg5[%swap3A_71, %swap3A_72] {strides = array<i32>} : memref<128x128xf32, #tpu.memory_space<vmem>>, vector<1x16xf32>,
      %swap3A_74 = vector.shape_cast %swap3A_73 : vector<1x16xf32> to vector<16xf32>
      %swap3A_75 = vector.shape_cast %broadcast_in_dim3A_70 : vector<16xf32> to vector<1x16xf32>
      tpu.vector_store %arg5[%swap3A_71, %swap3A_72], %swap3A_75 {strides = array<i32>} : memref<128x128xf32, #tpu.memory_space<vmem>>, vector<1x16xf32>,
      %broadcast_in_dim3A_76 = arith.constant 1.000000e+00 : f32
      %broadcast_in_dim3A_77 = vector.broadcast %broadcast_in_dim3A_76 : f32 to vector<16xf32>
      %swap3A_78 = arith.index_cast %add3A_56 : i32 to index
      %swap3A_79 = arith.constant 48 : index
      %swap3A_80 = tpu.vector_load %arg5[%swap3A_78, %swap3A_79] {strides = array<i32>} : memref<128x128xf32, #tpu.memory_space<vmem>>, vector<1x16xf32>,
      %swap3A_81 = vector.shape_cast %swap3A_80 : vector<1x16xf32> to vector<16xf32>
      %swap3A_82 = vector.shape_cast %broadcast_in_dim3A_77 : vector<16xf32> to vector<1x16xf32>
      tpu.vector_store %arg5[%swap3A_78, %swap3A_79], %swap3A_82 {strides = array<i32>} : memref<128x128xf32, #tpu.memory_space<vmem>>, vector<1x16xf32>,
      %broadcast_in_dim3A_83 = arith.constant 1.000000e+00 : f32
      %broadcast_in_dim3A_84 = vector.broadcast %broadcast_in_dim3A_83 : f32 to vector<16xf32>
      %swap3A_85 = arith.index_cast %add3A_56 : i32 to index
      %swap3A_86 = arith.constant 64 : index
      %swap3A_87 = tpu.vector_load %arg5[%swap3A_85, %swap3A_86] {strides = array<i32>} : memref<128x128xf32, #tpu.memory_space<vmem>>, vector<1x16xf32>,
      %swap3A_88 = vector.shape_cast %swap3A_87 : vector<1x16xf32> to vector<16xf32>
      %swap3A_89 = vector.shape_cast %broadcast_in_dim3A_84 : vector<16xf32> to vector<1x16xf32>
      tpu.vector_store %arg5[%swap3A_85, %swap3A_86], %swap3A_89 {strides = array<i32>} : memref<128x128xf32, #tpu.memory_space<vmem>>, vector<1x16xf32>,
      %broadcast_in_dim3A_90 = arith.constant 1.000000e+00 : f32
      %broadcast_in_dim3A_91 = vector.broadcast %broadcast_in_dim3A_90 : f32 to vector<16xf32>
      %swap3A_92 = arith.index_cast %add3A_56 : i32 to index
      %swap3A_93 = arith.constant 80 : index
      %swap3A_94 = tpu.vector_load %arg5[%swap3A_92, %swap3A_93] {strides = array<i32>} : memref<128x128xf32, #tpu.memory_space<vmem>>, vector<1x16xf32>,
      %swap3A_95 = vector.shape_cast %swap3A_94 : vector<1x16xf32> to vector<16xf32>
      %swap3A_96 = vector.shape_cast %broadcast_in_dim3A_91 : vector<16xf32> to vector<1x16xf32>
      tpu.vector_store %arg5[%swap3A_92, %swap3A_93], %swap3A_96 {strides = array<i32>} : memref<128x128xf32, #tpu.memory_space<vmem>>, vector<1x16xf32>,
      %broadcast_in_dim3A_97 = arith.constant 1.000000e+00 : f32
      %broadcast_in_dim3A_98 = vector.broadcast %broadcast_in_dim3A_97 : f32 to vector<16xf32>
      %swap3A_99 = arith.index_cast %add3A_56 : i32 to index
      %swap3A_100 = arith.constant 96 : index
      %swap3A_101 = tpu.vector_load %arg5[%swap3A_99, %swap3A_100] {strides = array<i32>} : memref<128x128xf32, #tpu.memory_space<vmem>>, vector<1x16xf32>,
      %swap3A_102 = vector.shape_cast %swap3A_101 : vector<1x16xf32> to vector<16xf32>
      %swap3A_103 = vector.shape_cast %broadcast_in_dim3A_98 : vector<16xf32> to vector<1x16xf32>
      tpu.vector_store %arg5[%swap3A_99, %swap3A_100], %swap3A_103 {strides = array<i32>} : memref<128x128xf32, #tpu.memory_space<vmem>>, vector<1x16xf32>,
      %broadcast_in_dim3A_104 = arith.constant 1.000000e+00 : f32
      %broadcast_in_dim3A_105 = vector.broadcast %broadcast_in_dim3A_104 : f32 to vector<16xf32>
      %swap3A_106 = arith.index_cast %add3A_56 : i32 to index
      %swap3A_107 = arith.constant 112 : index
      %swap3A_108 = tpu.vector_load %arg5[%swap3A_106, %swap3A_107] {strides = array<i32>} : memref<128x128xf32, #tpu.memory_space<vmem>>, vector<1x16xf32>,
      %swap3A_109 = vector.shape_cast %swap3A_108 : vector<1x16xf32> to vector<16xf32>
      %swap3A_110 = vector.shape_cast %broadcast_in_dim3A_105 : vector<16xf32> to vector<1x16xf32>
      tpu.vector_store %arg5[%swap3A_106, %swap3A_107], %swap3A_110 {strides = array<i32>} : memref<128x128xf32, #tpu.memory_space<vmem>>, vector<1x16xf32>,
    }
    %scan3A_14 = arith.constant 128 : i32
    %dma_start3A = arith.constant 0 : i32
    %dma_start3A_15 = arith.constant 0 : i32
    %dma_start3A_16 = tpu.memref_slice %arg4[%dma_start3A, %dma_start3A_15] : memref<80x128xi32, #tpu.memory_space<vmem>> -> memref<1x128xi32, #tpu.memory_space<vmem>>
    %dma_start3A_17 = tpu.memref_squeeze %dma_start3A_16 : memref<1x128xi32, #tpu.memory_space<vmem>> -> memref<128xi32, #tpu.memory_space<vmem>>
    %dma_start3A_18 = arith.constant 0 : i32
    %dma_start3A_19 = arith.constant 0 : i32
    %dma_start3A_20 = tpu.memref_slice %arg6[%dma_start3A_18, %dma_start3A_19] : memref<10240x128xf32, #tpu.memory_space<vmem_shared>> -> memref<10240x128xf32, #tpu.memory_space<vmem_shared>>
    tpu.enqueue_indirect_dma source(%arg5 : memref<128x128xf32, #tpu.memory_space<vmem>>) target(%dma_start3A_20 : memref<10240x128xf32, #tpu.memory_space<vmem_shared>>) offsets(%dma_start3A_17 : memref<128xi32, #tpu.memory_space<vmem>>) semaphore(%arg7 : memref<!tpu.dma_semaphore, #tpu.memory_space<semaphore_mem>>) {add = true}
    %dma_start3A_21 = arith.constant 1 : i32
    %dma_start3A_22 = arith.constant 0 : i32
    %dma_start3A_23 = tpu.memref_slice %arg4[%dma_start3A_21, %dma_start3A_22] : memref<80x128xi32, #tpu.memory_space<vmem>> -> memref<1x128xi32, #tpu.memory_space<vmem>>
    %dma_start3A_24 = tpu.memref_squeeze %dma_start3A_23 : memref<1x128xi32, #tpu.memory_space<vmem>> -> memref<128xi32, #tpu.memory_space<vmem>>
    %dma_start3A_25 = arith.constant 0 : i32
    %dma_start3A_26 = arith.constant 0 : i32
    %dma_start3A_27 = tpu.memref_slice %arg6[%dma_start3A_25, %dma_start3A_26] : memref<10240x128xf32, #tpu.memory_space<vmem_shared>> -> memref<10240x128xf32, #tpu.memory_space<vmem_shared>>
    tpu.enqueue_indirect_dma source(%arg5 : memref<128x128xf32, #tpu.memory_space<vmem>>) target(%dma_start3A_27 : memref<10240x128xf32, #tpu.memory_space<vmem_shared>>) offsets(%dma_start3A_24 : memref<128xi32, #tpu.memory_space<vmem>>) semaphore(%arg8 : memref<!tpu.dma_semaphore, #tpu.memory_space<semaphore_mem>>) {add = true}
    %scan3A_28 = arith.constant 0 : i32
    %scan3A_29 = arith.constant 39 : i32
    %scan3A_30 = arith.addi %scan3A_28, %scan3A_29 : i32
    %scan3A_31 = arith.constant 1 : i32
    scf.for %scan3A_52 = %scan3A_28 to %scan3A_30 step %scan3A_31  : i32 {
      %mul3A_53 = arith.constant 2 : i32
      %mul3A_54 = arith.muli %scan3A_52, %mul3A_53 : i32
      %add3A_55 = arith.constant 2 : i32
      %add3A_56 = arith.addi %add3A_55, %mul3A_54 : i32
      %sub3A = arith.constant 2 : i32
      %sub3A_57 = arith.subi %add3A_56, %sub3A : i32
      %dma_wait3A_58 = arith.constant 0 : i32
      %dma_wait3A_59 = tpu.memref_slice %arg4[%sub3A_57, %dma_wait3A_58] : memref<80x128xi32, #tpu.memory_space<vmem>> -> memref<1x128xi32, #tpu.memory_space<vmem>>
      %dma_wait3A_60 = tpu.memref_squeeze %dma_wait3A_59 : memref<1x128xi32, #tpu.memory_space<vmem>> -> memref<128xi32, #tpu.memory_space<vmem>>
      %dma_wait3A_61 = arith.constant 0 : i32
      %dma_wait3A_62 = arith.constant 0 : i32
      %dma_wait3A_63 = tpu.memref_slice %arg6[%dma_wait3A_61, %dma_wait3A_62] : memref<10240x128xf32, #tpu.memory_space<vmem_shared>> -> memref<10240x128xf32, #tpu.memory_space<vmem_shared>>
      tpu.wait_indirect_dma semaphore(%arg7 : memref<!tpu.dma_semaphore, #tpu.memory_space<semaphore_mem>>) src(%arg5 : memref<128x128xf32, #tpu.memory_space<vmem>>) dst(%dma_wait3A_63 : memref<10240x128xf32, #tpu.memory_space<vmem_shared>>)
      %dma_start3A_64 = arith.constant 0 : i32
      %dma_start3A_65 = tpu.memref_slice %arg4[%add3A_56, %dma_start3A_64] : memref<80x128xi32, #tpu.memory_space<vmem>> -> memref<1x128xi32, #tpu.memory_space<vmem>>
      %dma_start3A_66 = tpu.memref_squeeze %dma_start3A_65 : memref<1x128xi32, #tpu.memory_space<vmem>> -> memref<128xi32, #tpu.memory_space<vmem>>
      %dma_start3A_67 = arith.constant 0 : i32
      %dma_start3A_68 = arith.constant 0 : i32
      %dma_start3A_69 = tpu.memref_slice %arg6[%dma_start3A_67, %dma_start3A_68] : memref<10240x128xf32, #tpu.memory_space<vmem_shared>> -> memref<10240x128xf32, #tpu.memory_space<vmem_shared>>
      tpu.enqueue_indirect_dma source(%arg5 : memref<128x128xf32, #tpu.memory_space<vmem>>) target(%dma_start3A_69 : memref<10240x128xf32, #tpu.memory_space<vmem_shared>>) offsets(%dma_start3A_66 : memref<128xi32, #tpu.memory_space<vmem>>) semaphore(%arg7 : memref<!tpu.dma_semaphore, #tpu.memory_space<semaphore_mem>>) {add = true}
      %sub3A_70 = arith.constant 1 : i32
      %sub3A_71 = arith.subi %add3A_56, %sub3A_70 : i32
      %dma_wait3A_72 = arith.constant 0 : i32
      %dma_wait3A_73 = tpu.memref_slice %arg4[%sub3A_71, %dma_wait3A_72] : memref<80x128xi32, #tpu.memory_space<vmem>> -> memref<1x128xi32, #tpu.memory_space<vmem>>
      %dma_wait3A_74 = tpu.memref_squeeze %dma_wait3A_73 : memref<1x128xi32, #tpu.memory_space<vmem>> -> memref<128xi32, #tpu.memory_space<vmem>>
      %dma_wait3A_75 = arith.constant 0 : i32
      %dma_wait3A_76 = arith.constant 0 : i32
      %dma_wait3A_77 = tpu.memref_slice %arg6[%dma_wait3A_75, %dma_wait3A_76] : memref<10240x128xf32, #tpu.memory_space<vmem_shared>> -> memref<10240x128xf32, #tpu.memory_space<vmem_shared>>
      tpu.wait_indirect_dma semaphore(%arg8 : memref<!tpu.dma_semaphore, #tpu.memory_space<semaphore_mem>>) src(%arg5 : memref<128x128xf32, #tpu.memory_space<vmem>>) dst(%dma_wait3A_77 : memref<10240x128xf32, #tpu.memory_space<vmem_shared>>)
      %add3A_78 = arith.constant 1 : i32
      %add3A_79 = arith.addi %add3A_56, %add3A_78 : i32
      %dma_start3A_80 = arith.constant 0 : i32
      %dma_start3A_81 = tpu.memref_slice %arg4[%add3A_79, %dma_start3A_80] : memref<80x128xi32, #tpu.memory_space<vmem>> -> memref<1x128xi32, #tpu.memory_space<vmem>>
      %dma_start3A_82 = tpu.memref_squeeze %dma_start3A_81 : memref<1x128xi32, #tpu.memory_space<vmem>> -> memref<128xi32, #tpu.memory_space<vmem>>
      %dma_start3A_83 = arith.constant 0 : i32
      %dma_start3A_84 = arith.constant 0 : i32
      %dma_start3A_85 = tpu.memref_slice %arg6[%dma_start3A_83, %dma_start3A_84] : memref<10240x128xf32, #tpu.memory_space<vmem_shared>> -> memref<10240x128xf32, #tpu.memory_space<vmem_shared>>
      tpu.enqueue_indirect_dma source(%arg5 : memref<128x128xf32, #tpu.memory_space<vmem>>) target(%dma_start3A_85 : memref<10240x128xf32, #tpu.memory_space<vmem_shared>>) offsets(%dma_start3A_82 : memref<128xi32, #tpu.memory_space<vmem>>) semaphore(%arg8 : memref<!tpu.dma_semaphore, #tpu.memory_space<semaphore_mem>>) {add = true}
    }
    %scan3A_32 = arith.constant 39 : i32
    %dma_wait3A = arith.constant 78 : i32
    %dma_wait3A_33 = arith.constant 0 : i32
    %dma_wait3A_34 = tpu.memref_slice %arg4[%dma_wait3A, %dma_wait3A_33] : memref<80x128xi32, #tpu.memory_space<vmem>> -> memref<1x128xi32, #tpu.memory_space<vmem>>
    %dma_wait3A_35 = tpu.memref_squeeze %dma_wait3A_34 : memref<1x128xi32, #tpu.memory_space<vmem>> -> memref<128xi32, #tpu.memory_space<vmem>>
    %dma_wait3A_36 = arith.constant 0 : i32
    %dma_wait3A_37 = arith.constant 0 : i32
    %dma_wait3A_38 = tpu.memref_slice %arg6[%dma_wait3A_36, %dma_wait3A_37] : memref<10240x128xf32, #tpu.memory_space<vmem_shared>> -> memref<10240x128xf32, #tpu.memory_space<vmem_shared>>
    tpu.wait_indirect_dma semaphore(%arg7 : memref<!tpu.dma_semaphore, #tpu.memory_space<semaphore_mem>>) src(%arg5 : memref<128x128xf32, #tpu.memory_space<vmem>>) dst(%dma_wait3A_38 : memref<10240x128xf32, #tpu.memory_space<vmem_shared>>)
    %dma_wait3A_39 = arith.constant 79 : i32
    %dma_wait3A_40 = arith.constant 0 : i32
    %dma_wait3A_41 = tpu.memref_slice %arg4[%dma_wait3A_39, %dma_wait3A_40] : memref<80x128xi32, #tpu.memory_space<vmem>> -> memref<1x128xi32, #tpu.memory_space<vmem>>
    %dma_wait3A_42 = tpu.memref_squeeze %dma_wait3A_41 : memref<1x128xi32, #tpu.memory_space<vmem>> -> memref<128xi32, #tpu.memory_space<vmem>>
    %dma_wait3A_43 = arith.constant 0 : i32
    %dma_wait3A_44 = arith.constant 0 : i32
    %dma_wait3A_45 = tpu.memref_slice %arg6[%dma_wait3A_43, %dma_wait3A_44] : memref<10240x128xf32, #tpu.memory_space<vmem_shared>> -> memref<10240x128xf32, #tpu.memory_space<vmem_shared>>
    tpu.wait_indirect_dma semaphore(%arg8 : memref<!tpu.dma_semaphore, #tpu.memory_space<semaphore_mem>>) src(%arg5 : memref<128x128xf32, #tpu.memory_space<vmem>>) dst(%dma_wait3A_45 : memref<10240x128xf32, #tpu.memory_space<vmem_shared>>)
    %barrier3A_46 = arith.constant 0 : index
    tpu.barrier barrier_id(%barrier3A_46)
    %scan3A_47 = arith.constant 0 : i32
    %scan3A_48 = arith.constant 8 : i32
    %scan3A_49 = arith.addi %scan3A_47, %scan3A_48 : i32
    %scan3A_50 = arith.constant 1 : i32
    scf.for %scan3A_52 = %scan3A_47 to %scan3A_49 step %scan3A_50  : i32 {
      %mul3A_53 = arith.constant 1 : i32
      %mul3A_54 = arith.muli %scan3A_52, %mul3A_53 : i32
      %add3A_55 = arith.constant 0 : i32
      %add3A_56 = arith.addi %add3A_55, %mul3A_54 : i32
      %mul3A_57 = arith.constant 640 : i32
      %mul3A_58 = arith.muli %arg1, %mul3A_57 : i32
      %mul3A_59 = arith.constant 80 : i32
      %mul3A_60 = arith.muli %add3A_56, %mul3A_59 : i32
      %add3A_61 = arith.addi %mul3A_58, %mul3A_60 : i32
      "tpu.region"() ({
        %run_scoped3A = tpu.sem_alloc : memref<!tpu.dma_semaphore, #tpu.memory_space<semaphore_mem>>
        %dma_start3A_62 = arith.constant 0 : i32
        %dma_start3A_63 = arith.constant 0 : i32
        %dma_start3A_64 = tpu.memref_slice %arg5[%dma_start3A_62, %dma_start3A_63] : memref<128x128xf32, #tpu.memory_space<vmem>> -> memref<80x128xf32, #tpu.memory_space<vmem>>
        %dma_start3A_65 = arith.constant 0 : i32
        %dma_start3A_66 = tpu.memref_slice %arg6[%add3A_61, %dma_start3A_65] : memref<10240x128xf32, #tpu.memory_space<vmem_shared>> -> memref<80x128xf32, #tpu.memory_space<vmem_shared>>
        %dma_start3A_67 = arith.constant 0 : i32
        %dma_start3A_68 = arith.constant 0 : i32
        %dma_start3A_69 = tpu.memref_slice %arg5[%dma_start3A_67, %dma_start3A_68] : memref<128x128xf32, #tpu.memory_space<vmem>> -> memref<80x128xf32, #tpu.memory_space<vmem>>
        %dma_start3A_70 = arith.constant 0 : i32
        %dma_start3A_71 = tpu.memref_slice %arg6[%add3A_61, %dma_start3A_70] : memref<10240x128xf32, #tpu.memory_space<vmem_shared>> -> memref<80x128xf32, #tpu.memory_space<vmem_shared>>
        tpu.enqueue_dma source(%dma_start3A_71 : memref<80x128xf32, #tpu.memory_space<vmem_shared>>) target(%dma_start3A_69 : memref<80x128xf32, #tpu.memory_space<vmem>>) target_semaphore(%run_scoped3A : memref<!tpu.dma_semaphore, #tpu.memory_space<semaphore_mem>>)
        %dma_wait3A_72 = arith.constant 0 : i32
        %dma_wait3A_73 = arith.constant 0 : i32
        %dma_wait3A_74 = tpu.memref_slice %arg5[%dma_wait3A_72, %dma_wait3A_73] : memref<128x128xf32, #tpu.memory_space<vmem>> -> memref<80x128xf32, #tpu.memory_space<vmem>>
        %dma_wait3A_75 = arith.constant 0 : i32
        %dma_wait3A_76 = tpu.memref_slice %arg6[%add3A_61, %dma_wait3A_75] : memref<10240x128xf32, #tpu.memory_space<vmem_shared>> -> memref<80x128xf32, #tpu.memory_space<vmem_shared>>
        %dma_wait3A_77 = arith.constant 0 : i32
        %dma_wait3A_78 = arith.constant 0 : i32
        %dma_wait3A_79 = tpu.memref_slice %arg5[%dma_wait3A_77, %dma_wait3A_78] : memref<128x128xf32, #tpu.memory_space<vmem>> -> memref<80x128xf32, #tpu.memory_space<vmem>>
        %dma_wait3A_80 = arith.constant 0 : i32
        %dma_wait3A_81 = tpu.memref_slice %arg6[%add3A_61, %dma_wait3A_80] : memref<10240x128xf32, #tpu.memory_space<vmem_shared>> -> memref<80x128xf32, #tpu.memory_space<vmem_shared>>
        tpu.wait_dma2 semaphore(%run_scoped3A : memref<!tpu.dma_semaphore, #tpu.memory_space<semaphore_mem>>) src(%dma_wait3A_81 : memref<80x128xf32, #tpu.memory_space<vmem_shared>>) dst(%dma_wait3A_79 : memref<80x128xf32, #tpu.memory_space<vmem>>)
        tpu.yield
      }) : () -> ()
      "tpu.region"() ({
        %run_scoped3A = tpu.sem_alloc : memref<!tpu.dma_semaphore, #tpu.memory_space<semaphore_mem>>
        %dma_start3A_62 = arith.constant 0 : i32
        %dma_start3A_63 = arith.constant 0 : i32
        %dma_start3A_64 = tpu.memref_slice %arg5[%dma_start3A_62, %dma_start3A_63] : memref<128x128xf32, #tpu.memory_space<vmem>> -> memref<80x128xf32, #tpu.memory_space<vmem>>
        %dma_start3A_65 = arith.constant 0 : i32
        %dma_start3A_66 = arith.constant 0 : i32
        %dma_start3A_67 = tpu.memref_slice %arg3[%arg0, %dma_start3A_65, %dma_start3A_66] : memref<2x10240x128xf32, #tpu.memory_space<hbm>> -> memref<1x10240x128xf32, #tpu.memory_space<hbm>>
        %dma_start3A_68 = tpu.memref_squeeze %dma_start3A_67 : memref<1x10240x128xf32, #tpu.memory_space<hbm>> -> memref<10240x128xf32, #tpu.memory_space<hbm>>
        %dma_start3A_69 = arith.constant 0 : i32
        %dma_start3A_70 = tpu.memref_slice %dma_start3A_68[%add3A_61, %dma_start3A_69] : memref<10240x128xf32, #tpu.memory_space<hbm>> -> memref<80x128xf32, #tpu.memory_space<hbm>>
        %dma_start3A_71 = arith.constant 0 : i32
        %dma_start3A_72 = arith.constant 0 : i32
        %dma_start3A_73 = tpu.memref_slice %arg3[%arg0, %dma_start3A_71, %dma_start3A_72] : memref<2x10240x128xf32, #tpu.memory_space<hbm>> -> memref<1x10240x128xf32, #tpu.memory_space<hbm>>
        %dma_start3A_74 = tpu.memref_squeeze %dma_start3A_73 : memref<1x10240x128xf32, #tpu.memory_space<hbm>> -> memref<10240x128xf32, #tpu.memory_space<hbm>>
        %dma_start3A_75 = arith.constant 0 : i32
        %dma_start3A_76 = tpu.memref_slice %dma_start3A_74[%add3A_61, %dma_start3A_75] : memref<10240x128xf32, #tpu.memory_space<hbm>> -> memref<80x128xf32, #tpu.memory_space<hbm>>
        %dma_start3A_77 = arith.constant 0 : i32
        %dma_start3A_78 = arith.constant 0 : i32
        %dma_start3A_79 = tpu.memref_slice %arg5[%dma_start3A_77, %dma_start3A_78] : memref<128x128xf32, #tpu.memory_space<vmem>> -> memref<80x128xf32, #tpu.memory_space<vmem>>
        tpu.enqueue_dma source(%dma_start3A_79 : memref<80x128xf32, #tpu.memory_space<vmem>>) target(%dma_start3A_76 : memref<80x128xf32, #tpu.memory_space<hbm>>) target_semaphore(%run_scoped3A : memref<!tpu.dma_semaphore, #tpu.memory_space<semaphore_mem>>)
        %dma_wait3A_80 = arith.constant 0 : i32
        %dma_wait3A_81 = arith.constant 0 : i32
        %dma_wait3A_82 = tpu.memref_slice %arg5[%dma_wait3A_80, %dma_wait3A_81] : memref<128x128xf32, #tpu.memory_space<vmem>> -> memref<80x128xf32, #tpu.memory_space<vmem>>
        %dma_wait3A_83 = arith.constant 0 : i32
        %dma_wait3A_84 = arith.constant 0 : i32
        %dma_wait3A_85 = tpu.memref_slice %arg3[%arg0, %dma_wait3A_83, %dma_wait3A_84] : memref<2x10240x128xf32, #tpu.memory_space<hbm>> -> memref<1x10240x128xf32, #tpu.memory_space<hbm>>
        %dma_wait3A_86 = tpu.memref_squeeze %dma_wait3A_85 : memref<1x10240x128xf32, #tpu.memory_space<hbm>> -> memref<10240x128xf32, #tpu.memory_space<hbm>>
        %dma_wait3A_87 = arith.constant 0 : i32
        %dma_wait3A_88 = tpu.memref_slice %dma_wait3A_86[%add3A_61, %dma_wait3A_87] : memref<10240x128xf32, #tpu.memory_space<hbm>> -> memref<80x128xf32, #tpu.memory_space<hbm>>
        %dma_wait3A_89 = arith.constant 0 : i32
        %dma_wait3A_90 = arith.constant 0 : i32
        %dma_wait3A_91 = tpu.memref_slice %arg3[%arg0, %dma_wait3A_89, %dma_wait3A_90] : memref<2x10240x128xf32, #tpu.memory_space<hbm>> -> memref<1x10240x128xf32, #tpu.memory_space<hbm>>
        %dma_wait3A_92 = tpu.memref_squeeze %dma_wait3A_91 : memref<1x10240x128xf32, #tpu.memory_space<hbm>> -> memref<10240x128xf32, #tpu.memory_space<hbm>>
        %dma_wait3A_93 = arith.constant 0 : i32
        %dma_wait3A_94 = tpu.memref_slice %dma_wait3A_92[%add3A_61, %dma_wait3A_93] : memref<10240x128xf32, #tpu.memory_space<hbm>> -> memref<80x128xf32, #tpu.memory_space<hbm>>
        %dma_wait3A_95 = arith.constant 0 : i32
        %dma_wait3A_96 = arith.constant 0 : i32
        %dma_wait3A_97 = tpu.memref_slice %arg5[%dma_wait3A_95, %dma_wait3A_96] : memref<128x128xf32, #tpu.memory_space<vmem>> -> memref<80x128xf32, #tpu.memory_space<vmem>>
        tpu.wait_dma2 semaphore(%run_scoped3A : memref<!tpu.dma_semaphore, #tpu.memory_space<semaphore_mem>>) src(%dma_wait3A_97 : memref<80x128xf32, #tpu.memory_space<vmem>>) dst(%dma_wait3A_94 : memref<80x128xf32, #tpu.memory_space<hbm>>)
        tpu.yield
      }) : () -> ()
    }
    %scan3A_51 = arith.constant 8 : i32
    return
  }
}

module attributes {stable_mosaic.version = 14 : i64} {
  func.func @body(%arg0: i32, %arg1: memref<2x128x128xf32, #tpu.memory_space<vmem>>, %arg2: memref<128x128xf32, #tpu.memory_space<vmem>>, %arg3: memref<128xf32, #tpu.memory_space<vmem>>, %arg4: memref<128xf32, #tpu.memory_space<vmem>>, %arg5: memref<128x128xf32, #tpu.memory_space<vmem>>, %arg6: memref<128x128xf32, #tpu.memory_space<vmem>>) attributes {dimension_semantics = [#tpu.dimension_semantics<arbitrary>], iteration_bounds = array<i64: 79>, scalar_prefetch = 0 : i64, scratch_operands = 0 : i64, tpu.core_type = #tpu.core_type<tc>, window_params = [{transform_indices = @transform_0, window_bounds = array<i64: 2, 128, 128>}, {transform_indices = @transform_1, window_bounds = array<i64: 128, 128>}, {transform_indices = @transform_2, window_bounds = array<i64: 128>}, {pipeline_mode = #tpu.pipeline_mode<synchronous>, transform_indices = @transform_3, window_bounds = array<i64: 128>}, {pipeline_mode = #tpu.pipeline_mode<synchronous>, transform_indices = @transform_4, window_bounds = array<i64: 128, 128>}, {transform_indices = @transform_5, window_bounds = array<i64: 128, 128>}]} {
    %get3A = arith.constant 0 : index
    %get3A_0 = arith.constant 0 : index
    %get3A_1 = arith.constant 0 : index
    %get3A_2 = vector.load %arg1[%get3A, %get3A_0, %get3A_1] : memref<2x128x128xf32, #tpu.memory_space<vmem>>, vector<1x128x128xf32>
    %get3A_3 = vector.shape_cast %get3A_2 : vector<1x128x128xf32> to vector<128x128xf32>
    %get3A_4 = arith.constant 1 : index
    %get3A_5 = arith.constant 0 : index
    %get3A_6 = arith.constant 0 : index
    %get3A_7 = vector.load %arg1[%get3A_4, %get3A_5, %get3A_6] : memref<2x128x128xf32, #tpu.memory_space<vmem>>, vector<1x128x128xf32>
    %get3A_8 = vector.shape_cast %get3A_7 : vector<1x128x128xf32> to vector<128x128xf32>
    %add3A = arith.addf %get3A_3, %get3A_8 : vector<128x128xf32>
    %get3A_9 = arith.constant 0 : index
    %get3A_10 = vector.load %arg3[%get3A_9] : memref<128xf32, #tpu.memory_space<vmem>>, vector<128xf32>
    %broadcast_in_dim3A = vector.shape_cast %get3A_10 : vector<128xf32> to vector<128x1xf32>
    %get3A_11 = arith.constant 0 : index
    %get3A_12 = arith.constant 0 : index
    %get3A_13 = vector.load %arg2[%get3A_11, %get3A_12] : memref<128x128xf32, #tpu.memory_space<vmem>>, vector<128x128xf32>
    %add3A_14 = arith.addf %add3A, %get3A_13 : vector<128x128xf32>
    %mul3A = vector.broadcast %broadcast_in_dim3A : vector<128x1xf32> to vector<128x128xf32>
    %mul3A_15 = arith.mulf %mul3A, %add3A_14 : vector<128x128xf32>
    %get3A_16 = arith.constant 0 : index
    %get3A_17 = vector.load %arg4[%get3A_16] : memref<128xf32, #tpu.memory_space<vmem>>, vector<128xf32>
    %broadcast_in_dim3A_18 = vector.shape_cast %get3A_17 : vector<128xf32> to vector<1x128xf32>
    %add3A_19 = vector.broadcast %broadcast_in_dim3A_18 : vector<1x128xf32> to vector<128x128xf32>
    %add3A_20 = arith.addf %mul3A_15, %add3A_19 : vector<128x128xf32>
    %max3A = arith.constant 0.000000e+00 : f32
    %max3A_21 = vector.broadcast %max3A : f32 to vector<128x128xf32>
    %max3A_22 = arith.maximumf %add3A_20, %max3A_21 : vector<128x128xf32>
    %get3A_23 = arith.constant 0 : index
    %get3A_24 = arith.constant 0 : index
    %get3A_25 = vector.load %arg5[%get3A_23, %get3A_24] : memref<128x128xf32, #tpu.memory_space<vmem>>, vector<128x128xf32>
    %dot_general3A = arith.constant dense<0.000000e+00> : vector<128x128xf32>
    %dot_general3A_26 = tpu.matmul %max3A_22, %get3A_25, %dot_general3A {dimension_numbers = #tpu.dot_dimension_numbers<[1], [0], [0], [1], [0, 0, 1, 1], [], []>, transpose_lhs_hint = false} : vector<128x128xf32>, vector<128x128xf32>, vector<128x128xf32> -> vector<128x128xf32>
    %broadcast_in_dim3A_27 = vector.shape_cast %get3A_10 : vector<128xf32> to vector<128x1xf32>
    %mul3A_28 = vector.broadcast %broadcast_in_dim3A_27 : vector<128x1xf32> to vector<128x128xf32>
    %mul3A_29 = arith.mulf %dot_general3A_26, %mul3A_28 : vector<128x128xf32>
    %swap3A = arith.constant 0 : index
    %swap3A_30 = arith.constant 0 : index
    %swap3A_31 = vector.load %arg6[%swap3A, %swap3A_30] : memref<128x128xf32, #tpu.memory_space<vmem>>, vector<128x128xf32>
    tpu.vector_store %arg6[%swap3A, %swap3A_30], %mul3A_29 {strides = array<i32>} : memref<128x128xf32, #tpu.memory_space<vmem>>, vector<128x128xf32>,
    return
  }
  func.func @transform_0(%arg0: i32) -> (i32, i32, i32) {
    %c0_i32 = arith.constant 0 : i32
    %c0_i32_0 = arith.constant 0 : i32
    %c0_i32_1 = arith.constant 0 : i32
    return %c0_i32, %arg0, %c0_i32_0 : i32, i32, i32
  }
  func.func @transform_1(%arg0: i32) -> (i32, i32) {
    %c0_i32 = arith.constant 0 : i32
    %c0_i32_0 = arith.constant 0 : i32
    return %arg0, %c0_i32 : i32, i32
  }
  func.func @transform_2(%arg0: i32) -> i32 {
    %c0_i32 = arith.constant 0 : i32
    return %arg0 : i32
  }
  func.func @transform_3(%arg0: i32) -> i32 {
    %c0_i32 = arith.constant 0 : i32
    %c0_i32_0 = arith.constant 0 : i32
    return %c0_i32 : i32
  }
  func.func @transform_4(%arg0: i32) -> (i32, i32) {
    %c0_i32 = arith.constant 0 : i32
    %c0_i32_0 = arith.constant 0 : i32
    %c0_i32_1 = arith.constant 0 : i32
    return %c0_i32, %c0_i32_0 : i32, i32
  }
  func.func @transform_5(%arg0: i32) -> (i32, i32) {
    %c0_i32 = arith.constant 0 : i32
    %c0_i32_0 = arith.constant 0 : i32
    return %arg0, %c0_i32 : i32, i32
  }
}

module attributes {stable_mosaic.version = 14 : i64} {
  func.func @body(%arg0: i32, %arg1: memref<128x128xf32, #tpu.memory_space<vmem>>, %arg2: memref<128x128xf32, #tpu.memory_space<vmem>>, %arg3: memref<2x128x128xf32, #tpu.memory_space<vmem>>, %arg4: memref<128x128xf32, #tpu.memory_space<vmem>>, %arg5: memref<128xf32, #tpu.memory_space<vmem>>) attributes {dimension_semantics = [#tpu.dimension_semantics<arbitrary>], iteration_bounds = array<i64: 79>, scalar_prefetch = 0 : i64, scratch_operands = 0 : i64, tpu.core_type = #tpu.core_type<tc>, window_params = [{transform_indices = @transform_0, window_bounds = array<i64: 128, 128>}, {pipeline_mode = #tpu.pipeline_mode<synchronous>, transform_indices = @transform_1, window_bounds = array<i64: 128, 128>}, {transform_indices = @transform_2, window_bounds = array<i64: 2, 128, 128>}, {transform_indices = @transform_3, window_bounds = array<i64: 128, 128>}, {transform_indices = @transform_4, window_bounds = array<i64: 128>}]} {
    %get3A = arith.constant 0 : index
    %get3A_0 = arith.constant 0 : index
    %get3A_1 = arith.constant 0 : index
    %get3A_2 = vector.load %arg3[%get3A, %get3A_0, %get3A_1] : memref<2x128x128xf32, #tpu.memory_space<vmem>>, vector<1x128x1xf32>
    %get3A_3 = vector.shape_cast %get3A_2 : vector<1x128x1xf32> to vector<128xf32>
    %get3A_4 = arith.constant 1 : index
    %get3A_5 = arith.constant 0 : index
    %get3A_6 = arith.constant 0 : index
    %get3A_7 = vector.load %arg3[%get3A_4, %get3A_5, %get3A_6] : memref<2x128x128xf32, #tpu.memory_space<vmem>>, vector<1x128x1xf32>
    %get3A_8 = vector.shape_cast %get3A_7 : vector<1x128x1xf32> to vector<128xf32>
    %add3A = arith.addf %get3A_3, %get3A_8 : vector<128xf32>
    %add3A_9 = arith.constant 1.000000e+00 : f32
    %add3A_10 = vector.broadcast %add3A_9 : f32 to vector<128xf32>
    %add3A_11 = arith.addf %add3A, %add3A_10 : vector<128xf32>
    %rsqrt3A = math.rsqrt %add3A_11 : vector<128xf32>
    %get3A_12 = arith.constant 0 : index
    %get3A_13 = arith.constant 0 : index
    %get3A_14 = vector.load %arg1[%get3A_12, %get3A_13] : memref<128x128xf32, #tpu.memory_space<vmem>>, vector<128x128xf32>
    %get3A_15 = arith.constant 0 : index
    %get3A_16 = arith.constant 0 : index
    %get3A_17 = vector.load %arg2[%get3A_15, %get3A_16] : memref<128x128xf32, #tpu.memory_space<vmem>>, vector<128x128xf32>
    %dot_general3A = arith.constant dense<0.000000e+00> : vector<128x128xf32>
    %dot_general3A_18 = tpu.matmul %get3A_14, %get3A_17, %dot_general3A {dimension_numbers = #tpu.dot_dimension_numbers<[1], [0], [0], [1], [0, 0, 1, 1], [], []>, transpose_lhs_hint = false} : vector<128x128xf32>, vector<128x128xf32>, vector<128x128xf32> -> vector<128x128xf32>
    %broadcast_in_dim3A = vector.shape_cast %rsqrt3A : vector<128xf32> to vector<128x1xf32>
    %mul3A = vector.broadcast %broadcast_in_dim3A : vector<128x1xf32> to vector<128x128xf32>
    %mul3A_19 = arith.mulf %dot_general3A_18, %mul3A : vector<128x128xf32>
    %swap3A = arith.constant 0 : index
    %swap3A_20 = arith.constant 0 : index
    %swap3A_21 = vector.load %arg4[%swap3A, %swap3A_20] : memref<128x128xf32, #tpu.memory_space<vmem>>, vector<128x128xf32>
    tpu.vector_store %arg4[%swap3A, %swap3A_20], %mul3A_19 {strides = array<i32>} : memref<128x128xf32, #tpu.memory_space<vmem>>, vector<128x128xf32>,
    %swap3A_22 = arith.constant 0 : index
    %swap3A_23 = vector.load %arg5[%swap3A_22] : memref<128xf32, #tpu.memory_space<vmem>>, vector<128xf32>
    tpu.vector_store %arg5[%swap3A_22], %rsqrt3A {strides = array<i32>} : memref<128xf32, #tpu.memory_space<vmem>>, vector<128xf32>,
    return
  }
  func.func @transform_0(%arg0: i32) -> (i32, i32) {
    %c0_i32 = arith.constant 0 : i32
    %c0_i32_0 = arith.constant 0 : i32
    return %arg0, %c0_i32 : i32, i32
  }
  func.func @transform_1(%arg0: i32) -> (i32, i32) {
    %c0_i32 = arith.constant 0 : i32
    %c0_i32_0 = arith.constant 0 : i32
    %c0_i32_1 = arith.constant 0 : i32
    return %c0_i32, %c0_i32_0 : i32, i32
  }
  func.func @transform_2(%arg0: i32) -> (i32, i32, i32) {
    %c0_i32 = arith.constant 0 : i32
    %c0_i32_0 = arith.constant 0 : i32
    %c0_i32_1 = arith.constant 0 : i32
    return %c0_i32, %arg0, %c0_i32_0 : i32, i32, i32
  }
  func.func @transform_3(%arg0: i32) -> (i32, i32) {
    %c0_i32 = arith.constant 0 : i32
    %c0_i32_0 = arith.constant 0 : i32
    return %arg0, %c0_i32 : i32, i32
  }
  func.func @transform_4(%arg0: i32) -> i32 {
    %c0_i32 = arith.constant 0 : i32
    return %arg0 : i32
  }
}

module attributes {stable_mosaic.version = 14 : i64} {
  func.func @body(%arg0: i32, %arg1: memref<2x128x128xf32, #tpu.memory_space<vmem>>, %arg2: memref<128x128xf32, #tpu.memory_space<vmem>>, %arg3: memref<128xf32, #tpu.memory_space<vmem>>, %arg4: memref<128xf32, #tpu.memory_space<vmem>>, %arg5: memref<128x128xf32, #tpu.memory_space<vmem>>) attributes {dimension_semantics = [#tpu.dimension_semantics<arbitrary>], iteration_bounds = array<i64: 79>, scalar_prefetch = 0 : i64, scratch_operands = 0 : i64, tpu.core_type = #tpu.core_type<tc>, window_params = [{transform_indices = @transform_0, window_bounds = array<i64: 2, 128, 128>}, {transform_indices = @transform_1, window_bounds = array<i64: 128, 128>}, {transform_indices = @transform_2, window_bounds = array<i64: 128>}, {pipeline_mode = #tpu.pipeline_mode<synchronous>, transform_indices = @transform_3, window_bounds = array<i64: 128>}, {transform_indices = @transform_4, window_bounds = array<i64: 128, 128>}]} {
    %get3A = arith.constant 0 : index
    %get3A_0 = arith.constant 0 : index
    %get3A_1 = arith.constant 0 : index
    %get3A_2 = vector.load %arg1[%get3A, %get3A_0, %get3A_1] : memref<2x128x128xf32, #tpu.memory_space<vmem>>, vector<1x128x128xf32>
    %get3A_3 = vector.shape_cast %get3A_2 : vector<1x128x128xf32> to vector<128x128xf32>
    %get3A_4 = arith.constant 1 : index
    %get3A_5 = arith.constant 0 : index
    %get3A_6 = arith.constant 0 : index
    %get3A_7 = vector.load %arg1[%get3A_4, %get3A_5, %get3A_6] : memref<2x128x128xf32, #tpu.memory_space<vmem>>, vector<1x128x128xf32>
    %get3A_8 = vector.shape_cast %get3A_7 : vector<1x128x128xf32> to vector<128x128xf32>
    %add3A = arith.addf %get3A_3, %get3A_8 : vector<128x128xf32>
    %get3A_9 = arith.constant 0 : index
    %get3A_10 = vector.load %arg3[%get3A_9] : memref<128xf32, #tpu.memory_space<vmem>>, vector<128xf32>
    %broadcast_in_dim3A = vector.shape_cast %get3A_10 : vector<128xf32> to vector<128x1xf32>
    %get3A_11 = arith.constant 0 : index
    %get3A_12 = arith.constant 0 : index
    %get3A_13 = vector.load %arg2[%get3A_11, %get3A_12] : memref<128x128xf32, #tpu.memory_space<vmem>>, vector<128x128xf32>
    %add3A_14 = arith.addf %add3A, %get3A_13 : vector<128x128xf32>
    %mul3A = vector.broadcast %broadcast_in_dim3A : vector<128x1xf32> to vector<128x128xf32>
    %mul3A_15 = arith.mulf %mul3A, %add3A_14 : vector<128x128xf32>
    %get3A_16 = arith.constant 0 : index
    %get3A_17 = vector.load %arg4[%get3A_16] : memref<128xf32, #tpu.memory_space<vmem>>, vector<128xf32>
    %broadcast_in_dim3A_18 = vector.shape_cast %get3A_17 : vector<128xf32> to vector<1x128xf32>
    %add3A_19 = vector.broadcast %broadcast_in_dim3A_18 : vector<1x128xf32> to vector<128x128xf32>
    %add3A_20 = arith.addf %mul3A_15, %add3A_19 : vector<128x128xf32>
    %swap3A = arith.constant 0 : index
    %swap3A_21 = arith.constant 0 : index
    %swap3A_22 = vector.load %arg5[%swap3A, %swap3A_21] : memref<128x128xf32, #tpu.memory_space<vmem>>, vector<128x128xf32>
    tpu.vector_store %arg5[%swap3A, %swap3A_21], %add3A_20 {strides = array<i32>} : memref<128x128xf32, #tpu.memory_space<vmem>>, vector<128x128xf32>,
    return
  }
  func.func @transform_0(%arg0: i32) -> (i32, i32, i32) {
    %c0_i32 = arith.constant 0 : i32
    %c0_i32_0 = arith.constant 0 : i32
    %c0_i32_1 = arith.constant 0 : i32
    return %c0_i32, %arg0, %c0_i32_0 : i32, i32, i32
  }
  func.func @transform_1(%arg0: i32) -> (i32, i32) {
    %c0_i32 = arith.constant 0 : i32
    %c0_i32_0 = arith.constant 0 : i32
    return %arg0, %c0_i32 : i32, i32
  }
  func.func @transform_2(%arg0: i32) -> i32 {
    %c0_i32 = arith.constant 0 : i32
    return %arg0 : i32
  }
  func.func @transform_3(%arg0: i32) -> i32 {
    %c0_i32 = arith.constant 0 : i32
    %c0_i32_0 = arith.constant 0 : i32
    return %c0_i32 : i32
  }
  func.func @transform_4(%arg0: i32) -> (i32, i32) {
    %c0_i32 = arith.constant 0 : i32
    %c0_i32_0 = arith.constant 0 : i32
    return %arg0, %c0_i32 : i32, i32
  }
}

</mosaic_0001>

<sc_bundles>
// kernel: kernel.11.cloned.1.call-start
scs
__scs_entry_jumppad:
0x0: {  	(pc) =	sbr.rel $0x88, $3  }
0x1: {  	(tag) =	ssettag $0x0;
	lr =	simm.s32 $0x1  }
0x2: {  	[smem:$0x3F9B] =	sst lr;
	_ =	strace $0xD0000000  }
0x3: {  	_ = 	snop  }
0x4: {  	_ = 	snop  }
0x5: {  	_ = 	snop  }
0x6: {  	_ = 	snop  }
0x7: {  	_ = 	snop  }
__scs_overlays_trampoline_lowered:
0x8: {  	[smem:$0x3FAA] =	sst s0  }
0x9: {  	[smem:$0x3FAB] =	sst s1  }
0xa: {  	[smem:$0x3FAC] =	sst s2  }
0xb: {  	[smem:$0x3FAD] =	sst s3  }
0xc: {  	[smem:$0x3FAE] =	sst s4  }
0xd: {  	[smem:$0x3FAF] =	sst s5  }
0xe: {  	[smem:$0x3FB0] =	sst s6  }
0xf: {  	[smem:$0x3FB1] =	sst s7  }
0x10: {  	[smem:$0x3FB2] =	sst s8  }
0x11: {  	[smem:$0x3FB3] =	sst s9;
	s0 =	simm.s32 @!p0 $0x0  }
0x12: {  	s1 =	sld [smem:$0x3F99];
	s0 =	simm.s32 @p0 $0x1  }
0x13: {  	[smem:$0x3FB4] =	sst s0;
	s0 =	simm.s32 @!p1 $0x0  }
0x14: {  	s2 =	sld [smem:$0x3F98];
	s0 =	simm.s32 @p1 $0x1  }
0x15: {  	[smem:$0x3FB5] =	sst s0;
	s0 =	simm.s32 @!p2 $0x0  }
0x16: {  	s3 =	sld [smem:$0x3FDB];
	s0 =	simm.s32 @p2 $0x1  }
0x17: {  	s4 =	simm.s32 $0x1BF5;
	[smem:$0x3FB7] =	sst s0  }
0x18: {  	s0 =	sld [smem:$0x3F9A];
	_ =	swait.ge [sflag:s4], $0x0  }
0x19: {  	s7 =	sld [smem:$0x3F9B]  }
0x1a: {  	s8 =	sadd.s32 $0xFFFFE003, lr  }
0x1b: {  	s9 =	sadd.s32 $0xFFFFFEF7, lr;
	s5 =	simm.s32 $0xFFFFFFFF;
	p2 =	slt.u32 s8, $0xFFFFF086  }
0x1c: {  	p1 =	slt.u32 s9, $0xF7A;
	s5 =	simm.s32 @!p2 $0x0  }
0x1d: {  	s5 =	simm.s32 @p1 $0x1;
	p0 =	seq.s32 s7, s2  }
0x1e: {  	s7 =	smul.u32 @!p0 $0xF7A, s2;
	p2 =	seq.s32 @!p0 s5, $0x0  }
0x1f: {  	s9 =	smul.u32 $0xF7A, s1;
	s8 =	simm.s32 @!p0 $0x1BF5;
	p2 =	por !p2, p0  }
0x20: {  	[sflag:s8] =	ssyncset.s32 @!p0 $0xFFFFF086;
	s6 =	sadd.s32 @!p0 s3, s7;
	s7 =	simm.s32 @!p0 $0x108  }
0x21: {  	s3 =	sadd.s32 s3, s9;
	s6 =	sadd.s32 @!p0 $0x88, s6;
	s7 =	simm.s32 @p2 $0x1082  }
0x22: {  	[simem:s7], [sflag:s8] =	dma.local @!p0 [hbm:s6], $0xF7A  }
0x23: {  	s9 =	sor.u32 $0xD0000000, s2;
	s6 =	simm.s32 $0x108;
	_ =	swait.ge @!p0 [sflag:s8], $0x0  }
0x24: {  	s3 =	sadd.s32 $0x88, s3;
	s6 =	simm.s32 @!p1 $0x1082;
	[sflag:s4] =	ssyncset.s32 $0xFFFFF086  }
0x25: {  	[simem:s6], [sflag:s4] =	dma.local [hbm:s3], $0xF7A  }
0x26: {  	[smem:$0x3F9B] =	sst s1;
	(tag) =	ssettag s2;
	_ =	strace s9  }
0x27: {  	s1 =	sld [smem:$0x3FAB]  }
0x28: {  	s2 =	sld [smem:$0x3FAC]  }
0x29: {  	s4 =	sld [smem:$0x3FAE]  }
0x2a: {  	p0 =	seq.s32 s5, $0x0;
	s5 =	sld [smem:$0x3FAF]  }
0x2b: {  	s6 =	sld [smem:$0x3FB0]  }
0x2c: {  	s7 =	sld [smem:$0x3FB1]  }
0x2d: {  	s3 =	simm.s32 $0x108;
	s8 =	sld [smem:$0x3FB2]  }
0x2e: {  	s3 =	simm.s32 @!p0 $0x1082;
	s9 =	sld [smem:$0x3FB3]  }
0x2f: {  	lr =	sadd.s32 s0, s3;
	s0 =	sld [smem:$0x3FAA]  }
0x30: {  	s3 =	sld [smem:$0x3FAD]  }
0x31: {  	[smem:$0x3FB6] =	sst s10  }
0x32: {  	s10 =	sld [smem:$0x3FB4];
	_ =	sdelay $0x3  }
0x33: {  	p0 =	seq.s32 s10, $0x1;
	s10 =	sld [smem:$0x3FB6];
	_ =	sdelay $0x3  }
0x34: {  	[smem:$0x3FB6] =	sst s10  }
0x35: {  	s10 =	sld [smem:$0x3FB5];
	_ =	sdelay $0x3  }
0x36: {  	p1 =	seq.s32 s10, $0x1;
	s10 =	sld [smem:$0x3FB6];
	_ =	sdelay $0x3  }
0x37: {  	[smem:$0x3FB6] =	sst s10  }
0x38: {  	s10 =	sld [smem:$0x3FB7]  }
0x39: {  	_ = 	snop;
	(pc) =	sbr.ind lr, $3  }
0x3a: {  	_ = 	snop  }
0x3b: {  	_ = 	snop  }
0x3c: {  	p2 =	seq.s32 s10, $0x1;
	s10 =	sld [smem:$0x3FB6]  }
0x3d: {  	_ =	shalt  }
0x3e: {  	_ =	shalt  }
0x3f: {  	_ =	shalt  }
0x40: {  	_ =	shalt  }
0x41: {  	_ =	shalt  }
0x42: {  	_ =	shalt  }
0x43: {  	_ =	shalt  }
0x44: {  	_ =	shalt  }
0x45: {  	_ =	shalt  }
0x46: {  	_ =	shalt  }
0x47: {  	_ =	shalt  }
0x48: {  	_ =	shalt  }
0x49: {  	_ =	shalt  }
0x4a: {  	_ =	shalt  }
0x4b: {  	_ =	shalt  }
0x4c: {  	_ =	shalt  }
0x4d: {  	_ =	shalt  }
0x4e: {  	_ =	shalt  }
0x4f: {  	_ =	shalt  }
0x50: {  	_ =	shalt  }
0x51: {  	_ =	shalt  }
0x52: {  	_ =	shalt  }
0x53: {  	_ =	shalt  }
0x54: {  	_ =	shalt  }
0x55: {  	_ =	shalt  }
0x56: {  	_ =	shalt  }
0x57: {  	_ =	shalt  }
0x58: {  	_ =	shalt  }
0x59: {  	_ =	shalt  }
0x5a: {  	_ =	shalt  }
0x5b: {  	_ =	shalt  }
0x5c: {  	_ =	shalt  }
0x5d: {  	_ =	shalt  }
0x5e: {  	_ =	shalt  }
0x5f: {  	_ =	shalt  }
0x60: {  	_ =	shalt  }
0x61: {  	_ =	shalt  }
0x62: {  	_ =	shalt  }
0x63: {  	_ =	shalt  }
0x64: {  	_ =	shalt  }
0x65: {  	_ =	shalt  }
0x66: {  	_ =	shalt  }
0x67: {  	_ =	shalt  }
0x68: {  	_ =	shalt  }
0x69: {  	_ =	shalt  }
0x6a: {  	_ =	shalt  }
0x6b: {  	_ =	shalt  }
0x6c: {  	_ =	shalt  }
0x6d: {  	_ =	shalt  }
0x6e: {  	_ =	shalt  }
0x6f: {  	_ =	shalt  }
0x70: {  	_ =	shalt  }
0x71: {  	_ =	shalt  }
0x72: {  	_ =	shalt  }
0x73: {  	_ =	shalt  }
0x74: {  	_ =	shalt  }
0x75: {  	_ =	shalt  }
0x76: {  	_ =	shalt  }
0x77: {  	_ =	shalt  }
0x78: {  	_ =	shalt  }
0x79: {  	_ =	shalt  }
0x7a: {  	_ =	shalt  }
0x7b: {  	_ =	shalt  }
0x7c: {  	_ =	shalt  }
0x7d: {  	_ =	shalt  }
0x7e: {  	_ =	shalt  }
0x7f: {  	_ =	shalt  }
0x80: {  	_ =	shalt  }
0x81: {  	_ =	shalt  }
0x82: {  	_ =	shalt  }
0x83: {  	_ =	shalt  }
0x84: {  	_ =	shalt  }
0x85: {  	_ =	shalt  }
0x86: {  	_ =	shalt  }
0x87: {  	_ =	shalt  }
.Lfunc_end0:
.L_simem_size_0:
called_computation.1_lowered:
.L_overlay_start_0:
0x88: {  	s2 =	sld [smem:$0x3FD9]  }
0x89: {  	s3 =	sld [smem:$0x3FFE];
	_ =	sdelay $0x1  }
0x8a: {  	s1 =	srdreg.scid  }
0x8b: {  	s0 =	sand.u32 $0x1, s1  }
0x8c: {  	s17 =	sshll.u32 s0, $0xA;
	s2 =	sadd.s32 s3, s2  }
0x8d: {  	s2 =	sadd.s32 s2, s17  }
0x8e: {  	[smem:$0x3FC2] =	sst s2  }
0x8f: {  	_ = 	snop  }
0x90: {  	s2 =	sld [smem:$0x3FD0];
	(tm) =	ssettm $0x1  }
0x91: {  	s18 =	sld [smem:$0x3FFB];
	_ =	sdelay $0x3  }
0x92: {  	_ =	strace s18  }
0x93: {  	s3 =	sld [smem:$0x3FFC];
	_ =	sdelay $0x3  }
0x94: {  	_ =	strace s3  }
0x95: {  	s3 =	sld [smem:$0x3FFD];
	_ =	sdelay $0x3  }
0x96: {  	_ =	strace s3  }
0x97: {  	_ =	strace $0x8FFFFFFF  }
0x98: {  	s19 =	sld [smem:$0x3FDB];
	_ =	sdelay $0x1  }
0x99: {  	s4 =	simm.s32 $_scs_section_size  }
0x9a: {  	s5 =	simm.s32 $_size__tile_overlayer_lowered;
	s6 =	simm.s32 $_tile_overlayer_lowered  }
0x9b: {  	s22 =	simm.s32 $0x1BFF;
	s21 =	sshll.u32 s6, $0x1;
	s3 =	sadd.s32 s4, s19  }
0x9c: {  	s7 =	simm.s32 $0x0;
	s20 =	sshll.u32 s5, $0x1;
	s5 =	sadd.s32 s21, s3  }
0x9d: {  	[timem:s7], [sflag:s22] =	dma.local [hbm:s5], s20  }
0x9e: {  	_ =	swait.ge [sflag:s22], s20  }
0x9f: {  	s4 =	ssub.s32 $0x0, s20;
	[sflag:s22] =	ssyncset.done $0x0  }
0xa0: {  	[sflag:s22] =	ssyncadd.s32 s4;
	_ =	sdelay $0x1  }
0xa1: {  	s23 =	simm.s32 $0x1B8B  }
0xa2: {  	_ =	swait.ge [sflag:s23], $0x1  }
0xa3: {  	[sflag:s23] =	ssyncset.done $0x0  }
0xa4: {  	s25 =	simm.s32 $0x1B8E;
	s24 =	sld [smem:$0x3FFE];
	[sflag:s23] =	ssyncadd.s32 $0xFFFFFFFF  }
0xa5: {  	s26 =	simm.s32 $execute0_lowered;
	[smem:$0x3FD2] =	sst s25  }
0xa6: {  	s5 =	sshll.u32 s26, $0x1;
	_ =	strace $0x80000049;
	[dreg:$0x1] =	wrdreg $0xFFFFFFFF  }
0xa7: {  	s28 =	simm.s32 $_size_execute0_lowered;
	s3 =	sadd.s32 s3, s5;
	[dreg:$0x0] =	wrdreg $0x0  }
0xa8: {  	s5 =	sshll.u32 s28, $0x1;
	[dreg:$0x2] =	wrdreg s3  }
0xa9: {  	[dreg:$0x3] =	wrdreg s5  }
0xaa: {  	[dreg:$0x4] =	wrdreg $0xC0  }
0xab: {  	_ =	task [dreg:s7], $0x5FFFF  }
0xac: {  	[dreg:$0x1] =	wrdreg $0xFFFFFFFF  }
0xad: {  	[dreg:$0x0] =	wrdreg $0x60  }
0xae: {  	[dreg:$0x2] =	wrdreg s2  }
0xaf: {  	[dreg:$0x3] =	wrdreg s24  }
0xb0: {  	[dreg:$0x4] =	wrdreg $0xA9000  }
0xb1: {  	[dreg:$0x5] =	wrdreg $0x9  }
0xb2: {  	_ =	task.clear_ibuf [dreg:s7], $0x6FFFF;
	_ =	strace $0x90000049  }
0xb3: {  	s29 =	simm.s32 $0x9;
	_ =	strace $0x8000004B  }
0xb4: {  	_ =	swait.ge [sflag:s29], $0x1  }
0xb5: {  	[sflag:s29] =	ssyncadd.s32 $0xFFFFFFFF  }
0xb6: {  	_ =	strace $0x9000004B  }
0xb7: {  	_ =	sfence  }
0xb8: {  	s30 =	sld [smem:$0x0];
	_ =	sdelay $0x2  }
0xb9: {  	s31 =	sshll.u32 s1, $0xD;
	s1 =	sshrl.u32 s1, $0x2  }
0xba: {  	s3 =	sand.u32 $0x4000, s31;
	s1 =	sadd.s32 s1, s30  }
0xbb: {  	s0 =	sor.u32 s3, s0;
	s1 =	sshll.u32 s1, $0x11  }
0xbc: {  	s0 =	sor.u32 s1, s0  }
0xbd: {  	s0 =	sadd.s32 $0x8F2B, s0  }
0xbe: {  	[sflag:s0] =	ssyncadd.remote.s32 $0x1  }
0xbf: {  	_ =	sfence.sel $0xFFFF  }
0xc0: {  	[dreg:$0x0] =	wrdreg $0xFFFFFFFF;
	(pc) =	sbr.abs _section_cstart, $3  }
0xc1: {  	[dreg:$0x1] =	wrdreg $0xFFFFFFFF  }
0xc2: {  	_ =	task.clear_ibuf [dreg:s7], $0x2FFFF;
	_ =	strace $0x9FFFFFFF  }
0xc3: {  	(tm) =	ssettm $0x7FFFFFFF  }
tec
execute0_lowered:
.L_overlay_start_1:
0x0: {  	(tag) =	ssettag $0x1  }
0x1: {  	s0 =	rddreg [dreg:$0x0]  }
0x2: {  	s1 =	srdreg.scid;
	s2 =	rddreg [dreg:$0x1]  }
0x3: {  	s3 =	rddreg [dreg:$0x2];
	s20 =	stileid.u32  }
0x4: {  	s4 =	simm.s32 $0x0;
	s28 =	simm.s32 $0x80;
	s29 =	simm.s32 $0x6900  }
0x5: {  	s30 =	simm.s32 $0x1;
	s31 =	simm.s32 $0x2;
	s8 =	smul.u32 $0x280, s20  }
0x6: {  	s1 =	sand.u32 $0x1, s1;
	[smem:$0x7FF] =	sst s4;
	s21 =	smul.u32 $0x50000, s20  }
0x7: {  	s5 =	sshll.u32 s1, $0x4;
	s6 =	smul.u32 $0x28000, s1;
	s1 =	ssub.s32 $0x2, s1  }
0x8: {  	_ =	strace $0x8000004A;
	s5 =	sor.u32 s20, s5;
	s7 =	sshrl.u32 s1, $0x1  }
0x9: {  	s23 =	sor.u32 $0x50, s8;
	s24 =	sadd.s32 $0xA0, s8;
	s16 =	sadd.s32 $0xF0, s8  }
0xa: {  	s17 =	sadd.s32 $0x140, s8;
	s18 =	sadd.s32 $0x190, s8;
	s20 =	smul.u32 $0x2800, s20  }
0xb: {  	s19 =	sadd.s32 $0x1E0, s8;
	s8 =	sadd.s32 $0x230, s8;
	s5 =	smul.u32 $0x500, s5  }
0xc: {  	s1 =	ssub.s32 s1, s7;
	s7 =	sshrl.u32 s21, $0x2;
	s9 =	sshll.u32 s23, $0x7  }
0xd: {  	s10 =	sshll.u32 s24, $0x7;
	s11 =	sshll.u32 s16, $0x7;
	s12 =	sshll.u32 s17, $0x7  }
0xe: {  	s13 =	sshll.u32 s18, $0x7;
	s14 =	sshll.u32 s19, $0x7;
	s15 =	sshll.u32 s8, $0x7  }
0xf: {  	s16 =	sshll.u32 s16, $0x4;
	s17 =	sshll.u32 s17, $0x4;
	s18 =	sshll.u32 s18, $0x4  }
0x10: {  	s8 =	sshll.u32 s8, $0x4;
	s7 =	sadd.s32 s7, s3;
	s1 =	smax.u32 s1, $0x1  }
0x11: {  	s9 =	sadd.s32 s9, s3;
	s10 =	sadd.s32 s10, s3;
	s11 =	sadd.s32 s11, s3  }
0x12: {  	s12 =	sadd.s32 s12, s3;
	s13 =	sadd.s32 s13, s3;
	s14 =	sadd.s32 s14, s3  }
0x13: {  	s15 =	sadd.s32 s15, s3;
	s5 =	sadd.s32 s5, s2;
	s2 =	sadd.s32 s6, s2  }
0x14: {  	[dreg:$0x5] =	wrdreg s1;
	s1 =	sshll.u32 s24, $0x4;
	s22 =	sadd.s32 $0x2A00, s5  }
0x15: {  	s6 =	sadd.s32 $0x5CA00, s5;
	s2 =	sadd.s32 $0xCA00, s2;
	s5 =	sshll.u32 s23, $0x4  }
0x16: {  	s23 =	sshll.u32 s19, $0x4;
	[dreg:$0x4] =	wrdreg s22;
	s25 =	sadd.s32 s20, s2  }
0x17: {  	s5 =	sadd.s32 s5, s2;
	s1 =	sadd.s32 s1, s2;
	s26 =	sadd.s32 s16, s2  }
0x18: {  	s21 =	sadd.s32 s17, s2;
	s22 =	sadd.s32 s18, s2;
	[dreg:$0x6] =	wrdreg s25  }
0x19: {  	s23 =	sadd.s32 s23, s2;
	s24 =	sadd.s32 s8, s2;
	[dreg:$0x7] =	wrdreg s5  }
0x1a: {  	s2 =	simm.s32 $0x5;
	s16 =	simm.s32 $0x4;
	[dreg:$0x8] =	wrdreg s1  }
0x1b: {  	s8 =	simm.s32 $0x0;
	[dreg:$0x9] =	wrdreg s26;
	s25 =	simm.s32 $0x7  }
0x1c: {  	v0 =	vimm.f32 $0.0e+00;
	s26 =	simm.s32 $0x2900;
	s1 =	simm.s32 $0x3;
	s5 =	simm.s32 $0x6  }
.LBB2_1:
0x1d: {  	s17 =	rddreg [dreg:$0x4];
	s18 =	simm.s32 $0x100  }
0x1e: {  	[tilespmem:s18], [sflag:$0x7] =	stream.linear.gather [hbm4b:s17+s4], $0x2800, $0x38;
	[tilespmem:$0x1E900] =	vst v63  }
0x1f: {  	_ =	swait.ge [sflag:s25], $0x2800  }
0x20: {  	[sflag:s25] =	ssyncset.done $0x0  }
0x21: {  	s17 =	simm.s32 $0x0;
	s18 =	simm.s32 $0x200;
	[sflag:s25] =	ssyncadd.s32 $0xFFFFD800  }
.LBB2_2:
0x22: {  	p0 =	sne.s32 s18, $0x9E00;
	[tilespmem:s17+$0x2970] =	vst v0  }
0x23: {  	[tilespmem:s17+$0x2900] =	vst v0  }
0x24: {  	[tilespmem:s17+$0x2910] =	vst v0  }
.Ltmp0:
0x25: {  	[tilespmem:s17+$0x2920] =	vst v0;
	(pc) =	sbr.rel @p0 .LBB2_2-.Ltmp0, $4  }
0x26: {  	[tilespmem:s17+$0x2930] =	vst v0  }
0x27: {  	[tilespmem:s17+$0x2940] =	vst v0  }
0x28: {  	[tilespmem:s17+$0x2950] =	vst v0  }
0x29: {  	[tilespmem:s17+$0x2960] =	vst v0;
	s17 =	sshra.s32 s18, $0x2;
	s18 =	sadd.s32 $0x200, s18  }
0x2a: {  	[tilespmem:s17+$0x2970] =	vst v0  }
0x2b: {  	[tilespmem:s17+$0x2900] =	vst v0  }
0x2c: {  	[tilespmem:s17+$0x2910] =	vst v0  }
0x2d: {  	[tilespmem:s17+$0x2920] =	vst v0  }
0x2e: {  	[tilespmem:s17+$0x2930] =	vst v0  }
0x2f: {  	[tilespmem:s17+$0x2940] =	vst v0  }
0x30: {  	[tilespmem:s17+$0x2950] =	vst v0  }
0x31: {  	[tilespmem:s17+$0x2960] =	vst v0  }
0x32: {  	[spmem:s7] =	stream.linear.scatter [tilespmem:s26], [sflag:$0x7], $0x2800, $0x38;
	[tilespmem:$0x1E900] =	vst v63  }
0x33: {  	_ =	swait.ge [sflag:s25], $0x2800  }
0x34: {  	[sflag:s25] =	ssyncset.done $0x0  }
0x35: {  	[sflag:s25] =	ssyncadd.s32 $0xFFFFD800  }
0x36: {  	[spmem:s9] =	stream.linear.scatter [tilespmem:s26], [sflag:$0x7], $0x2800, $0x38;
	[tilespmem:$0x1E900] =	vst v63  }
0x37: {  	_ =	swait.ge [sflag:s25], $0x2800  }
0x38: {  	[sflag:s25] =	ssyncset.done $0x0  }
0x39: {  	[sflag:s25] =	ssyncadd.s32 $0xFFFFD800  }
0x3a: {  	[spmem:s10] =	stream.linear.scatter [tilespmem:s26], [sflag:$0x7], $0x2800, $0x38;
	[tilespmem:$0x1E900] =	vst v63  }
0x3b: {  	_ =	swait.ge [sflag:s25], $0x2800  }
0x3c: {  	[sflag:s25] =	ssyncset.done $0x0  }
0x3d: {  	[sflag:s25] =	ssyncadd.s32 $0xFFFFD800  }
0x3e: {  	[spmem:s11] =	stream.linear.scatter [tilespmem:s26], [sflag:$0x7], $0x2800, $0x38;
	[tilespmem:$0x1E900] =	vst v63  }
0x3f: {  	_ =	swait.ge [sflag:s25], $0x2800  }
0x40: {  	[sflag:s25] =	ssyncset.done $0x0  }
0x41: {  	[sflag:s25] =	ssyncadd.s32 $0xFFFFD800  }
0x42: {  	[spmem:s12] =	stream.linear.scatter [tilespmem:s26], [sflag:$0x7], $0x2800, $0x38;
	[tilespmem:$0x1E900] =	vst v63  }
0x43: {  	_ =	swait.ge [sflag:s25], $0x2800  }
0x44: {  	[sflag:s25] =	ssyncset.done $0x0  }
0x45: {  	[sflag:s25] =	ssyncadd.s32 $0xFFFFD800  }
0x46: {  	[spmem:s13] =	stream.linear.scatter [tilespmem:s26], [sflag:$0x7], $0x2800, $0x38;
	[tilespmem:$0x1E900] =	vst v63  }
0x47: {  	_ =	swait.ge [sflag:s25], $0x2800  }
0x48: {  	[sflag:s25] =	ssyncset.done $0x0  }
0x49: {  	[sflag:s25] =	ssyncadd.s32 $0xFFFFD800  }
0x4a: {  	[spmem:s14] =	stream.linear.scatter [tilespmem:s26], [sflag:$0x7], $0x2800, $0x38;
	[tilespmem:$0x1E900] =	vst v63  }
0x4b: {  	_ =	swait.ge [sflag:s25], $0x2800  }
0x4c: {  	[sflag:s25] =	ssyncset.done $0x0  }
0x4d: {  	[sflag:s25] =	ssyncadd.s32 $0xFFFFD800  }
0x4e: {  	[spmem:s15] =	stream.linear.scatter [tilespmem:s26], [sflag:$0x7], $0x2800, $0x38;
	[tilespmem:$0x1E900] =	vst v63  }
0x4f: {  	_ =	swait.ge [sflag:s25], $0x2800  }
0x50: {  	[sflag:s25] =	ssyncset.done $0x0  }
0x51: {  	[sflag:s25] =	ssyncadd.s32 $0xFFFFD800  }
0x52: {  	s19 =	simm.s32 $0x0;
	[bflag:$0x0] =	sbarrier.arrive $0xFFFF  }
0x53: {  	[tilespmem:s19], [sflag:$0x7] =	stream.linear.gather [hbm4b:s6+s19], $0x80, $0x38;
	[tilespmem:$0x1E900] =	vst v63  }
0x54: {  	_ =	swait.ge [sflag:s25], $0x80  }
0x55: {  	[sflag:s25] =	ssyncset.done $0x0  }
0x56: {  	s18 =	sadd.s32 $0x10, s6;
	[sflag:s25] =	ssyncadd.s32 $0xFFFFFF80  }
0x57: {  	[tilespmem:s28], [sflag:$0x7] =	stream.linear.gather [hbm4b:s18+s19], $0x80, $0x38;
	[tilespmem:$0x1E900] =	vst v63  }
0x58: {  	_ =	swait.ge [sflag:s25], $0x80  }
0x59: {  	[sflag:s25] =	ssyncset.done $0x0  }
0x5a: {  	[sflag:s25] =	ssyncadd.s32 $0xFFFFFF80  }
0x5b: {  	[tilespmem:s26], [sflag:$0x1] =	stream.indirect.gather [hbm4b:s0+s28], $0x80, s19, s28, $0xb8;
	[tilespmem:$0x1E900] =	vst v63  }
0x5c: {  	_ = 	snop  }
0x5d: {  	[tilespmem:s29], [sflag:$0x2] =	stream.indirect.gather [hbm4b:s0+s28], $0x80, s28, s28, $0xb8;
	[tilespmem:$0x1E900] =	vst v63  }
0x5e: {  	_ =	swait.ge [sflag:s30], $0x4000  }
0x5f: {  	[sflag:s30] =	ssyncset.done $0x0  }
0x60: {  	s18 =	sadd.s32 $0x20, s6;
	[sflag:s30] =	ssyncadd.s32 $0xFFFFC000  }
0x61: {  	[tilespmem:s4], [sflag:$0x5] =	stream.linear.gather [hbm4b:s18+s4], $0x80, $0x38;
	[tilespmem:$0x1E900] =	vst v63  }
0x62: {  	s20 =	simm.s32 $0x100  }
0x63: {  	[spmem:s3] =	stream.indirect.scatter.add.f32 [tilespmem:s26], [sflag:$0x3], $0x80, s20, s28, $0xb8;
	[tilespmem:$0x1E900] =	vst v63  }
0x64: {  	_ =	swait.ge [sflag:s31], $0x4000  }
0x65: {  	[sflag:s31] =	ssyncset.done $0x0  }
0x66: {  	s19 =	sadd.s32 $0x10, s18;
	[sflag:s31] =	ssyncadd.s32 $0xFFFFC000  }
0x67: {  	[tilespmem:s28], [sflag:$0x6] =	stream.linear.gather [hbm4b:s19+s4], $0x80, $0x38;
	[tilespmem:$0x1E900] =	vst v63  }
0x68: {  	s20 =	simm.s32 $0x180  }
0x69: {  	[spmem:s3] =	stream.indirect.scatter.add.f32 [tilespmem:s29], [sflag:$0x4], $0x80, s20, s28, $0xb8;
	[tilespmem:$0x1E900] =	vst v63  }
0x6a: {  	_ =	swait.ge [sflag:s1], $0x4000  }
0x6b: {  	[sflag:s1] =	ssyncset.done $0x0  }
0x6c: {  	[sflag:s1] =	ssyncadd.s32 $0xFFFFC000  }
0x6d: {  	_ =	swait.ge [sflag:s2], $0x80  }
0x6e: {  	[sflag:s2] =	ssyncset.done $0x0  }
0x6f: {  	[sflag:s2] =	ssyncadd.s32 $0xFFFFFF80  }
0x70: {  	[tilespmem:s26], [sflag:$0x1] =	stream.indirect.gather [hbm4b:s0+s28], $0x80, s4, s28, $0xb8;
	[tilespmem:$0x1E900] =	vst v63  }
0x71: {  	_ =	swait.ge [sflag:s16], $0x4000  }
0x72: {  	[sflag:s16] =	ssyncset.done $0x0  }
0x73: {  	[sflag:s16] =	ssyncadd.s32 $0xFFFFC000  }
0x74: {  	_ =	swait.ge [sflag:s5], $0x80  }
0x75: {  	[sflag:s5] =	ssyncset.done $0x0  }
0x76: {  	s17 =	simm.s32 $0x400;
	s18 =	sadd.s32 $0x20, s18;
	[sflag:s5] =	ssyncadd.s32 $0xFFFFFF80  }
.LBB2_4:
0x77: {  	[tilespmem:s29], [sflag:$0x2] =	stream.indirect.gather [hbm4b:s0+s28], $0x80, s28, s28, $0xb8;
	[tilespmem:$0x1E900] =	vst v63  }
0x78: {  	s19 =	smov.u32 s17  }
0x79: {  	p0 =	sne.s32 s17, $0x9800;
	s17 =	sadd.s32 $0x400, s17;
	_ =	swait.ge [sflag:s30], $0x4000  }
0x7a: {  	[sflag:s30] =	ssyncset.done $0x0  }
0x7b: {  	s19 =	sshra.s32 s19, $0x2;
	[sflag:s30] =	ssyncadd.s32 $0xFFFFC000  }
0x7c: {  	[tilespmem:s4], [sflag:$0x5] =	stream.linear.gather [hbm4b:s18+s4], $0x80, $0x38;
	[tilespmem:$0x1E900] =	vst v63  }
0x7d: {  	s20 =	sadd.s32 $0x100, s19  }
0x7e: {  	[spmem:s3] =	stream.indirect.scatter.add.f32 [tilespmem:s26], [sflag:$0x3], $0x80, s20, s28, $0xb8;
	[tilespmem:$0x1E900] =	vst v63  }
0x7f: {  	_ =	swait.ge [sflag:s31], $0x4000  }
0x80: {  	[sflag:s31] =	ssyncset.done $0x0  }
0x81: {  	s20 =	sadd.s32 $0x10, s18;
	[sflag:s31] =	ssyncadd.s32 $0xFFFFC000  }
0x82: {  	[tilespmem:s28], [sflag:$0x6] =	stream.linear.gather [hbm4b:s20+s4], $0x80, $0x38;
	[tilespmem:$0x1E900] =	vst v63  }
0x83: {  	s19 =	sadd.s32 $0x180, s19  }
0x84: {  	[spmem:s3] =	stream.indirect.scatter.add.f32 [tilespmem:s29], [sflag:$0x4], $0x80, s19, s28, $0xb8;
	[tilespmem:$0x1E900] =	vst v63  }
0x85: {  	_ =	swait.ge [sflag:s1], $0x4000  }
0x86: {  	[sflag:s1] =	ssyncset.done $0x0  }
0x87: {  	[sflag:s1] =	ssyncadd.s32 $0xFFFFC000  }
0x88: {  	_ =	swait.ge [sflag:s2], $0x80  }
0x89: {  	[sflag:s2] =	ssyncset.done $0x0  }
0x8a: {  	[sflag:s2] =	ssyncadd.s32 $0xFFFFFF80  }
0x8b: {  	[tilespmem:s26], [sflag:$0x1] =	stream.indirect.gather [hbm4b:s0+s28], $0x80, s4, s28, $0xb8;
	[tilespmem:$0x1E900] =	vst v63  }
0x8c: {  	_ =	swait.ge [sflag:s16], $0x4000  }
.Ltmp1:
0x8d: {  	[sflag:s16] =	ssyncset.done $0x0;
	(pc) =	sbr.rel @p0 .LBB2_4-.Ltmp1, $4  }
0x8e: {  	[sflag:s16] =	ssyncadd.s32 $0xFFFFC000  }
0x8f: {  	_ =	swait.ge [sflag:s5], $0x80  }
0x90: {  	[sflag:s5] =	ssyncset.done $0x0  }
0x91: {  	s18 =	sadd.s32 $0x20, s18;
	[sflag:s5] =	ssyncadd.s32 $0xFFFFFF80  }
0x92: {  	[tilespmem:s29], [sflag:$0x2] =	stream.indirect.gather [hbm4b:s0+s28], $0x80, s28, s28, $0xb8;
	[tilespmem:$0x1E900] =	vst v63  }
0x93: {  	_ =	swait.ge [sflag:s30], $0x4000  }
0x94: {  	[sflag:s30] =	ssyncset.done $0x0  }
0x95: {  	s17 =	simm.s32 $0x2800;
	[sflag:s30] =	ssyncadd.s32 $0xFFFFC000  }
0x96: {  	[spmem:s3] =	stream.indirect.scatter.add.f32 [tilespmem:s26], [sflag:$0x3], $0x80, s17, s28, $0xb8;
	[tilespmem:$0x1E900] =	vst v63  }
0x97: {  	_ =	swait.ge [sflag:s31], $0x4000  }
0x98: {  	[sflag:s31] =	ssyncset.done $0x0  }
0x99: {  	s18 =	simm.s32 $0x2880;
	[sflag:s31] =	ssyncadd.s32 $0xFFFFC000  }
0x9a: {  	[spmem:s3] =	stream.indirect.scatter.add.f32 [tilespmem:s29], [sflag:$0x4], $0x80, s18, s28, $0xb8;
	[tilespmem:$0x1E900] =	vst v63  }
0x9b: {  	_ =	swait.ge [sflag:s1], $0x4000  }
0x9c: {  	[sflag:s1] =	ssyncset.done $0x0  }
0x9d: {  	[sflag:s1] =	ssyncadd.s32 $0xFFFFC000  }
0x9e: {  	_ =	swait.ge [sflag:s16], $0x4000  }
0x9f: {  	[sflag:s16] =	ssyncset.done $0x0  }
0xa0: {  	[sflag:s16] =	ssyncadd.s32 $0xFFFFC000  }
0xa1: {  	[bflag:$0x0] =	sbarrier.arrive $0xFFFF  }
0xa2: {  	[tilespmem:s26], [sflag:$0x7] =	stream.linear.gather [spmem:s7], $0x2800, $0x38;
	[tilespmem:$0x1E900] =	vst v63  }
0xa3: {  	_ =	swait.ge [sflag:s25], $0x2800  }
0xa4: {  	[sflag:s25] =	ssyncset.done $0x0  }
0xa5: {  	s19 =	rddreg [dreg:$0x6];
	[sflag:s25] =	ssyncadd.s32 $0xFFFFD800  }
0xa6: {  	[hbm4b:s19+s4] =	stream.linear.scatter [tilespmem:s26], [sflag:$0x7], $0x2800, $0x38;
	[tilespmem:$0x1E900] =	vst v63  }
0xa7: {  	_ =	swait.ge [sflag:s25], $0x2800  }
0xa8: {  	[sflag:s25] =	ssyncset.done $0x0  }
0xa9: {  	[sflag:s25] =	ssyncadd.s32 $0xFFFFD800  }
0xaa: {  	[tilespmem:s26], [sflag:$0x7] =	stream.linear.gather [spmem:s9], $0x2800, $0x38;
	[tilespmem:$0x1E900] =	vst v63  }
0xab: {  	_ =	swait.ge [sflag:s25], $0x2800  }
0xac: {  	[sflag:s25] =	ssyncset.done $0x0  }
0xad: {  	s20 =	rddreg [dreg:$0x7];
	[sflag:s25] =	ssyncadd.s32 $0xFFFFD800  }
0xae: {  	[hbm4b:s20+s4] =	stream.linear.scatter [tilespmem:s26], [sflag:$0x7], $0x2800, $0x38;
	[tilespmem:$0x1E900] =	vst v63  }
0xaf: {  	_ =	swait.ge [sflag:s25], $0x2800  }
0xb0: {  	[sflag:s25] =	ssyncset.done $0x0  }
0xb1: {  	[sflag:s25] =	ssyncadd.s32 $0xFFFFD800  }
0xb2: {  	[tilespmem:s26], [sflag:$0x7] =	stream.linear.gather [spmem:s10], $0x2800, $0x38;
	[tilespmem:$0x1E900] =	vst v63  }
0xb3: {  	_ =	swait.ge [sflag:s25], $0x2800  }
0xb4: {  	[sflag:s25] =	ssyncset.done $0x0  }
0xb5: {  	s18 =	rddreg [dreg:$0x8];
	[sflag:s25] =	ssyncadd.s32 $0xFFFFD800  }
0xb6: {  	[hbm4b:s18+s4] =	stream.linear.scatter [tilespmem:s26], [sflag:$0x7], $0x2800, $0x38;
	[tilespmem:$0x1E900] =	vst v63  }
0xb7: {  	_ =	swait.ge [sflag:s25], $0x2800  }
0xb8: {  	[sflag:s25] =	ssyncset.done $0x0  }
0xb9: {  	[sflag:s25] =	ssyncadd.s32 $0xFFFFD800  }
0xba: {  	[tilespmem:s26], [sflag:$0x7] =	stream.linear.gather [spmem:s11], $0x2800, $0x38;
	[tilespmem:$0x1E900] =	vst v63  }
0xbb: {  	_ =	swait.ge [sflag:s25], $0x2800  }
0xbc: {  	[sflag:s25] =	ssyncset.done $0x0  }
0xbd: {  	s19 =	rddreg [dreg:$0x9];
	[sflag:s25] =	ssyncadd.s32 $0xFFFFD800  }
0xbe: {  	[hbm4b:s19+s4] =	stream.linear.scatter [tilespmem:s26], [sflag:$0x7], $0x2800, $0x38;
	[tilespmem:$0x1E900] =	vst v63  }
0xbf: {  	_ =	swait.ge [sflag:s25], $0x2800  }
0xc0: {  	[sflag:s25] =	ssyncset.done $0x0  }
0xc1: {  	[sflag:s25] =	ssyncadd.s32 $0xFFFFD800  }
0xc2: {  	[tilespmem:s26], [sflag:$0x7] =	stream.linear.gather [spmem:s12], $0x2800, $0x38;
	[tilespmem:$0x1E900] =	vst v63  }
0xc3: {  	_ =	swait.ge [sflag:s25], $0x2800  }
0xc4: {  	[sflag:s25] =	ssyncset.done $0x0  }
0xc5: {  	[sflag:s25] =	ssyncadd.s32 $0xFFFFD800  }
0xc6: {  	[hbm4b:s21+s4] =	stream.linear.scatter [tilespmem:s26], [sflag:$0x7], $0x2800, $0x38;
	[tilespmem:$0x1E900] =	vst v63  }
0xc7: {  	_ =	swait.ge [sflag:s25], $0x2800  }
0xc8: {  	[sflag:s25] =	ssyncset.done $0x0  }
0xc9: {  	[sflag:s25] =	ssyncadd.s32 $0xFFFFD800  }
0xca: {  	[tilespmem:s26], [sflag:$0x7] =	stream.linear.gather [spmem:s13], $0x2800, $0x38;
	[tilespmem:$0x1E900] =	vst v63  }
0xcb: {  	_ =	swait.ge [sflag:s25], $0x2800  }
0xcc: {  	[sflag:s25] =	ssyncset.done $0x0  }
0xcd: {  	[sflag:s25] =	ssyncadd.s32 $0xFFFFD800  }
0xce: {  	[hbm4b:s22+s4] =	stream.linear.scatter [tilespmem:s26], [sflag:$0x7], $0x2800, $0x38;
	[tilespmem:$0x1E900] =	vst v63  }
0xcf: {  	_ =	swait.ge [sflag:s25], $0x2800  }
0xd0: {  	[sflag:s25] =	ssyncset.done $0x0  }
0xd1: {  	[sflag:s25] =	ssyncadd.s32 $0xFFFFD800  }
0xd2: {  	[tilespmem:s26], [sflag:$0x7] =	stream.linear.gather [spmem:s14], $0x2800, $0x38;
	[tilespmem:$0x1E900] =	vst v63  }
0xd3: {  	_ =	swait.ge [sflag:s25], $0x2800  }
0xd4: {  	[sflag:s25] =	ssyncset.done $0x0  }
0xd5: {  	[sflag:s25] =	ssyncadd.s32 $0xFFFFD800  }
0xd6: {  	[hbm4b:s23+s4] =	stream.linear.scatter [tilespmem:s26], [sflag:$0x7], $0x2800, $0x38;
	[tilespmem:$0x1E900] =	vst v63  }
0xd7: {  	_ =	swait.ge [sflag:s25], $0x2800  }
0xd8: {  	[sflag:s25] =	ssyncset.done $0x0  }
0xd9: {  	[sflag:s25] =	ssyncadd.s32 $0xFFFFD800  }
0xda: {  	[tilespmem:s26], [sflag:$0x7] =	stream.linear.gather [spmem:s15], $0x2800, $0x38;
	[tilespmem:$0x1E900] =	vst v63  }
0xdb: {  	_ =	swait.ge [sflag:s25], $0x2800  }
0xdc: {  	[sflag:s25] =	ssyncset.done $0x0  }
0xdd: {  	[sflag:s25] =	ssyncadd.s32 $0xFFFFD800  }
0xde: {  	[hbm4b:s24+s4] =	stream.linear.scatter [tilespmem:s26], [sflag:$0x7], $0x2800, $0x38;
	[tilespmem:$0x1E900] =	vst v63  }
0xdf: {  	_ =	swait.ge [sflag:s25], $0x2800  }
0xe0: {  	s8 =	sadd.s32 $0x1, s8;
	s20 =	rddreg [dreg:$0x5]  }
0xe1: {  	p0 =	sne.s32 s8, s20  }
.Ltmp2:
0xe2: {  	_ = 	snop;
	(pc) =	sbr.rel @p0 .LBB2_1-.Ltmp2, $3  }
0xe3: {  	_ =	sdelay $0x1  }
0xe4: {  	[sflag:s25] =	ssyncset.done $0x0  }
0xe5: {  	[sflag:s25] =	ssyncadd.s32 $0xFFFFD800  }
0xe6: {  	_ =	sfence.sel $0x180000  }
0xe7: {  	[bflag:$0x0] =	sbarrier.arrive $0xFFFF  }
0xe8: {  	_ =	strace $0x9000004A  }
0xe9: {  	s0 =	stileid.u32;
	[bflag:$0x2] =	sbarrier.arrive $0xFFFF  }
0xea: {  	p0 =	sne.s32 s0, $0x0;
	s0 =	rddreg [dreg:$0x3]  }
0xeb: {  	s0 =	sadd.s32 @!p0 $0x100000, s0  }
0xec: {  	[sflag:s0] =	ssyncadd.tile.s32 @!p0 $0x1;
	_ =	shalt  }
.Lfunc_end2:
_tile_overlayer_lowered:
.L_overlay_start_2:
0xed: {  	(tag) =	ssettag $0x2  }
0xee: {  	s0 =	rddreg [dreg:$0x0];
	s2 =	stileid.u32  }
0xef: {  	s1 =	rddreg [dreg:$0x1];
	p0 =	sne.s32 s2, $0x0  }
0xf0: {  	s3 =	rddreg [dreg:$0x2];
	[bflag:$0x3] =	sbarrier.arrive $0xFFFF;
	s2 =	simm.s32 @!p0 $0x1C07  }
0xf1: {  	[timem:s3], [sflag:s2] =	dma.local @!p0 [hbm:s0], s1  }
0xf2: {  	s0 =	simm.s32 @!p0 $0x7  }
0xf3: {  	_ =	swait.ge @!p0 [sflag:s0], s1  }
0xf4: {  	s1 =	ssub.s32 @!p0 $0x0, s1;
	[sflag:s0] =	ssyncset.done @!p0 $0x0  }
0xf5: {  	[sflag:s0] =	ssyncadd.s32 @!p0 s1  }
0xf6: {  	[bflag:$0x3] =	sbarrier.arrive $0xFFFF  }
0xf7: {  	_ =	shalt  }

// kernel: kernel.14.cloned.1.call-start
scs
__scs_entry_jumppad:
0x0: {  	(pc) =	sbr.rel $0x88, $3  }
0x1: {  	(tag) =	ssettag $0x0;
	lr =	simm.s32 $0x1  }
0x2: {  	[smem:$0x3F9B] =	sst lr;
	_ =	strace $0xD0000000  }
0x3: {  	_ = 	snop  }
0x4: {  	_ = 	snop  }
0x5: {  	_ = 	snop  }
0x6: {  	_ = 	snop  }
0x7: {  	_ = 	snop  }
__scs_overlays_trampoline_lowered:
0x8: {  	[smem:$0x3FAA] =	sst s0  }
0x9: {  	[smem:$0x3FAB] =	sst s1  }
0xa: {  	[smem:$0x3FAC] =	sst s2  }
0xb: {  	[smem:$0x3FAD] =	sst s3  }
0xc: {  	[smem:$0x3FAE] =	sst s4  }
0xd: {  	[smem:$0x3FAF] =	sst s5  }
0xe: {  	[smem:$0x3FB0] =	sst s6  }
0xf: {  	[smem:$0x3FB1] =	sst s7  }
0x10: {  	[smem:$0x3FB2] =	sst s8  }
0x11: {  	[smem:$0x3FB3] =	sst s9;
	s0 =	simm.s32 @!p0 $0x0  }
0x12: {  	s1 =	sld [smem:$0x3F99];
	s0 =	simm.s32 @p0 $0x1  }
0x13: {  	[smem:$0x3FB4] =	sst s0;
	s0 =	simm.s32 @!p1 $0x0  }
0x14: {  	s2 =	sld [smem:$0x3F98];
	s0 =	simm.s32 @p1 $0x1  }
0x15: {  	[smem:$0x3FB5] =	sst s0;
	s0 =	simm.s32 @!p2 $0x0  }
0x16: {  	s3 =	sld [smem:$0x3FDB];
	s0 =	simm.s32 @p2 $0x1  }
0x17: {  	s4 =	simm.s32 $0x1BF5;
	[smem:$0x3FB7] =	sst s0  }
0x18: {  	s0 =	sld [smem:$0x3F9A];
	_ =	swait.ge [sflag:s4], $0x0  }
0x19: {  	s7 =	sld [smem:$0x3F9B]  }
0x1a: {  	s8 =	sadd.s32 $0xFFFFE003, lr  }
0x1b: {  	s9 =	sadd.s32 $0xFFFFFEF7, lr;
	s5 =	simm.s32 $0xFFFFFFFF;
	p2 =	slt.u32 s8, $0xFFFFF086  }
0x1c: {  	p1 =	slt.u32 s9, $0xF7A;
	s5 =	simm.s32 @!p2 $0x0  }
0x1d: {  	s5 =	simm.s32 @p1 $0x1;
	p0 =	seq.s32 s7, s2  }
0x1e: {  	s7 =	smul.u32 @!p0 $0xF7A, s2;
	p2 =	seq.s32 @!p0 s5, $0x0  }
0x1f: {  	s9 =	smul.u32 $0xF7A, s1;
	s8 =	simm.s32 @!p0 $0x1BF5;
	p2 =	por !p2, p0  }
0x20: {  	[sflag:s8] =	ssyncset.s32 @!p0 $0xFFFFF086;
	s6 =	sadd.s32 @!p0 s3, s7;
	s7 =	simm.s32 @!p0 $0x108  }
0x21: {  	s3 =	sadd.s32 s3, s9;
	s6 =	sadd.s32 @!p0 $0x88, s6;
	s7 =	simm.s32 @p2 $0x1082  }
0x22: {  	[simem:s7], [sflag:s8] =	dma.local @!p0 [hbm:s6], $0xF7A  }
0x23: {  	s9 =	sor.u32 $0xD0000000, s2;
	s6 =	simm.s32 $0x108;
	_ =	swait.ge @!p0 [sflag:s8], $0x0  }
0x24: {  	s3 =	sadd.s32 $0x88, s3;
	s6 =	simm.s32 @!p1 $0x1082;
	[sflag:s4] =	ssyncset.s32 $0xFFFFF086  }
0x25: {  	[simem:s6], [sflag:s4] =	dma.local [hbm:s3], $0xF7A  }
0x26: {  	[smem:$0x3F9B] =	sst s1;
	(tag) =	ssettag s2;
	_ =	strace s9  }
0x27: {  	s1 =	sld [smem:$0x3FAB]  }
0x28: {  	s2 =	sld [smem:$0x3FAC]  }
0x29: {  	s4 =	sld [smem:$0x3FAE]  }
0x2a: {  	p0 =	seq.s32 s5, $0x0;
	s5 =	sld [smem:$0x3FAF]  }
0x2b: {  	s6 =	sld [smem:$0x3FB0]  }
0x2c: {  	s7 =	sld [smem:$0x3FB1]  }
0x2d: {  	s3 =	simm.s32 $0x108;
	s8 =	sld [smem:$0x3FB2]  }
0x2e: {  	s3 =	simm.s32 @!p0 $0x1082;
	s9 =	sld [smem:$0x3FB3]  }
0x2f: {  	lr =	sadd.s32 s0, s3;
	s0 =	sld [smem:$0x3FAA]  }
0x30: {  	s3 =	sld [smem:$0x3FAD]  }
0x31: {  	[smem:$0x3FB6] =	sst s10  }
0x32: {  	s10 =	sld [smem:$0x3FB4];
	_ =	sdelay $0x3  }
0x33: {  	p0 =	seq.s32 s10, $0x1;
	s10 =	sld [smem:$0x3FB6];
	_ =	sdelay $0x3  }
0x34: {  	[smem:$0x3FB6] =	sst s10  }
0x35: {  	s10 =	sld [smem:$0x3FB5];
	_ =	sdelay $0x3  }
0x36: {  	p1 =	seq.s32 s10, $0x1;
	s10 =	sld [smem:$0x3FB6];
	_ =	sdelay $0x3  }
0x37: {  	[smem:$0x3FB6] =	sst s10  }
0x38: {  	s10 =	sld [smem:$0x3FB7]  }
0x39: {  	_ = 	snop;
	(pc) =	sbr.ind lr, $3  }
0x3a: {  	_ = 	snop  }
0x3b: {  	_ = 	snop  }
0x3c: {  	p2 =	seq.s32 s10, $0x1;
	s10 =	sld [smem:$0x3FB6]  }
0x3d: {  	_ =	shalt  }
0x3e: {  	_ =	shalt  }
0x3f: {  	_ =	shalt  }
0x40: {  	_ =	shalt  }
0x41: {  	_ =	shalt  }
0x42: {  	_ =	shalt  }
0x43: {  	_ =	shalt  }
0x44: {  	_ =	shalt  }
0x45: {  	_ =	shalt  }
0x46: {  	_ =	shalt  }
0x47: {  	_ =	shalt  }
0x48: {  	_ =	shalt  }
0x49: {  	_ =	shalt  }
0x4a: {  	_ =	shalt  }
0x4b: {  	_ =	shalt  }
0x4c: {  	_ =	shalt  }
0x4d: {  	_ =	shalt  }
0x4e: {  	_ =	shalt  }
0x4f: {  	_ =	shalt  }
0x50: {  	_ =	shalt  }
0x51: {  	_ =	shalt  }
0x52: {  	_ =	shalt  }
0x53: {  	_ =	shalt  }
0x54: {  	_ =	shalt  }
0x55: {  	_ =	shalt  }
0x56: {  	_ =	shalt  }
0x57: {  	_ =	shalt  }
0x58: {  	_ =	shalt  }
0x59: {  	_ =	shalt  }
0x5a: {  	_ =	shalt  }
0x5b: {  	_ =	shalt  }
0x5c: {  	_ =	shalt  }
0x5d: {  	_ =	shalt  }
0x5e: {  	_ =	shalt  }
0x5f: {  	_ =	shalt  }
0x60: {  	_ =	shalt  }
0x61: {  	_ =	shalt  }
0x62: {  	_ =	shalt  }
0x63: {  	_ =	shalt  }
0x64: {  	_ =	shalt  }
0x65: {  	_ =	shalt  }
0x66: {  	_ =	shalt  }
0x67: {  	_ =	shalt  }
0x68: {  	_ =	shalt  }
0x69: {  	_ =	shalt  }
0x6a: {  	_ =	shalt  }
0x6b: {  	_ =	shalt  }
0x6c: {  	_ =	shalt  }
0x6d: {  	_ =	shalt  }
0x6e: {  	_ =	shalt  }
0x6f: {  	_ =	shalt  }
0x70: {  	_ =	shalt  }
0x71: {  	_ =	shalt  }
0x72: {  	_ =	shalt  }
0x73: {  	_ =	shalt  }
0x74: {  	_ =	shalt  }
0x75: {  	_ =	shalt  }
0x76: {  	_ =	shalt  }
0x77: {  	_ =	shalt  }
0x78: {  	_ =	shalt  }
0x79: {  	_ =	shalt  }
0x7a: {  	_ =	shalt  }
0x7b: {  	_ =	shalt  }
0x7c: {  	_ =	shalt  }
0x7d: {  	_ =	shalt  }
0x7e: {  	_ =	shalt  }
0x7f: {  	_ =	shalt  }
0x80: {  	_ =	shalt  }
0x81: {  	_ =	shalt  }
0x82: {  	_ =	shalt  }
0x83: {  	_ =	shalt  }
0x84: {  	_ =	shalt  }
0x85: {  	_ =	shalt  }
0x86: {  	_ =	shalt  }
0x87: {  	_ =	shalt  }
.Lfunc_end0:
.L_simem_size_0:
called_computation.2_lowered:
.L_overlay_start_0:
0x88: {  	s2 =	sld [smem:$0x3FD9]  }
0x89: {  	s3 =	sld [smem:$0x3FFE];
	_ =	sdelay $0x1  }
0x8a: {  	s1 =	srdreg.scid  }
0x8b: {  	s0 =	sand.u32 $0x1, s1  }
0x8c: {  	s17 =	sshll.u32 s0, $0xA;
	s2 =	sadd.s32 s3, s2  }
0x8d: {  	s2 =	sadd.s32 s2, s17  }
0x8e: {  	[smem:$0x3FC2] =	sst s2  }
0x8f: {  	_ = 	snop  }
0x90: {  	s2 =	sld [smem:$0x3FD0];
	(tm) =	ssettm $0x1  }
0x91: {  	s18 =	sld [smem:$0x3FFB];
	_ =	sdelay $0x3  }
0x92: {  	_ =	strace s18  }
0x93: {  	s3 =	sld [smem:$0x3FFC];
	_ =	sdelay $0x3  }
0x94: {  	_ =	strace s3  }
0x95: {  	s3 =	sld [smem:$0x3FFD];
	_ =	sdelay $0x3  }
0x96: {  	_ =	strace s3  }
0x97: {  	_ =	strace $0x8FFFFFFF  }
0x98: {  	s19 =	sld [smem:$0x3FDB];
	_ =	sdelay $0x1  }
0x99: {  	s4 =	simm.s32 $_scs_section_size  }
0x9a: {  	s5 =	simm.s32 $_size__tile_overlayer_lowered;
	s6 =	simm.s32 $_tile_overlayer_lowered  }
0x9b: {  	s22 =	simm.s32 $0x1BFF;
	s21 =	sshll.u32 s6, $0x1;
	s3 =	sadd.s32 s4, s19  }
0x9c: {  	s7 =	simm.s32 $0x0;
	s20 =	sshll.u32 s5, $0x1;
	s5 =	sadd.s32 s21, s3  }
0x9d: {  	[timem:s7], [sflag:s22] =	dma.local [hbm:s5], s20  }
0x9e: {  	_ =	swait.ge [sflag:s22], s20  }
0x9f: {  	s4 =	ssub.s32 $0x0, s20;
	[sflag:s22] =	ssyncset.done $0x0  }
0xa0: {  	[sflag:s22] =	ssyncadd.s32 s4;
	_ =	sdelay $0x1  }
0xa1: {  	s23 =	simm.s32 $0x1B8B  }
0xa2: {  	_ =	swait.ge [sflag:s23], $0x1  }
0xa3: {  	[sflag:s23] =	ssyncset.done $0x0  }
0xa4: {  	s25 =	simm.s32 $0x1B8E;
	s24 =	sld [smem:$0x3FFE];
	[sflag:s23] =	ssyncadd.s32 $0xFFFFFFFF  }
0xa5: {  	s26 =	simm.s32 $execute0_lowered;
	[smem:$0x3FD2] =	sst s25  }
0xa6: {  	s5 =	sshll.u32 s26, $0x1;
	_ =	strace $0x8000004C;
	[dreg:$0x1] =	wrdreg $0xFFFFFFFF  }
0xa7: {  	s28 =	simm.s32 $_size_execute0_lowered;
	s3 =	sadd.s32 s3, s5;
	[dreg:$0x0] =	wrdreg $0x0  }
0xa8: {  	s5 =	sshll.u32 s28, $0x1;
	[dreg:$0x2] =	wrdreg s3  }
0xa9: {  	[dreg:$0x3] =	wrdreg s5  }
0xaa: {  	[dreg:$0x4] =	wrdreg $0xC0  }
0xab: {  	_ =	task [dreg:s7], $0x5FFFF  }
0xac: {  	[dreg:$0x1] =	wrdreg $0xFFFFFFFF  }
0xad: {  	[dreg:$0x0] =	wrdreg $0x60  }
0xae: {  	[dreg:$0x2] =	wrdreg s2  }
0xaf: {  	[dreg:$0x3] =	wrdreg s24  }
0xb0: {  	[dreg:$0x4] =	wrdreg $0xA9000  }
0xb1: {  	[dreg:$0x5] =	wrdreg $0x9  }
0xb2: {  	_ =	task.clear_ibuf [dreg:s7], $0x6FFFF;
	_ =	strace $0x9000004C  }
0xb3: {  	s29 =	simm.s32 $0x9;
	_ =	strace $0x8000004E  }
0xb4: {  	_ =	swait.ge [sflag:s29], $0x1  }
0xb5: {  	[sflag:s29] =	ssyncadd.s32 $0xFFFFFFFF  }
0xb6: {  	_ =	strace $0x9000004E  }
0xb7: {  	_ =	sfence  }
0xb8: {  	s30 =	sld [smem:$0x0];
	_ =	sdelay $0x2  }
0xb9: {  	s31 =	sshll.u32 s1, $0xD;
	s1 =	sshrl.u32 s1, $0x2  }
0xba: {  	s3 =	sand.u32 $0x4000, s31;
	s1 =	sadd.s32 s1, s30  }
0xbb: {  	s0 =	sor.u32 s3, s0;
	s1 =	sshll.u32 s1, $0x11  }
0xbc: {  	s0 =	sor.u32 s1, s0  }
0xbd: {  	s0 =	sadd.s32 $0x8F2B, s0  }
0xbe: {  	[sflag:s0] =	ssyncadd.remote.s32 $0x1  }
0xbf: {  	_ =	sfence.sel $0xFFFF  }
0xc0: {  	[dreg:$0x0] =	wrdreg $0xFFFFFFFF;
	(pc) =	sbr.abs _section_cstart, $3  }
0xc1: {  	[dreg:$0x1] =	wrdreg $0xFFFFFFFF  }
0xc2: {  	_ =	task.clear_ibuf [dreg:s7], $0x2FFFF;
	_ =	strace $0x9FFFFFFF  }
0xc3: {  	(tm) =	ssettm $0x7FFFFFFF  }
tec
execute0_lowered:
.L_overlay_start_1:
0x0: {  	(tag) =	ssettag $0x1  }
0x1: {  	s0 =	rddreg [dreg:$0x0]  }
0x2: {  	s1 =	srdreg.scid;
	s2 =	rddreg [dreg:$0x1]  }
0x3: {  	s3 =	rddreg [dreg:$0x2];
	s20 =	stileid.u32  }
0x4: {  	s4 =	simm.s32 $0x0;
	s28 =	simm.s32 $0x80;
	s29 =	simm.s32 $0x6900  }
0x5: {  	s30 =	simm.s32 $0x1;
	s31 =	simm.s32 $0x2;
	s8 =	smul.u32 $0x280, s20  }
0x6: {  	s1 =	sand.u32 $0x1, s1;
	[smem:$0x7FF] =	sst s4;
	s21 =	smul.u32 $0x50000, s20  }
0x7: {  	s5 =	sshll.u32 s1, $0x4;
	s6 =	smul.u32 $0x28000, s1;
	s1 =	ssub.s32 $0x2, s1  }
0x8: {  	_ =	strace $0x8000004D;
	s5 =	sor.u32 s20, s5;
	s7 =	sshrl.u32 s1, $0x1  }
0x9: {  	s23 =	sor.u32 $0x50, s8;
	s24 =	sadd.s32 $0xA0, s8;
	s16 =	sadd.s32 $0xF0, s8  }
0xa: {  	s17 =	sadd.s32 $0x140, s8;
	s18 =	sadd.s32 $0x190, s8;
	s20 =	smul.u32 $0x2800, s20  }
0xb: {  	s19 =	sadd.s32 $0x1E0, s8;
	s8 =	sadd.s32 $0x230, s8;
	s5 =	smul.u32 $0x500, s5  }
0xc: {  	s1 =	ssub.s32 s1, s7;
	s7 =	sshrl.u32 s21, $0x2;
	s9 =	sshll.u32 s23, $0x7  }
0xd: {  	s10 =	sshll.u32 s24, $0x7;
	s11 =	sshll.u32 s16, $0x7;
	s12 =	sshll.u32 s17, $0x7  }
0xe: {  	s13 =	sshll.u32 s18, $0x7;
	s14 =	sshll.u32 s19, $0x7;
	s15 =	sshll.u32 s8, $0x7  }
0xf: {  	s16 =	sshll.u32 s16, $0x4;
	s17 =	sshll.u32 s17, $0x4;
	s18 =	sshll.u32 s18, $0x4  }
0x10: {  	s8 =	sshll.u32 s8, $0x4;
	s7 =	sadd.s32 s7, s3;
	s1 =	smax.u32 s1, $0x1  }
0x11: {  	s9 =	sadd.s32 s9, s3;
	s10 =	sadd.s32 s10, s3;
	s11 =	sadd.s32 s11, s3  }
0x12: {  	s12 =	sadd.s32 s12, s3;
	s13 =	sadd.s32 s13, s3;
	s14 =	sadd.s32 s14, s3  }
0x13: {  	s15 =	sadd.s32 s15, s3;
	s5 =	sadd.s32 s5, s2;
	s2 =	sadd.s32 s6, s2  }
0x14: {  	[dreg:$0x5] =	wrdreg s1;
	s1 =	sshll.u32 s24, $0x4;
	s22 =	sadd.s32 $0x2A00, s5  }
0x15: {  	s6 =	sadd.s32 $0x5CA00, s5;
	s2 =	sadd.s32 $0xCA00, s2;
	s5 =	sshll.u32 s23, $0x4  }
0x16: {  	s23 =	sshll.u32 s19, $0x4;
	[dreg:$0x4] =	wrdreg s22;
	s25 =	sadd.s32 s20, s2  }
0x17: {  	s5 =	sadd.s32 s5, s2;
	s1 =	sadd.s32 s1, s2;
	s26 =	sadd.s32 s16, s2  }
0x18: {  	s21 =	sadd.s32 s17, s2;
	s22 =	sadd.s32 s18, s2;
	[dreg:$0x6] =	wrdreg s25  }
0x19: {  	s23 =	sadd.s32 s23, s2;
	s24 =	sadd.s32 s8, s2;
	[dreg:$0x7] =	wrdreg s5  }
0x1a: {  	s2 =	simm.s32 $0x5;
	s16 =	simm.s32 $0x4;
	[dreg:$0x8] =	wrdreg s1  }
0x1b: {  	s8 =	simm.s32 $0x0;
	[dreg:$0x9] =	wrdreg s26;
	s25 =	simm.s32 $0x7  }
0x1c: {  	v0 =	vimm.f32 $0.0e+00;
	s26 =	simm.s32 $0x2900;
	s1 =	simm.s32 $0x3;
	s5 =	simm.s32 $0x6  }
.LBB2_1:
0x1d: {  	s17 =	rddreg [dreg:$0x4];
	s18 =	simm.s32 $0x100  }
0x1e: {  	[tilespmem:s18], [sflag:$0x7] =	stream.linear.gather [hbm4b:s17+s4], $0x2800, $0x38;
	[tilespmem:$0x1E900] =	vst v63  }
0x1f: {  	_ =	swait.ge [sflag:s25], $0x2800  }
0x20: {  	[sflag:s25] =	ssyncset.done $0x0  }
0x21: {  	s17 =	simm.s32 $0x0;
	s18 =	simm.s32 $0x200;
	[sflag:s25] =	ssyncadd.s32 $0xFFFFD800  }
.LBB2_2:
0x22: {  	p0 =	sne.s32 s18, $0x9E00;
	[tilespmem:s17+$0x2970] =	vst v0  }
0x23: {  	[tilespmem:s17+$0x2900] =	vst v0  }
0x24: {  	[tilespmem:s17+$0x2910] =	vst v0  }
.Ltmp0:
0x25: {  	[tilespmem:s17+$0x2920] =	vst v0;
	(pc) =	sbr.rel @p0 .LBB2_2-.Ltmp0, $4  }
0x26: {  	[tilespmem:s17+$0x2930] =	vst v0  }
0x27: {  	[tilespmem:s17+$0x2940] =	vst v0  }
0x28: {  	[tilespmem:s17+$0x2950] =	vst v0  }
0x29: {  	[tilespmem:s17+$0x2960] =	vst v0;
	s17 =	sshra.s32 s18, $0x2;
	s18 =	sadd.s32 $0x200, s18  }
0x2a: {  	[tilespmem:s17+$0x2970] =	vst v0  }
0x2b: {  	[tilespmem:s17+$0x2900] =	vst v0  }
0x2c: {  	[tilespmem:s17+$0x2910] =	vst v0  }
0x2d: {  	[tilespmem:s17+$0x2920] =	vst v0  }
0x2e: {  	[tilespmem:s17+$0x2930] =	vst v0  }
0x2f: {  	[tilespmem:s17+$0x2940] =	vst v0  }
0x30: {  	[tilespmem:s17+$0x2950] =	vst v0  }
0x31: {  	[tilespmem:s17+$0x2960] =	vst v0  }
0x32: {  	[spmem:s7] =	stream.linear.scatter [tilespmem:s26], [sflag:$0x7], $0x2800, $0x38;
	[tilespmem:$0x1E900] =	vst v63  }
0x33: {  	_ =	swait.ge [sflag:s25], $0x2800  }
0x34: {  	[sflag:s25] =	ssyncset.done $0x0  }
0x35: {  	[sflag:s25] =	ssyncadd.s32 $0xFFFFD800  }
0x36: {  	[spmem:s9] =	stream.linear.scatter [tilespmem:s26], [sflag:$0x7], $0x2800, $0x38;
	[tilespmem:$0x1E900] =	vst v63  }
0x37: {  	_ =	swait.ge [sflag:s25], $0x2800  }
0x38: {  	[sflag:s25] =	ssyncset.done $0x0  }
0x39: {  	[sflag:s25] =	ssyncadd.s32 $0xFFFFD800  }
0x3a: {  	[spmem:s10] =	stream.linear.scatter [tilespmem:s26], [sflag:$0x7], $0x2800, $0x38;
	[tilespmem:$0x1E900] =	vst v63  }
0x3b: {  	_ =	swait.ge [sflag:s25], $0x2800  }
0x3c: {  	[sflag:s25] =	ssyncset.done $0x0  }
0x3d: {  	[sflag:s25] =	ssyncadd.s32 $0xFFFFD800  }
0x3e: {  	[spmem:s11] =	stream.linear.scatter [tilespmem:s26], [sflag:$0x7], $0x2800, $0x38;
	[tilespmem:$0x1E900] =	vst v63  }
0x3f: {  	_ =	swait.ge [sflag:s25], $0x2800  }
0x40: {  	[sflag:s25] =	ssyncset.done $0x0  }
0x41: {  	[sflag:s25] =	ssyncadd.s32 $0xFFFFD800  }
0x42: {  	[spmem:s12] =	stream.linear.scatter [tilespmem:s26], [sflag:$0x7], $0x2800, $0x38;
	[tilespmem:$0x1E900] =	vst v63  }
0x43: {  	_ =	swait.ge [sflag:s25], $0x2800  }
0x44: {  	[sflag:s25] =	ssyncset.done $0x0  }
0x45: {  	[sflag:s25] =	ssyncadd.s32 $0xFFFFD800  }
0x46: {  	[spmem:s13] =	stream.linear.scatter [tilespmem:s26], [sflag:$0x7], $0x2800, $0x38;
	[tilespmem:$0x1E900] =	vst v63  }
0x47: {  	_ =	swait.ge [sflag:s25], $0x2800  }
0x48: {  	[sflag:s25] =	ssyncset.done $0x0  }
0x49: {  	[sflag:s25] =	ssyncadd.s32 $0xFFFFD800  }
0x4a: {  	[spmem:s14] =	stream.linear.scatter [tilespmem:s26], [sflag:$0x7], $0x2800, $0x38;
	[tilespmem:$0x1E900] =	vst v63  }
0x4b: {  	_ =	swait.ge [sflag:s25], $0x2800  }
0x4c: {  	[sflag:s25] =	ssyncset.done $0x0  }
0x4d: {  	[sflag:s25] =	ssyncadd.s32 $0xFFFFD800  }
0x4e: {  	[spmem:s15] =	stream.linear.scatter [tilespmem:s26], [sflag:$0x7], $0x2800, $0x38;
	[tilespmem:$0x1E900] =	vst v63  }
0x4f: {  	_ =	swait.ge [sflag:s25], $0x2800  }
0x50: {  	[sflag:s25] =	ssyncset.done $0x0  }
0x51: {  	[sflag:s25] =	ssyncadd.s32 $0xFFFFD800  }
0x52: {  	s19 =	simm.s32 $0x0;
	[bflag:$0x0] =	sbarrier.arrive $0xFFFF  }
0x53: {  	[tilespmem:s19], [sflag:$0x7] =	stream.linear.gather [hbm4b:s6+s19], $0x80, $0x38;
	[tilespmem:$0x1E900] =	vst v63  }
0x54: {  	_ =	swait.ge [sflag:s25], $0x80  }
0x55: {  	[sflag:s25] =	ssyncset.done $0x0  }
0x56: {  	s18 =	sadd.s32 $0x10, s6;
	[sflag:s25] =	ssyncadd.s32 $0xFFFFFF80  }
0x57: {  	[tilespmem:s28], [sflag:$0x7] =	stream.linear.gather [hbm4b:s18+s19], $0x80, $0x38;
	[tilespmem:$0x1E900] =	vst v63  }
0x58: {  	_ =	swait.ge [sflag:s25], $0x80  }
0x59: {  	[sflag:s25] =	ssyncset.done $0x0  }
0x5a: {  	[sflag:s25] =	ssyncadd.s32 $0xFFFFFF80  }
0x5b: {  	[tilespmem:s26], [sflag:$0x1] =	stream.indirect.gather [hbm4b:s0+s28], $0x80, s19, s28, $0xb8;
	[tilespmem:$0x1E900] =	vst v63  }
0x5c: {  	_ = 	snop  }
0x5d: {  	[tilespmem:s29], [sflag:$0x2] =	stream.indirect.gather [hbm4b:s0+s28], $0x80, s28, s28, $0xb8;
	[tilespmem:$0x1E900] =	vst v63  }
0x5e: {  	_ =	swait.ge [sflag:s30], $0x4000  }
0x5f: {  	[sflag:s30] =	ssyncset.done $0x0  }
0x60: {  	s18 =	sadd.s32 $0x20, s6;
	[sflag:s30] =	ssyncadd.s32 $0xFFFFC000  }
0x61: {  	[tilespmem:s4], [sflag:$0x5] =	stream.linear.gather [hbm4b:s18+s4], $0x80, $0x38;
	[tilespmem:$0x1E900] =	vst v63  }
0x62: {  	s20 =	simm.s32 $0x100  }
0x63: {  	[spmem:s3] =	stream.indirect.scatter.add.f32 [tilespmem:s26], [sflag:$0x3], $0x80, s20, s28, $0xb8;
	[tilespmem:$0x1E900] =	vst v63  }
0x64: {  	_ =	swait.ge [sflag:s31], $0x4000  }
0x65: {  	[sflag:s31] =	ssyncset.done $0x0  }
0x66: {  	s19 =	sadd.s32 $0x10, s18;
	[sflag:s31] =	ssyncadd.s32 $0xFFFFC000  }
0x67: {  	[tilespmem:s28], [sflag:$0x6] =	stream.linear.gather [hbm4b:s19+s4], $0x80, $0x38;
	[tilespmem:$0x1E900] =	vst v63  }
0x68: {  	s20 =	simm.s32 $0x180  }
0x69: {  	[spmem:s3] =	stream.indirect.scatter.add.f32 [tilespmem:s29], [sflag:$0x4], $0x80, s20, s28, $0xb8;
	[tilespmem:$0x1E900] =	vst v63  }
0x6a: {  	_ =	swait.ge [sflag:s1], $0x4000  }
0x6b: {  	[sflag:s1] =	ssyncset.done $0x0  }
0x6c: {  	[sflag:s1] =	ssyncadd.s32 $0xFFFFC000  }
0x6d: {  	_ =	swait.ge [sflag:s2], $0x80  }
0x6e: {  	[sflag:s2] =	ssyncset.done $0x0  }
0x6f: {  	[sflag:s2] =	ssyncadd.s32 $0xFFFFFF80  }
0x70: {  	[tilespmem:s26], [sflag:$0x1] =	stream.indirect.gather [hbm4b:s0+s28], $0x80, s4, s28, $0xb8;
	[tilespmem:$0x1E900] =	vst v63  }
0x71: {  	_ =	swait.ge [sflag:s16], $0x4000  }
0x72: {  	[sflag:s16] =	ssyncset.done $0x0  }
0x73: {  	[sflag:s16] =	ssyncadd.s32 $0xFFFFC000  }
0x74: {  	_ =	swait.ge [sflag:s5], $0x80  }
0x75: {  	[sflag:s5] =	ssyncset.done $0x0  }
0x76: {  	s17 =	simm.s32 $0x400;
	s18 =	sadd.s32 $0x20, s18;
	[sflag:s5] =	ssyncadd.s32 $0xFFFFFF80  }
.LBB2_4:
0x77: {  	[tilespmem:s29], [sflag:$0x2] =	stream.indirect.gather [hbm4b:s0+s28], $0x80, s28, s28, $0xb8;
	[tilespmem:$0x1E900] =	vst v63  }
0x78: {  	s19 =	smov.u32 s17  }
0x79: {  	p0 =	sne.s32 s17, $0x9800;
	s17 =	sadd.s32 $0x400, s17;
	_ =	swait.ge [sflag:s30], $0x4000  }
0x7a: {  	[sflag:s30] =	ssyncset.done $0x0  }
0x7b: {  	s19 =	sshra.s32 s19, $0x2;
	[sflag:s30] =	ssyncadd.s32 $0xFFFFC000  }
0x7c: {  	[tilespmem:s4], [sflag:$0x5] =	stream.linear.gather [hbm4b:s18+s4], $0x80, $0x38;
	[tilespmem:$0x1E900] =	vst v63  }
0x7d: {  	s20 =	sadd.s32 $0x100, s19  }
0x7e: {  	[spmem:s3] =	stream.indirect.scatter.add.f32 [tilespmem:s26], [sflag:$0x3], $0x80, s20, s28, $0xb8;
	[tilespmem:$0x1E900] =	vst v63  }
0x7f: {  	_ =	swait.ge [sflag:s31], $0x4000  }
0x80: {  	[sflag:s31] =	ssyncset.done $0x0  }
0x81: {  	s20 =	sadd.s32 $0x10, s18;
	[sflag:s31] =	ssyncadd.s32 $0xFFFFC000  }
0x82: {  	[tilespmem:s28], [sflag:$0x6] =	stream.linear.gather [hbm4b:s20+s4], $0x80, $0x38;
	[tilespmem:$0x1E900] =	vst v63  }
0x83: {  	s19 =	sadd.s32 $0x180, s19  }
0x84: {  	[spmem:s3] =	stream.indirect.scatter.add.f32 [tilespmem:s29], [sflag:$0x4], $0x80, s19, s28, $0xb8;
	[tilespmem:$0x1E900] =	vst v63  }
0x85: {  	_ =	swait.ge [sflag:s1], $0x4000  }
0x86: {  	[sflag:s1] =	ssyncset.done $0x0  }
0x87: {  	[sflag:s1] =	ssyncadd.s32 $0xFFFFC000  }
0x88: {  	_ =	swait.ge [sflag:s2], $0x80  }
0x89: {  	[sflag:s2] =	ssyncset.done $0x0  }
0x8a: {  	[sflag:s2] =	ssyncadd.s32 $0xFFFFFF80  }
0x8b: {  	[tilespmem:s26], [sflag:$0x1] =	stream.indirect.gather [hbm4b:s0+s28], $0x80, s4, s28, $0xb8;
	[tilespmem:$0x1E900] =	vst v63  }
0x8c: {  	_ =	swait.ge [sflag:s16], $0x4000  }
.Ltmp1:
0x8d: {  	[sflag:s16] =	ssyncset.done $0x0;
	(pc) =	sbr.rel @p0 .LBB2_4-.Ltmp1, $4  }
0x8e: {  	[sflag:s16] =	ssyncadd.s32 $0xFFFFC000  }
0x8f: {  	_ =	swait.ge [sflag:s5], $0x80  }
0x90: {  	[sflag:s5] =	ssyncset.done $0x0  }
0x91: {  	s18 =	sadd.s32 $0x20, s18;
	[sflag:s5] =	ssyncadd.s32 $0xFFFFFF80  }
0x92: {  	[tilespmem:s29], [sflag:$0x2] =	stream.indirect.gather [hbm4b:s0+s28], $0x80, s28, s28, $0xb8;
	[tilespmem:$0x1E900] =	vst v63  }
0x93: {  	_ =	swait.ge [sflag:s30], $0x4000  }
0x94: {  	[sflag:s30] =	ssyncset.done $0x0  }
0x95: {  	s17 =	simm.s32 $0x2800;
	[sflag:s30] =	ssyncadd.s32 $0xFFFFC000  }
0x96: {  	[spmem:s3] =	stream.indirect.scatter.add.f32 [tilespmem:s26], [sflag:$0x3], $0x80, s17, s28, $0xb8;
	[tilespmem:$0x1E900] =	vst v63  }
0x97: {  	_ =	swait.ge [sflag:s31], $0x4000  }
0x98: {  	[sflag:s31] =	ssyncset.done $0x0  }
0x99: {  	s18 =	simm.s32 $0x2880;
	[sflag:s31] =	ssyncadd.s32 $0xFFFFC000  }
0x9a: {  	[spmem:s3] =	stream.indirect.scatter.add.f32 [tilespmem:s29], [sflag:$0x4], $0x80, s18, s28, $0xb8;
	[tilespmem:$0x1E900] =	vst v63  }
0x9b: {  	_ =	swait.ge [sflag:s1], $0x4000  }
0x9c: {  	[sflag:s1] =	ssyncset.done $0x0  }
0x9d: {  	[sflag:s1] =	ssyncadd.s32 $0xFFFFC000  }
0x9e: {  	_ =	swait.ge [sflag:s16], $0x4000  }
0x9f: {  	[sflag:s16] =	ssyncset.done $0x0  }
0xa0: {  	[sflag:s16] =	ssyncadd.s32 $0xFFFFC000  }
0xa1: {  	[bflag:$0x0] =	sbarrier.arrive $0xFFFF  }
0xa2: {  	[tilespmem:s26], [sflag:$0x7] =	stream.linear.gather [spmem:s7], $0x2800, $0x38;
	[tilespmem:$0x1E900] =	vst v63  }
0xa3: {  	_ =	swait.ge [sflag:s25], $0x2800  }
0xa4: {  	[sflag:s25] =	ssyncset.done $0x0  }
0xa5: {  	s19 =	rddreg [dreg:$0x6];
	[sflag:s25] =	ssyncadd.s32 $0xFFFFD800  }
0xa6: {  	[hbm4b:s19+s4] =	stream.linear.scatter [tilespmem:s26], [sflag:$0x7], $0x2800, $0x38;
	[tilespmem:$0x1E900] =	vst v63  }
0xa7: {  	_ =	swait.ge [sflag:s25], $0x2800  }
0xa8: {  	[sflag:s25] =	ssyncset.done $0x0  }
0xa9: {  	[sflag:s25] =	ssyncadd.s32 $0xFFFFD800  }
0xaa: {  	[tilespmem:s26], [sflag:$0x7] =	stream.linear.gather [spmem:s9], $0x2800, $0x38;
	[tilespmem:$0x1E900] =	vst v63  }
0xab: {  	_ =	swait.ge [sflag:s25], $0x2800  }
0xac: {  	[sflag:s25] =	ssyncset.done $0x0  }
0xad: {  	s20 =	rddreg [dreg:$0x7];
	[sflag:s25] =	ssyncadd.s32 $0xFFFFD800  }
0xae: {  	[hbm4b:s20+s4] =	stream.linear.scatter [tilespmem:s26], [sflag:$0x7], $0x2800, $0x38;
	[tilespmem:$0x1E900] =	vst v63  }
0xaf: {  	_ =	swait.ge [sflag:s25], $0x2800  }
0xb0: {  	[sflag:s25] =	ssyncset.done $0x0  }
0xb1: {  	[sflag:s25] =	ssyncadd.s32 $0xFFFFD800  }
0xb2: {  	[tilespmem:s26], [sflag:$0x7] =	stream.linear.gather [spmem:s10], $0x2800, $0x38;
	[tilespmem:$0x1E900] =	vst v63  }
0xb3: {  	_ =	swait.ge [sflag:s25], $0x2800  }
0xb4: {  	[sflag:s25] =	ssyncset.done $0x0  }
0xb5: {  	s18 =	rddreg [dreg:$0x8];
	[sflag:s25] =	ssyncadd.s32 $0xFFFFD800  }
0xb6: {  	[hbm4b:s18+s4] =	stream.linear.scatter [tilespmem:s26], [sflag:$0x7], $0x2800, $0x38;
	[tilespmem:$0x1E900] =	vst v63  }
0xb7: {  	_ =	swait.ge [sflag:s25], $0x2800  }
0xb8: {  	[sflag:s25] =	ssyncset.done $0x0  }
0xb9: {  	[sflag:s25] =	ssyncadd.s32 $0xFFFFD800  }
0xba: {  	[tilespmem:s26], [sflag:$0x7] =	stream.linear.gather [spmem:s11], $0x2800, $0x38;
	[tilespmem:$0x1E900] =	vst v63  }
0xbb: {  	_ =	swait.ge [sflag:s25], $0x2800  }
0xbc: {  	[sflag:s25] =	ssyncset.done $0x0  }
0xbd: {  	s19 =	rddreg [dreg:$0x9];
	[sflag:s25] =	ssyncadd.s32 $0xFFFFD800  }
0xbe: {  	[hbm4b:s19+s4] =	stream.linear.scatter [tilespmem:s26], [sflag:$0x7], $0x2800, $0x38;
	[tilespmem:$0x1E900] =	vst v63  }
0xbf: {  	_ =	swait.ge [sflag:s25], $0x2800  }
0xc0: {  	[sflag:s25] =	ssyncset.done $0x0  }
0xc1: {  	[sflag:s25] =	ssyncadd.s32 $0xFFFFD800  }
0xc2: {  	[tilespmem:s26], [sflag:$0x7] =	stream.linear.gather [spmem:s12], $0x2800, $0x38;
	[tilespmem:$0x1E900] =	vst v63  }
0xc3: {  	_ =	swait.ge [sflag:s25], $0x2800  }
0xc4: {  	[sflag:s25] =	ssyncset.done $0x0  }
0xc5: {  	[sflag:s25] =	ssyncadd.s32 $0xFFFFD800  }
0xc6: {  	[hbm4b:s21+s4] =	stream.linear.scatter [tilespmem:s26], [sflag:$0x7], $0x2800, $0x38;
	[tilespmem:$0x1E900] =	vst v63  }
0xc7: {  	_ =	swait.ge [sflag:s25], $0x2800  }
0xc8: {  	[sflag:s25] =	ssyncset.done $0x0  }
0xc9: {  	[sflag:s25] =	ssyncadd.s32 $0xFFFFD800  }
0xca: {  	[tilespmem:s26], [sflag:$0x7] =	stream.linear.gather [spmem:s13], $0x2800, $0x38;
	[tilespmem:$0x1E900] =	vst v63  }
0xcb: {  	_ =	swait.ge [sflag:s25], $0x2800  }
0xcc: {  	[sflag:s25] =	ssyncset.done $0x0  }
0xcd: {  	[sflag:s25] =	ssyncadd.s32 $0xFFFFD800  }
0xce: {  	[hbm4b:s22+s4] =	stream.linear.scatter [tilespmem:s26], [sflag:$0x7], $0x2800, $0x38;
	[tilespmem:$0x1E900] =	vst v63  }
0xcf: {  	_ =	swait.ge [sflag:s25], $0x2800  }
0xd0: {  	[sflag:s25] =	ssyncset.done $0x0  }
0xd1: {  	[sflag:s25] =	ssyncadd.s32 $0xFFFFD800  }
0xd2: {  	[tilespmem:s26], [sflag:$0x7] =	stream.linear.gather [spmem:s14], $0x2800, $0x38;
	[tilespmem:$0x1E900] =	vst v63  }
0xd3: {  	_ =	swait.ge [sflag:s25], $0x2800  }
0xd4: {  	[sflag:s25] =	ssyncset.done $0x0  }
0xd5: {  	[sflag:s25] =	ssyncadd.s32 $0xFFFFD800  }
0xd6: {  	[hbm4b:s23+s4] =	stream.linear.scatter [tilespmem:s26], [sflag:$0x7], $0x2800, $0x38;
	[tilespmem:$0x1E900] =	vst v63  }
0xd7: {  	_ =	swait.ge [sflag:s25], $0x2800  }
0xd8: {  	[sflag:s25] =	ssyncset.done $0x0  }
0xd9: {  	[sflag:s25] =	ssyncadd.s32 $0xFFFFD800  }
0xda: {  	[tilespmem:s26], [sflag:$0x7] =	stream.linear.gather [spmem:s15], $0x2800, $0x38;
	[tilespmem:$0x1E900] =	vst v63  }
0xdb: {  	_ =	swait.ge [sflag:s25], $0x2800  }
0xdc: {  	[sflag:s25] =	ssyncset.done $0x0  }
0xdd: {  	[sflag:s25] =	ssyncadd.s32 $0xFFFFD800  }
0xde: {  	[hbm4b:s24+s4] =	stream.linear.scatter [tilespmem:s26], [sflag:$0x7], $0x2800, $0x38;
	[tilespmem:$0x1E900] =	vst v63  }
0xdf: {  	_ =	swait.ge [sflag:s25], $0x2800  }
0xe0: {  	s8 =	sadd.s32 $0x1, s8;
	s20 =	rddreg [dreg:$0x5]  }
0xe1: {  	p0 =	sne.s32 s8, s20  }
.Ltmp2:
0xe2: {  	_ = 	snop;
	(pc) =	sbr.rel @p0 .LBB2_1-.Ltmp2, $3  }
0xe3: {  	_ =	sdelay $0x1  }
0xe4: {  	[sflag:s25] =	ssyncset.done $0x0  }
0xe5: {  	[sflag:s25] =	ssyncadd.s32 $0xFFFFD800  }
0xe6: {  	_ =	sfence.sel $0x180000  }
0xe7: {  	[bflag:$0x0] =	sbarrier.arrive $0xFFFF  }
0xe8: {  	_ =	strace $0x9000004D  }
0xe9: {  	s0 =	stileid.u32;
	[bflag:$0x2] =	sbarrier.arrive $0xFFFF  }
0xea: {  	p0 =	sne.s32 s0, $0x0;
	s0 =	rddreg [dreg:$0x3]  }
0xeb: {  	s0 =	sadd.s32 @!p0 $0x100000, s0  }
0xec: {  	[sflag:s0] =	ssyncadd.tile.s32 @!p0 $0x1;
	_ =	shalt  }
.Lfunc_end2:
_tile_overlayer_lowered:
.L_overlay_start_2:
0xed: {  	(tag) =	ssettag $0x2  }
0xee: {  	s0 =	rddreg [dreg:$0x0];
	s2 =	stileid.u32  }
0xef: {  	s1 =	rddreg [dreg:$0x1];
	p0 =	sne.s32 s2, $0x0  }
0xf0: {  	s3 =	rddreg [dreg:$0x2];
	[bflag:$0x3] =	sbarrier.arrive $0xFFFF;
	s2 =	simm.s32 @!p0 $0x1C07  }
0xf1: {  	[timem:s3], [sflag:s2] =	dma.local @!p0 [hbm:s0], s1  }
0xf2: {  	s0 =	simm.s32 @!p0 $0x7  }
0xf3: {  	_ =	swait.ge @!p0 [sflag:s0], s1  }
0xf4: {  	s1 =	ssub.s32 @!p0 $0x0, s1;
	[sflag:s0] =	ssyncset.done @!p0 $0x0  }
0xf5: {  	[sflag:s0] =	ssyncadd.s32 @!p0 s1  }
0xf6: {  	[bflag:$0x3] =	sbarrier.arrive $0xFFFF  }
0xf7: {  	_ =	shalt  }

// kernel: kernel.8.cloned.1.call-start
scs
__scs_entry_jumppad:
0x0: {  	(pc) =	sbr.rel $0x88, $3  }
0x1: {  	(tag) =	ssettag $0x0;
	lr =	simm.s32 $0x1  }
0x2: {  	[smem:$0x3F9B] =	sst lr;
	_ =	strace $0xD0000000  }
0x3: {  	_ = 	snop  }
0x4: {  	_ = 	snop  }
0x5: {  	_ = 	snop  }
0x6: {  	_ = 	snop  }
0x7: {  	_ = 	snop  }
__scs_overlays_trampoline_lowered:
0x8: {  	[smem:$0x3FAA] =	sst s0  }
0x9: {  	[smem:$0x3FAB] =	sst s1  }
0xa: {  	[smem:$0x3FAC] =	sst s2  }
0xb: {  	[smem:$0x3FAD] =	sst s3  }
0xc: {  	[smem:$0x3FAE] =	sst s4  }
0xd: {  	[smem:$0x3FAF] =	sst s5  }
0xe: {  	[smem:$0x3FB0] =	sst s6  }
0xf: {  	[smem:$0x3FB1] =	sst s7  }
0x10: {  	[smem:$0x3FB2] =	sst s8  }
0x11: {  	[smem:$0x3FB3] =	sst s9;
	s0 =	simm.s32 @!p0 $0x0  }
0x12: {  	s1 =	sld [smem:$0x3F99];
	s0 =	simm.s32 @p0 $0x1  }
0x13: {  	[smem:$0x3FB4] =	sst s0;
	s0 =	simm.s32 @!p1 $0x0  }
0x14: {  	s2 =	sld [smem:$0x3F98];
	s0 =	simm.s32 @p1 $0x1  }
0x15: {  	[smem:$0x3FB5] =	sst s0;
	s0 =	simm.s32 @!p2 $0x0  }
0x16: {  	s3 =	sld [smem:$0x3FDB];
	s0 =	simm.s32 @p2 $0x1  }
0x17: {  	s4 =	simm.s32 $0x1BF5;
	[smem:$0x3FB7] =	sst s0  }
0x18: {  	s0 =	sld [smem:$0x3F9A];
	_ =	swait.ge [sflag:s4], $0x0  }
0x19: {  	s7 =	sld [smem:$0x3F9B]  }
0x1a: {  	s8 =	sadd.s32 $0xFFFFE003, lr  }
0x1b: {  	s9 =	sadd.s32 $0xFFFFFEF7, lr;
	s5 =	simm.s32 $0xFFFFFFFF;
	p2 =	slt.u32 s8, $0xFFFFF086  }
0x1c: {  	p1 =	slt.u32 s9, $0xF7A;
	s5 =	simm.s32 @!p2 $0x0  }
0x1d: {  	s5 =	simm.s32 @p1 $0x1;
	p0 =	seq.s32 s7, s2  }
0x1e: {  	s7 =	smul.u32 @!p0 $0xF7A, s2;
	p2 =	seq.s32 @!p0 s5, $0x0  }
0x1f: {  	s9 =	smul.u32 $0xF7A, s1;
	s8 =	simm.s32 @!p0 $0x1BF5;
	p2 =	por !p2, p0  }
0x20: {  	[sflag:s8] =	ssyncset.s32 @!p0 $0xFFFFF086;
	s6 =	sadd.s32 @!p0 s3, s7;
	s7 =	simm.s32 @!p0 $0x108  }
0x21: {  	s3 =	sadd.s32 s3, s9;
	s6 =	sadd.s32 @!p0 $0x88, s6;
	s7 =	simm.s32 @p2 $0x1082  }
0x22: {  	[simem:s7], [sflag:s8] =	dma.local @!p0 [hbm:s6], $0xF7A  }
0x23: {  	s9 =	sor.u32 $0xD0000000, s2;
	s6 =	simm.s32 $0x108;
	_ =	swait.ge @!p0 [sflag:s8], $0x0  }
0x24: {  	s3 =	sadd.s32 $0x88, s3;
	s6 =	simm.s32 @!p1 $0x1082;
	[sflag:s4] =	ssyncset.s32 $0xFFFFF086  }
0x25: {  	[simem:s6], [sflag:s4] =	dma.local [hbm:s3], $0xF7A  }
0x26: {  	[smem:$0x3F9B] =	sst s1;
	(tag) =	ssettag s2;
	_ =	strace s9  }
0x27: {  	s1 =	sld [smem:$0x3FAB]  }
0x28: {  	s2 =	sld [smem:$0x3FAC]  }
0x29: {  	s4 =	sld [smem:$0x3FAE]  }
0x2a: {  	p0 =	seq.s32 s5, $0x0;
	s5 =	sld [smem:$0x3FAF]  }
0x2b: {  	s6 =	sld [smem:$0x3FB0]  }
0x2c: {  	s7 =	sld [smem:$0x3FB1]  }
0x2d: {  	s3 =	simm.s32 $0x108;
	s8 =	sld [smem:$0x3FB2]  }
0x2e: {  	s3 =	simm.s32 @!p0 $0x1082;
	s9 =	sld [smem:$0x3FB3]  }
0x2f: {  	lr =	sadd.s32 s0, s3;
	s0 =	sld [smem:$0x3FAA]  }
0x30: {  	s3 =	sld [smem:$0x3FAD]  }
0x31: {  	[smem:$0x3FB6] =	sst s10  }
0x32: {  	s10 =	sld [smem:$0x3FB4];
	_ =	sdelay $0x3  }
0x33: {  	p0 =	seq.s32 s10, $0x1;
	s10 =	sld [smem:$0x3FB6];
	_ =	sdelay $0x3  }
0x34: {  	[smem:$0x3FB6] =	sst s10  }
0x35: {  	s10 =	sld [smem:$0x3FB5];
	_ =	sdelay $0x3  }
0x36: {  	p1 =	seq.s32 s10, $0x1;
	s10 =	sld [smem:$0x3FB6];
	_ =	sdelay $0x3  }
0x37: {  	[smem:$0x3FB6] =	sst s10  }
0x38: {  	s10 =	sld [smem:$0x3FB7]  }
0x39: {  	_ = 	snop;
	(pc) =	sbr.ind lr, $3  }
0x3a: {  	_ = 	snop  }
0x3b: {  	_ = 	snop  }
0x3c: {  	p2 =	seq.s32 s10, $0x1;
	s10 =	sld [smem:$0x3FB6]  }
0x3d: {  	_ =	shalt  }
0x3e: {  	_ =	shalt  }
0x3f: {  	_ =	shalt  }
0x40: {  	_ =	shalt  }
0x41: {  	_ =	shalt  }
0x42: {  	_ =	shalt  }
0x43: {  	_ =	shalt  }
0x44: {  	_ =	shalt  }
0x45: {  	_ =	shalt  }
0x46: {  	_ =	shalt  }
0x47: {  	_ =	shalt  }
0x48: {  	_ =	shalt  }
0x49: {  	_ =	shalt  }
0x4a: {  	_ =	shalt  }
0x4b: {  	_ =	shalt  }
0x4c: {  	_ =	shalt  }
0x4d: {  	_ =	shalt  }
0x4e: {  	_ =	shalt  }
0x4f: {  	_ =	shalt  }
0x50: {  	_ =	shalt  }
0x51: {  	_ =	shalt  }
0x52: {  	_ =	shalt  }
0x53: {  	_ =	shalt  }
0x54: {  	_ =	shalt  }
0x55: {  	_ =	shalt  }
0x56: {  	_ =	shalt  }
0x57: {  	_ =	shalt  }
0x58: {  	_ =	shalt  }
0x59: {  	_ =	shalt  }
0x5a: {  	_ =	shalt  }
0x5b: {  	_ =	shalt  }
0x5c: {  	_ =	shalt  }
0x5d: {  	_ =	shalt  }
0x5e: {  	_ =	shalt  }
0x5f: {  	_ =	shalt  }
0x60: {  	_ =	shalt  }
0x61: {  	_ =	shalt  }
0x62: {  	_ =	shalt  }
0x63: {  	_ =	shalt  }
0x64: {  	_ =	shalt  }
0x65: {  	_ =	shalt  }
0x66: {  	_ =	shalt  }
0x67: {  	_ =	shalt  }
0x68: {  	_ =	shalt  }
0x69: {  	_ =	shalt  }
0x6a: {  	_ =	shalt  }
0x6b: {  	_ =	shalt  }
0x6c: {  	_ =	shalt  }
0x6d: {  	_ =	shalt  }
0x6e: {  	_ =	shalt  }
0x6f: {  	_ =	shalt  }
0x70: {  	_ =	shalt  }
0x71: {  	_ =	shalt  }
0x72: {  	_ =	shalt  }
0x73: {  	_ =	shalt  }
0x74: {  	_ =	shalt  }
0x75: {  	_ =	shalt  }
0x76: {  	_ =	shalt  }
0x77: {  	_ =	shalt  }
0x78: {  	_ =	shalt  }
0x79: {  	_ =	shalt  }
0x7a: {  	_ =	shalt  }
0x7b: {  	_ =	shalt  }
0x7c: {  	_ =	shalt  }
0x7d: {  	_ =	shalt  }
0x7e: {  	_ =	shalt  }
0x7f: {  	_ =	shalt  }
0x80: {  	_ =	shalt  }
0x81: {  	_ =	shalt  }
0x82: {  	_ =	shalt  }
0x83: {  	_ =	shalt  }
0x84: {  	_ =	shalt  }
0x85: {  	_ =	shalt  }
0x86: {  	_ =	shalt  }
0x87: {  	_ =	shalt  }
.Lfunc_end0:
.L_simem_size_0:
called_computation_lowered:
.L_overlay_start_0:
0x88: {  	s2 =	sld [smem:$0x3FD9]  }
0x89: {  	s3 =	sld [smem:$0x3FFE];
	_ =	sdelay $0x1  }
0x8a: {  	s1 =	srdreg.scid  }
0x8b: {  	s0 =	sand.u32 $0x1, s1  }
0x8c: {  	s16 =	sshll.u32 s0, $0xA;
	s2 =	sadd.s32 s3, s2  }
0x8d: {  	s2 =	sadd.s32 s2, s16  }
0x8e: {  	[smem:$0x3FC2] =	sst s2  }
0x8f: {  	_ = 	snop  }
0x90: {  	(tm) =	ssettm $0x1  }
0x91: {  	s17 =	sld [smem:$0x3FFB];
	_ =	sdelay $0x3  }
0x92: {  	_ =	strace s17  }
0x93: {  	s2 =	sld [smem:$0x3FFC];
	_ =	sdelay $0x3  }
0x94: {  	_ =	strace s2  }
0x95: {  	s2 =	sld [smem:$0x3FFD];
	_ =	sdelay $0x3  }
0x96: {  	_ =	strace s2  }
0x97: {  	_ =	strace $0x8FFFFFFF  }
0x98: {  	s18 =	sld [smem:$0x3FDB];
	_ =	sdelay $0x1  }
0x99: {  	s19 =	simm.s32 $_scs_section_size  }
0x9a: {  	s4 =	simm.s32 $_size__tile_overlayer_lowered;
	s5 =	simm.s32 $_tile_overlayer_lowered  }
0x9b: {  	s22 =	simm.s32 $0x1BFF;
	s21 =	sshll.u32 s5, $0x1;
	s2 =	sadd.s32 s19, s18  }
0x9c: {  	s6 =	simm.s32 $0x0;
	s20 =	sshll.u32 s4, $0x1;
	s4 =	sadd.s32 s21, s2  }
0x9d: {  	[timem:s6], [sflag:s22] =	dma.local [hbm:s4], s20  }
0x9e: {  	_ =	swait.ge [sflag:s22], s20  }
0x9f: {  	s3 =	ssub.s32 $0x0, s20;
	[sflag:s22] =	ssyncset.done $0x0  }
0xa0: {  	[sflag:s22] =	ssyncadd.s32 s3;
	_ =	sdelay $0x1  }
0xa1: {  	s23 =	simm.s32 $0x1B8B  }
0xa2: {  	_ =	swait.ge [sflag:s23], $0x1  }
0xa3: {  	[sflag:s23] =	ssyncset.done $0x0  }
0xa4: {  	s25 =	simm.s32 $0x1B8E;
	s24 =	sld [smem:$0x3FFE];
	[sflag:s23] =	ssyncadd.s32 $0xFFFFFFFF  }
0xa5: {  	s26 =	simm.s32 $execute0_lowered;
	[smem:$0x3FD2] =	sst s25  }
0xa6: {  	s4 =	sshll.u32 s26, $0x1;
	_ =	strace $0x80000046;
	[dreg:$0x1] =	wrdreg $0xFFFFFFFF  }
0xa7: {  	s28 =	simm.s32 $_size_execute0_lowered;
	s2 =	sadd.s32 s2, s4;
	[dreg:$0x0] =	wrdreg $0x0  }
0xa8: {  	s4 =	sshll.u32 s28, $0x1;
	[dreg:$0x2] =	wrdreg s2  }
0xa9: {  	[dreg:$0x3] =	wrdreg s4  }
0xaa: {  	[dreg:$0x4] =	wrdreg $0xC0  }
0xab: {  	_ =	task [dreg:s6], $0x5FFFF  }
0xac: {  	[dreg:$0x1] =	wrdreg $0xFFFFFFFF  }
0xad: {  	[dreg:$0x0] =	wrdreg $0x60  }
0xae: {  	[dreg:$0x2] =	wrdreg s24  }
0xaf: {  	[dreg:$0x3] =	wrdreg $0x68000  }
0xb0: {  	[dreg:$0x4] =	wrdreg $0x9  }
0xb1: {  	_ =	task.clear_ibuf [dreg:s6], $0x5FFFF;
	_ =	strace $0x90000046  }
0xb2: {  	s29 =	simm.s32 $0x9;
	_ =	strace $0x80000048  }
0xb3: {  	_ =	swait.ge [sflag:s29], $0x1  }
0xb4: {  	[sflag:s29] =	ssyncadd.s32 $0xFFFFFFFF  }
0xb5: {  	_ =	strace $0x90000048  }
0xb6: {  	_ =	sfence  }
0xb7: {  	s30 =	sld [smem:$0x0];
	_ =	sdelay $0x2  }
0xb8: {  	s31 =	sshll.u32 s1, $0xD;
	s1 =	sshrl.u32 s1, $0x2  }
0xb9: {  	s3 =	sand.u32 $0x4000, s31;
	s1 =	sadd.s32 s1, s30  }
0xba: {  	s0 =	sor.u32 s3, s0;
	s1 =	sshll.u32 s1, $0x11  }
0xbb: {  	s0 =	sor.u32 s1, s0  }
0xbc: {  	s0 =	sadd.s32 $0x8F2B, s0  }
0xbd: {  	[sflag:s0] =	ssyncadd.remote.s32 $0x1  }
0xbe: {  	_ =	sfence.sel $0xFFFF  }
0xbf: {  	[dreg:$0x0] =	wrdreg $0xFFFFFFFF;
	(pc) =	sbr.abs _section_cstart, $3  }
0xc0: {  	[dreg:$0x1] =	wrdreg $0xFFFFFFFF  }
0xc1: {  	_ =	task.clear_ibuf [dreg:s6], $0x2FFFF;
	_ =	strace $0x9FFFFFFF  }
0xc2: {  	(tm) =	ssettm $0x7FFFFFFF  }
0xc3: {  	_ =	shalt  }
tec
execute0_lowered:
.L_overlay_start_1:
0x0: {  	(tag) =	ssettag $0x1  }
0x1: {  	s0 =	srdreg.scid  }
0x2: {  	s5 =	rddreg [dreg:$0x0];
	s4 =	sand.u32 $0x1, s0  }
0x3: {  	s0 =	stileid.u32;
	s7 =	smul.u32 $0x28000, s4  }
0x4: {  	s2 =	rddreg [dreg:$0x1];
	s3 =	simm.s32 $0x0;
	s11 =	smul.u32 $0x280, s0  }
0x5: {  	[smem:$0x7FF] =	sst s3;
	s1 =	sshll.u32 s4, $0x4;
	s9 =	smul.u32 $0x50000, s0  }
0x6: {  	s4 =	ssub.s32 $0x2, s4;
	s21 =	smul.u32 $0x2800, s0;
	s1 =	sor.u32 s0, s1  }
0x7: {  	s8 =	sshrl.u32 s4, $0x1;
	s6 =	smul.u32 $0x500, s1;
	s1 =	rddreg [dreg:$0x2]  }
0x8: {  	_ =	strace $0x80000047;
	s23 =	ssub.s32 s4, s8;
	s25 =	sshrl.u32 s9, $0x2  }
0x9: {  	s14 =	sor.u32 $0x50, s11;
	s15 =	sadd.s32 $0xA0, s11;
	s16 =	sadd.s32 $0xF0, s11  }
0xa: {  	s17 =	sadd.s32 $0x140, s11;
	s18 =	sadd.s32 $0x190, s11;
	s19 =	sadd.s32 $0x1E0, s11  }
0xb: {  	s20 =	sadd.s32 $0x230, s11;
	s26 =	sshll.u32 s14, $0x7;
	s29 =	sshll.u32 s15, $0x7  }
0xc: {  	s30 =	sshll.u32 s16, $0x7;
	s10 =	sshll.u32 s17, $0x7;
	s12 =	sshll.u32 s18, $0x7  }
0xd: {  	s31 =	sshll.u32 s19, $0x7;
	s13 =	sshll.u32 s20, $0x7;
	s22 =	sshll.u32 s14, $0x4  }
0xe: {  	s28 =	sshll.u32 s18, $0x4;
	s14 =	simm.s32 $0x3;
	s6 =	sadd.s32 s6, s5  }
0xf: {  	s5 =	sadd.s32 s7, s5;
	s7 =	sadd.s32 s26, s2;
	s8 =	sadd.s32 s29, s2  }
0x10: {  	s9 =	sadd.s32 s30, s2;
	s10 =	sadd.s32 s10, s2;
	s11 =	sadd.s32 s12, s2  }
0x11: {  	s12 =	sadd.s32 s31, s2;
	s13 =	sadd.s32 s13, s2;
	s26 =	sshll.u32 s17, $0x4  }
0x12: {  	s29 =	sshll.u32 s19, $0x4;
	s30 =	sshll.u32 s20, $0x4;
	s4 =	sadd.s32 $0x2A00, s6  }
0x13: {  	s24 =	sadd.s32 $0xCA00, s5;
	s5 =	sadd.s32 s25, s2;
	s6 =	smax.u32 s23, $0x1  }
0x14: {  	s23 =	sshll.u32 s15, $0x4;
	s25 =	sshll.u32 s16, $0x4;
	s15 =	simm.s32 $0x2800  }
0x15: {  	s16 =	simm.s32 $0x80;
	s17 =	sadd.s32 s21, s24;
	s18 =	sadd.s32 s22, s24  }
0x16: {  	s19 =	sadd.s32 s23, s24;
	s20 =	sadd.s32 s25, s24;
	s21 =	sadd.s32 s26, s24  }
0x17: {  	s22 =	sadd.s32 s28, s24;
	s23 =	sadd.s32 s29, s24;
	s24 =	sadd.s32 s30, s24  }
0x18: {  	v0 =	vimm.f32 $0.0e+00;
	v1 =	vimm.f32 $1.000000000e+00;
	s25 =	simm.s32 $0x1;
	s26 =	simm.s32 $0x2;
	s28 =	simm.s32 $0x0  }
.LBB2_1:
0x19: {  	[tilespmem:s3], [sflag:$0x3] =	stream.linear.gather [hbm4b:s4+s3], $0x2800, $0x38;
	[tilespmem:$0x1A800] =	vst v63  }
0x1a: {  	_ =	swait.ge [sflag:s14], $0x2800  }
0x1b: {  	[sflag:s14] =	ssyncset.done $0x0  }
0x1c: {  	s29 =	simm.s32 $0x0;
	s30 =	simm.s32 $0x200;
	[sflag:s14] =	ssyncadd.s32 $0xFFFFD800  }
.LBB2_2:
0x1d: {  	p0 =	sne.s32 s30, $0x9E00;
	[tilespmem:s29+$0x2870] =	vst v0  }
0x1e: {  	[tilespmem:s29+$0x2800] =	vst v0  }
0x1f: {  	[tilespmem:s29+$0x2810] =	vst v0  }
.Ltmp0:
0x20: {  	[tilespmem:s29+$0x2820] =	vst v0;
	(pc) =	sbr.rel @p0 .LBB2_2-.Ltmp0, $4  }
0x21: {  	[tilespmem:s29+$0x2830] =	vst v0  }
0x22: {  	[tilespmem:s29+$0x2840] =	vst v0  }
0x23: {  	[tilespmem:s29+$0x2850] =	vst v0  }
0x24: {  	[tilespmem:s29+$0x2860] =	vst v0;
	s29 =	sshra.s32 s30, $0x2;
	s30 =	sadd.s32 $0x200, s30  }
0x25: {  	[tilespmem:s29+$0x2870] =	vst v0  }
0x26: {  	[tilespmem:s29+$0x2800] =	vst v0  }
0x27: {  	[tilespmem:s29+$0x2810] =	vst v0  }
0x28: {  	[tilespmem:s29+$0x2820] =	vst v0  }
0x29: {  	[tilespmem:s29+$0x2830] =	vst v0  }
0x2a: {  	[tilespmem:s29+$0x2840] =	vst v0  }
0x2b: {  	[tilespmem:s29+$0x2850] =	vst v0  }
0x2c: {  	[tilespmem:s29+$0x2860] =	vst v0  }
0x2d: {  	[spmem:s5] =	stream.linear.scatter [tilespmem:s15], [sflag:$0x3], $0x2800, $0x38;
	[tilespmem:$0x1A800] =	vst v63  }
0x2e: {  	_ =	swait.ge [sflag:s14], $0x2800  }
0x2f: {  	[sflag:s14] =	ssyncset.done $0x0  }
0x30: {  	[sflag:s14] =	ssyncadd.s32 $0xFFFFD800  }
0x31: {  	[spmem:s7] =	stream.linear.scatter [tilespmem:s15], [sflag:$0x3], $0x2800, $0x38;
	[tilespmem:$0x1A800] =	vst v63  }
0x32: {  	_ =	swait.ge [sflag:s14], $0x2800  }
0x33: {  	[sflag:s14] =	ssyncset.done $0x0  }
0x34: {  	[sflag:s14] =	ssyncadd.s32 $0xFFFFD800  }
0x35: {  	[spmem:s8] =	stream.linear.scatter [tilespmem:s15], [sflag:$0x3], $0x2800, $0x38;
	[tilespmem:$0x1A800] =	vst v63  }
0x36: {  	_ =	swait.ge [sflag:s14], $0x2800  }
0x37: {  	[sflag:s14] =	ssyncset.done $0x0  }
0x38: {  	[sflag:s14] =	ssyncadd.s32 $0xFFFFD800  }
0x39: {  	[spmem:s9] =	stream.linear.scatter [tilespmem:s15], [sflag:$0x3], $0x2800, $0x38;
	[tilespmem:$0x1A800] =	vst v63  }
0x3a: {  	_ =	swait.ge [sflag:s14], $0x2800  }
0x3b: {  	[sflag:s14] =	ssyncset.done $0x0  }
0x3c: {  	[sflag:s14] =	ssyncadd.s32 $0xFFFFD800  }
0x3d: {  	[spmem:s10] =	stream.linear.scatter [tilespmem:s15], [sflag:$0x3], $0x2800, $0x38;
	[tilespmem:$0x1A800] =	vst v63  }
0x3e: {  	_ =	swait.ge [sflag:s14], $0x2800  }
0x3f: {  	[sflag:s14] =	ssyncset.done $0x0  }
0x40: {  	[sflag:s14] =	ssyncadd.s32 $0xFFFFD800  }
0x41: {  	[spmem:s11] =	stream.linear.scatter [tilespmem:s15], [sflag:$0x3], $0x2800, $0x38;
	[tilespmem:$0x1A800] =	vst v63  }
0x42: {  	_ =	swait.ge [sflag:s14], $0x2800  }
0x43: {  	[sflag:s14] =	ssyncset.done $0x0  }
0x44: {  	[sflag:s14] =	ssyncadd.s32 $0xFFFFD800  }
0x45: {  	[spmem:s12] =	stream.linear.scatter [tilespmem:s15], [sflag:$0x3], $0x2800, $0x38;
	[tilespmem:$0x1A800] =	vst v63  }
0x46: {  	_ =	swait.ge [sflag:s14], $0x2800  }
0x47: {  	[sflag:s14] =	ssyncset.done $0x0  }
0x48: {  	[sflag:s14] =	ssyncadd.s32 $0xFFFFD800  }
0x49: {  	[spmem:s13] =	stream.linear.scatter [tilespmem:s15], [sflag:$0x3], $0x2800, $0x38;
	[tilespmem:$0x1A800] =	vst v63  }
0x4a: {  	_ =	swait.ge [sflag:s14], $0x2800  }
0x4b: {  	[sflag:s14] =	ssyncset.done $0x0  }
0x4c: {  	[sflag:s14] =	ssyncadd.s32 $0xFFFFD800  }
0x4d: {  	s29 =	simm.s32 $0x0;
	s30 =	simm.s32 $0x200;
	[bflag:$0x0] =	sbarrier.arrive $0xFFFF  }
.LBB2_4:
0x4e: {  	p0 =	sne.s32 s30, $0xFE00;
	[tilespmem:s29+$0x2870] =	vst v1  }
0x4f: {  	[tilespmem:s29+$0x2800] =	vst v1  }
0x50: {  	[tilespmem:s29+$0x2810] =	vst v1  }
.Ltmp1:
0x51: {  	[tilespmem:s29+$0x2820] =	vst v1;
	(pc) =	sbr.rel @p0 .LBB2_4-.Ltmp1, $4  }
0x52: {  	[tilespmem:s29+$0x2830] =	vst v1  }
0x53: {  	[tilespmem:s29+$0x2840] =	vst v1  }
0x54: {  	[tilespmem:s29+$0x2850] =	vst v1  }
0x55: {  	[tilespmem:s29+$0x2860] =	vst v1;
	s29 =	sshra.s32 s30, $0x2;
	s30 =	sadd.s32 $0x200, s30  }
0x56: {  	[tilespmem:s29+$0x2870] =	vst v1  }
0x57: {  	[tilespmem:s29+$0x2800] =	vst v1  }
0x58: {  	[tilespmem:s29+$0x2810] =	vst v1  }
0x59: {  	[tilespmem:s29+$0x2820] =	vst v1  }
0x5a: {  	[tilespmem:s29+$0x2830] =	vst v1  }
0x5b: {  	[tilespmem:s29+$0x2840] =	vst v1  }
0x5c: {  	[tilespmem:s29+$0x2850] =	vst v1  }
0x5d: {  	[tilespmem:s29+$0x2860] =	vst v1  }
0x5e: {  	[spmem:s2] =	stream.indirect.scatter.add.f32 [tilespmem:s15], [sflag:$0x1], $0x80, s3, s16, $0xb8;
	[tilespmem:$0x1A800] =	vst v63  }
0x5f: {  	_ = 	snop  }
0x60: {  	[spmem:s2] =	stream.indirect.scatter.add.f32 [tilespmem:s15], [sflag:$0x2], $0x80, s16, s16, $0xb8;
	[tilespmem:$0x1A800] =	vst v63  }
0x61: {  	_ =	swait.ge [sflag:s25], $0x4000  }
0x62: {  	[sflag:s25] =	ssyncset.done $0x0  }
0x63: {  	s29 =	simm.s32 $0x100;
	[sflag:s25] =	ssyncadd.s32 $0xFFFFC000  }
0x64: {  	[spmem:s2] =	stream.indirect.scatter.add.f32 [tilespmem:s15], [sflag:$0x1], $0x80, s29, s16, $0xb8;
	[tilespmem:$0x1A800] =	vst v63  }
0x65: {  	_ =	swait.ge [sflag:s26], $0x4000  }
0x66: {  	[sflag:s26] =	ssyncset.done $0x0  }
0x67: {  	s30 =	simm.s32 $0x180;
	s29 =	simm.s32 $0xFFFF6800;
	[sflag:s26] =	ssyncadd.s32 $0xFFFFC000  }
.LBB2_6:
0x68: {  	[spmem:s2] =	stream.indirect.scatter.add.f32 [tilespmem:s15], [sflag:$0x2], $0x80, s30, s16, $0xb8;
	[tilespmem:$0x1A800] =	vst v63  }
0x69: {  	s30 =	smov.u32 s29  }
0x6a: {  	p0 =	sne.s32 s29, $0xFFFFFC00;
	s29 =	sadd.s32 $0x400, s29;
	_ =	swait.ge [sflag:s25], $0x4000  }
0x6b: {  	s30 =	sshra.s32 s30, $0x2;
	[sflag:s25] =	ssyncset.done $0x0  }
.Ltmp2:
0x6c: {  	s31 =	sadd.s32 $0x2800, s30;
	[sflag:s25] =	ssyncadd.s32 $0xFFFFC000;
	(pc) =	sbr.rel @p0 .LBB2_6-.Ltmp2, $4  }
0x6d: {  	[spmem:s2] =	stream.indirect.scatter.add.f32 [tilespmem:s15], [sflag:$0x1], $0x80, s31, s16, $0xb8;
	[tilespmem:$0x1A800] =	vst v63  }
0x6e: {  	_ =	swait.ge [sflag:s26], $0x4000  }
0x6f: {  	[sflag:s26] =	ssyncset.done $0x0  }
0x70: {  	s30 =	sadd.s32 $0x2880, s30;
	[sflag:s26] =	ssyncadd.s32 $0xFFFFC000  }
0x71: {  	[spmem:s2] =	stream.indirect.scatter.add.f32 [tilespmem:s15], [sflag:$0x2], $0x80, s30, s16, $0xb8;
	[tilespmem:$0x1A800] =	vst v63  }
0x72: {  	_ =	swait.ge [sflag:s25], $0x4000  }
0x73: {  	[sflag:s25] =	ssyncset.done $0x0  }
0x74: {  	[sflag:s25] =	ssyncadd.s32 $0xFFFFC000  }
0x75: {  	_ =	swait.ge [sflag:s26], $0x4000  }
0x76: {  	[sflag:s26] =	ssyncset.done $0x0  }
0x77: {  	[sflag:s26] =	ssyncadd.s32 $0xFFFFC000  }
0x78: {  	[bflag:$0x0] =	sbarrier.arrive $0xFFFF  }
0x79: {  	[tilespmem:s15], [sflag:$0x3] =	stream.linear.gather [spmem:s5], $0x2800, $0x38;
	[tilespmem:$0x1A800] =	vst v63  }
0x7a: {  	_ =	swait.ge [sflag:s14], $0x2800  }
0x7b: {  	[sflag:s14] =	ssyncset.done $0x0  }
0x7c: {  	[sflag:s14] =	ssyncadd.s32 $0xFFFFD800  }
0x7d: {  	[hbm4b:s17+s3] =	stream.linear.scatter [tilespmem:s15], [sflag:$0x3], $0x2800, $0x38;
	[tilespmem:$0x1A800] =	vst v63  }
0x7e: {  	_ =	swait.ge [sflag:s14], $0x2800  }
0x7f: {  	[sflag:s14] =	ssyncset.done $0x0  }
0x80: {  	[sflag:s14] =	ssyncadd.s32 $0xFFFFD800  }
0x81: {  	[tilespmem:s15], [sflag:$0x3] =	stream.linear.gather [spmem:s7], $0x2800, $0x38;
	[tilespmem:$0x1A800] =	vst v63  }
0x82: {  	_ =	swait.ge [sflag:s14], $0x2800  }
0x83: {  	[sflag:s14] =	ssyncset.done $0x0  }
0x84: {  	[sflag:s14] =	ssyncadd.s32 $0xFFFFD800  }
0x85: {  	[hbm4b:s18+s3] =	stream.linear.scatter [tilespmem:s15], [sflag:$0x3], $0x2800, $0x38;
	[tilespmem:$0x1A800] =	vst v63  }
0x86: {  	_ =	swait.ge [sflag:s14], $0x2800  }
0x87: {  	[sflag:s14] =	ssyncset.done $0x0  }
0x88: {  	[sflag:s14] =	ssyncadd.s32 $0xFFFFD800  }
0x89: {  	[tilespmem:s15], [sflag:$0x3] =	stream.linear.gather [spmem:s8], $0x2800, $0x38;
	[tilespmem:$0x1A800] =	vst v63  }
0x8a: {  	_ =	swait.ge [sflag:s14], $0x2800  }
0x8b: {  	[sflag:s14] =	ssyncset.done $0x0  }
0x8c: {  	[sflag:s14] =	ssyncadd.s32 $0xFFFFD800  }
0x8d: {  	[hbm4b:s19+s3] =	stream.linear.scatter [tilespmem:s15], [sflag:$0x3], $0x2800, $0x38;
	[tilespmem:$0x1A800] =	vst v63  }
0x8e: {  	_ =	swait.ge [sflag:s14], $0x2800  }
0x8f: {  	[sflag:s14] =	ssyncset.done $0x0  }
0x90: {  	[sflag:s14] =	ssyncadd.s32 $0xFFFFD800  }
0x91: {  	[tilespmem:s15], [sflag:$0x3] =	stream.linear.gather [spmem:s9], $0x2800, $0x38;
	[tilespmem:$0x1A800] =	vst v63  }
0x92: {  	_ =	swait.ge [sflag:s14], $0x2800  }
0x93: {  	[sflag:s14] =	ssyncset.done $0x0  }
0x94: {  	[sflag:s14] =	ssyncadd.s32 $0xFFFFD800  }
0x95: {  	[hbm4b:s20+s3] =	stream.linear.scatter [tilespmem:s15], [sflag:$0x3], $0x2800, $0x38;
	[tilespmem:$0x1A800] =	vst v63  }
0x96: {  	_ =	swait.ge [sflag:s14], $0x2800  }
0x97: {  	[sflag:s14] =	ssyncset.done $0x0  }
0x98: {  	[sflag:s14] =	ssyncadd.s32 $0xFFFFD800  }
0x99: {  	[tilespmem:s15], [sflag:$0x3] =	stream.linear.gather [spmem:s10], $0x2800, $0x38;
	[tilespmem:$0x1A800] =	vst v63  }
0x9a: {  	_ =	swait.ge [sflag:s14], $0x2800  }
0x9b: {  	[sflag:s14] =	ssyncset.done $0x0  }
0x9c: {  	[sflag:s14] =	ssyncadd.s32 $0xFFFFD800  }
0x9d: {  	[hbm4b:s21+s3] =	stream.linear.scatter [tilespmem:s15], [sflag:$0x3], $0x2800, $0x38;
	[tilespmem:$0x1A800] =	vst v63  }
0x9e: {  	_ =	swait.ge [sflag:s14], $0x2800  }
0x9f: {  	[sflag:s14] =	ssyncset.done $0x0  }
0xa0: {  	[sflag:s14] =	ssyncadd.s32 $0xFFFFD800  }
0xa1: {  	[tilespmem:s15], [sflag:$0x3] =	stream.linear.gather [spmem:s11], $0x2800, $0x38;
	[tilespmem:$0x1A800] =	vst v63  }
0xa2: {  	_ =	swait.ge [sflag:s14], $0x2800  }
0xa3: {  	[sflag:s14] =	ssyncset.done $0x0  }
0xa4: {  	[sflag:s14] =	ssyncadd.s32 $0xFFFFD800  }
0xa5: {  	[hbm4b:s22+s3] =	stream.linear.scatter [tilespmem:s15], [sflag:$0x3], $0x2800, $0x38;
	[tilespmem:$0x1A800] =	vst v63  }
0xa6: {  	_ =	swait.ge [sflag:s14], $0x2800  }
0xa7: {  	[sflag:s14] =	ssyncset.done $0x0  }
0xa8: {  	[sflag:s14] =	ssyncadd.s32 $0xFFFFD800  }
0xa9: {  	[tilespmem:s15], [sflag:$0x3] =	stream.linear.gather [spmem:s12], $0x2800, $0x38;
	[tilespmem:$0x1A800] =	vst v63  }
0xaa: {  	_ =	swait.ge [sflag:s14], $0x2800  }
0xab: {  	[sflag:s14] =	ssyncset.done $0x0  }
0xac: {  	[sflag:s14] =	ssyncadd.s32 $0xFFFFD800  }
0xad: {  	[hbm4b:s23+s3] =	stream.linear.scatter [tilespmem:s15], [sflag:$0x3], $0x2800, $0x38;
	[tilespmem:$0x1A800] =	vst v63  }
0xae: {  	_ =	swait.ge [sflag:s14], $0x2800  }
0xaf: {  	[sflag:s14] =	ssyncset.done $0x0  }
0xb0: {  	[sflag:s14] =	ssyncadd.s32 $0xFFFFD800  }
0xb1: {  	[tilespmem:s15], [sflag:$0x3] =	stream.linear.gather [spmem:s13], $0x2800, $0x38;
	[tilespmem:$0x1A800] =	vst v63  }
0xb2: {  	s28 =	sadd.s32 $0x1, s28;
	_ =	swait.ge [sflag:s14], $0x2800  }
0xb3: {  	p0 =	sne.s32 s28, s6;
	[sflag:s14] =	ssyncset.done $0x0  }
.Ltmp3:
0xb4: {  	[sflag:s14] =	ssyncadd.s32 $0xFFFFD800;
	(pc) =	sbr.rel @p0 .LBB2_1-.Ltmp3, $4  }
0xb5: {  	[hbm4b:s24+s3] =	stream.linear.scatter [tilespmem:s15], [sflag:$0x3], $0x2800, $0x38;
	[tilespmem:$0x1A800] =	vst v63  }
0xb6: {  	_ =	swait.ge [sflag:s14], $0x2800  }
0xb7: {  	[sflag:s14] =	ssyncset.done $0x0  }
0xb8: {  	[sflag:s14] =	ssyncadd.s32 $0xFFFFD800  }
0xb9: {  	_ =	sfence.sel $0x180000  }
0xba: {  	[bflag:$0x0] =	sbarrier.arrive $0xFFFF  }
0xbb: {  	p0 =	sne.s32 s0, $0x0;
	_ =	strace $0x90000047  }
0xbc: {  	s0 =	sadd.s32 @!p0 $0x100000, s1;
	[bflag:$0x2] =	sbarrier.arrive $0xFFFF  }
0xbd: {  	[sflag:s0] =	ssyncadd.tile.s32 @!p0 $0x1;
	_ =	shalt  }
.Lfunc_end2:
_tile_overlayer_lowered:
.L_overlay_start_2:
0xbe: {  	(tag) =	ssettag $0x2  }
0xbf: {  	s0 =	rddreg [dreg:$0x0];
	s2 =	stileid.u32  }
0xc0: {  	s1 =	rddreg [dreg:$0x1];
	p0 =	sne.s32 s2, $0x0  }
0xc1: {  	s3 =	rddreg [dreg:$0x2];
	[bflag:$0x3] =	sbarrier.arrive $0xFFFF;
	s2 =	simm.s32 @!p0 $0x1C03  }
0xc2: {  	[timem:s3], [sflag:s2] =	dma.local @!p0 [hbm:s0], s1  }
0xc3: {  	s0 =	simm.s32 @!p0 $0x3  }
0xc4: {  	_ =	swait.ge @!p0 [sflag:s0], s1  }
0xc5: {  	s1 =	ssub.s32 @!p0 $0x0, s1;
	[sflag:s0] =	ssyncset.done @!p0 $0x0  }
0xc6: {  	[sflag:s0] =	ssyncadd.s32 @!p0 s1  }
0xc7: {  	[bflag:$0x3] =	sbarrier.arrive $0xFFFF  }
0xc8: {  	_ =	shalt  }

</sc_bundles>
